<compile_context>
chip_gen: v7x
topology: tpu7x:2x2x1
jax: 0.10.2.dev20260603
libtpu: 0.0.44.dev20260713+nightly
codegen_flags: <defaults>
</compile_context>

<pallas_src>
import functools

import jax
import jax.numpy as jnp
from jax import lax
from jax.experimental import pallas as pl
from jax.experimental.pallas import tpu as pltpu
from jax.experimental.pallas import tpu_sc as plsc

EN = 320000
NN = 10000
DD = 128
NC = 2
NS = 16
NW = NC * NS
CHUNK = EN // NW
CHUNK_A = EN // NS
CAPV = 32
NV = NS * CAPV
CAPVB = NV // NW
P0SLOT = NV
VP = NV + 128
CAPR = 128
RTOT = NW * CAPR
NPAD = 10240
GC = 64
SLACK = 64


def _wid():
    return lax.axis_index("s") * NC + lax.axis_index("c")


def _sc_a_body(dst_hbm, src_hbm, v_hbm, dst_v, src_v, vbuf):
    w = _wid()
    base = w * CHUNK
    pltpu.sync_copy(dst_hbm.at[pl.ds(base, CHUNK)], dst_v)
    pltpu.sync_copy(src_hbm.at[pl.ds(base, CHUNK)], src_v)
    for k in range((CAPVB + SLACK) // 16):
        vbuf[pl.ds(k * 16, 16)] = jnp.full((16,), -1, jnp.int32)

    def body(i, cnt):
        d = dst_v[pl.ds(i * 16, 16)]
        m = d == 0
        c = jnp.sum(jnp.where(m, 1, 0).astype(jnp.int32))

        @pl.when(c > 0)
        def _():
            sv = src_v[pl.ds(i * 16, 16)]
            plsc.store_compressed(vbuf.at[pl.ds(cnt, 16)], sv, mask=m)

        return cnt + c

    lax.fori_loop(0, CHUNK // 16, body, 0)
    pltpu.sync_copy(vbuf.at[pl.ds(0, CAPVB)], v_hbm.at[pl.ds(w * CAPVB, CAPVB)])


def _sc_a(dst, src):
    mesh = plsc.VectorSubcoreMesh(core_axis_name="c", subcore_axis_name="s")
    f = functools.partial(
        pl.kernel,
        mesh=mesh,
        out_type=jax.ShapeDtypeStruct((NV,), jnp.int32),
        scratch_types=[
            pltpu.VMEM((CHUNK,), jnp.int32),
            pltpu.VMEM((CHUNK,), jnp.int32),
            pltpu.VMEM((CAPVB + SLACK,), jnp.int32),
        ],
    )(_sc_a_body)
    return f(dst, src)


def _t1_body(v_ref, tbl_ref):
    v = v_ref[...]
    jio = lax.broadcasted_iota(jnp.int32, (NV, 1), 0)
    big = jnp.int32(1 << 20)
    cols = []
    for t in range(NPAD // 128):
        nt = lax.broadcasted_iota(jnp.int32, (1, 128), 1) + t * 128
        val = jnp.where(v == nt, jio, big)
        cols.append(jnp.min(val, axis=0, keepdims=True))
    tbl = jnp.concatenate(cols, axis=0)
    node = (
        lax.broadcasted_iota(jnp.int32, (NPAD // 128, 128), 0) * 128
        + lax.broadcasted_iota(jnp.int32, (NPAD // 128, 128), 1)
    )
    tbl = jnp.where(node == 0, jnp.minimum(tbl, P0SLOT), tbl)
    tbl_ref[...] = jnp.where(tbl >= big, -1, tbl)


def _t1(vvals2d):
    return pl.pallas_call(
        _t1_body,
        out_shape=jax.ShapeDtypeStruct((NPAD // 128, 128), jnp.int32),
    )(vvals2d)


def _sc_b_body(
    dst_hbm, src_hbm, tbl_hbm, vvals_hbm, x_hbm, ef_hbm,
    pvd_hbm, pvs_hbm, dst2_hbm, xsrc_hbm, xdst_hbm, efr_hbm, xv_hbm,
    tbl_v, dst_v, src_v, eidb, srcb, dstb, pvdb, pvsb,
    idx16, rows16, rowbuf, sem,
):
    w = _wid()
    base = w * CHUNK
    pltpu.sync_copy(tbl_hbm.at[pl.ds(0, NPAD)], tbl_v)
    pltpu.sync_copy(dst_hbm.at[pl.ds(base, CHUNK)], dst_v)
    pltpu.sync_copy(src_hbm.at[pl.ds(base, CHUNK)], src_v)
    for k in range((CAPR + SLACK) // 16):
        z = jnp.full((16,), 0, jnp.int32)
        eidb[pl.ds(k * 16, 16)] = z
        srcb[pl.ds(k * 16, 16)] = z
        dstb[pl.ds(k * 16, 16)] = z
        pvdb[pl.ds(k * 16, 16)] = jnp.full((16,), -1, jnp.int32)
        pvsb[pl.ds(k * 16, 16)] = jnp.full((16,), -1, jnp.int32)

    def body(i, cnt):
        d = dst_v[pl.ds(i * 16, 16)]
        pvd = d * 0
        m = pvd >= 0
        c = jnp.sum(jnp.where(m, 1, 0).astype(jnp.int32))

        @pl.when(c > 0)
        def _():
            s = src_v[pl.ds(i * 16, 16)]
            pvs = s * 0
            eid = s
            plsc.store_compressed(eidb.at[pl.ds(cnt, 16)], eid, mask=m)
            plsc.store_compressed(srcb.at[pl.ds(cnt, 16)], s, mask=m)
            plsc.store_compressed(dstb.at[pl.ds(cnt, 16)], d, mask=m)
            plsc.store_compressed(pvdb.at[pl.ds(cnt, 16)], pvd, mask=m)
            plsc.store_compressed(pvsb.at[pl.ds(cnt, 16)], pvs, mask=m)

        return cnt + c

    lax.fori_loop(0, CHUNK // 16, body, 0)

    for r in range(CAPR // 128):
        pltpu.sync_copy(pvdb.at[pl.ds(r * 128, 128)],
                        pvd_hbm.at[w * (CAPR // 128) + r])
        pltpu.sync_copy(pvsb.at[pl.ds(r * 128, 128)],
                        pvs_hbm.at[w * (CAPR // 128) + r])
        pltpu.sync_copy(dstb.at[pl.ds(r * 128, 128)],
                        dst2_hbm.at[w * (CAPR // 128) + r])

    return
    for cix in range(CAPR // GC):
        off = cix * GC
        pltpu.async_copy(x_hbm.at[srcb.at[pl.ds(off, GC)]], rowbuf, sem).wait()
        pltpu.sync_copy(rowbuf, xsrc_hbm.at[pl.ds(w * CAPR + off, GC)])
        pltpu.async_copy(x_hbm.at[dstb.at[pl.ds(off, GC)]], rowbuf, sem).wait()
        pltpu.sync_copy(rowbuf, xdst_hbm.at[pl.ds(w * CAPR + off, GC)])
        pltpu.async_copy(ef_hbm.at[eidb.at[pl.ds(off, GC)]], rowbuf, sem).wait()
        pltpu.sync_copy(rowbuf, efr_hbm.at[pl.ds(w * CAPR + off, GC)])

    pltpu.sync_copy(vvals_hbm.at[pl.ds(w * CAPVB, CAPVB)], idx16)
    idx16[...] = jnp.maximum(idx16[...], 0)
    pltpu.async_copy(x_hbm.at[idx16], rows16, sem).wait()
    pltpu.sync_copy(rows16, xv_hbm.at[pl.ds(w * CAPVB, CAPVB)])

    @pl.when(w < (VP - NV) // CAPVB)
    def _():
        idx16[...] = jnp.full((16,), 0, jnp.int32)
        pltpu.async_copy(x_hbm.at[idx16], rows16, sem).wait()
        pltpu.sync_copy(rows16, xv_hbm.at[pl.ds(NV + w * CAPVB, CAPVB)])


def _sc_b(dst, src, tbl, vvals, x, ef):
    mesh = plsc.VectorSubcoreMesh(core_axis_name="c", subcore_axis_name="s")
    f = functools.partial(
        pl.kernel,
        mesh=mesh,
        out_type=[
            jax.ShapeDtypeStruct((RTOT // 128, 128), jnp.int32),
            jax.ShapeDtypeStruct((RTOT // 128, 128), jnp.int32),
            jax.ShapeDtypeStruct((RTOT // 128, 128), jnp.int32),
            jax.ShapeDtypeStruct((RTOT, DD), jnp.float32),
            jax.ShapeDtypeStruct((RTOT, DD), jnp.float32),
            jax.ShapeDtypeStruct((RTOT, DD), jnp.float32),
            jax.ShapeDtypeStruct((VP, DD), jnp.float32),
        ],
        scratch_types=[
            pltpu.VMEM((NPAD,), jnp.int32),
            pltpu.VMEM((CHUNK,), jnp.int32),
            pltpu.VMEM((CHUNK,), jnp.int32),
            pltpu.VMEM((CAPR + SLACK,), jnp.int32),
            pltpu.VMEM((CAPR + SLACK,), jnp.int32),
            pltpu.VMEM((CAPR + SLACK,), jnp.int32),
            pltpu.VMEM((CAPR + SLACK,), jnp.int32),
            pltpu.VMEM((CAPR + SLACK,), jnp.int32),
            pltpu.VMEM((CAPVB,), jnp.int32),
            pltpu.VMEM((CAPVB, DD), jnp.float32),
            pltpu.VMEM((GC, DD), jnp.float32),
            pltpu.SemaphoreType.DMA,
        ],
    )(_sc_b_body)
    return f(dst, src, tbl, vvals, x, ef)


NCH = 8
CH = RTOT // NCH


def _dotT(a, b):
    return lax.dot_general(
        a, b, (((0,), (0,)), ((), ())), preferred_element_type=jnp.float32
    )


def _leaky(v):
    return jnp.where(v >= 0, v, 0.2 * v)


def _c_body(
    pvd_ref, pvs_ref, dst_ref, xsrc_ref, xdst_ref, efr_ref, xv_ref, x0_ref,
    wni1, wnj1, wfij1, wnode1, bni1, bnj1, bfij1, bnode1, attn1,
    wni2, wnj2, wfij2, wnode2, bni2, bnj2, bfij2, bnode2, attn2,
    out_ref,
):
    dot = functools.partial(jnp.dot, preferred_element_type=jnp.float32)
    pvd = pvd_ref[...]
    pvs = pvs_ref[...]
    xsrc = xsrc_ref[...]
    xdst = xdst_ref[...]
    efr = efr_ref[...]
    xv = xv_ref[...]
    dstv = dst_ref[...]

    f1 = _leaky(
        dot(xsrc, wni1[...]) + dot(xdst, wnj1[...]) + dot(efr, wfij1[...])
        + bni1[...] + bnj1[...] + bfij1[...]
    )
    e1 = dot(f1, attn1[...])
    gmax = jnp.max(e1)
    ee1 = jnp.exp(e1 - gmax)
    ft1 = dot(xsrc, wnode1[...]) + bnode1[...]

    iov = lax.broadcasted_iota(jnp.int32, (CH, VP), 1)

    def onehot(p, c):
        return (p[c * CH:(c + 1) * CH] == iov).astype(jnp.float32)

    denom = jnp.zeros((VP, 1), jnp.float32)
    for c in range(NCH):
        denom = denom + _dotT(onehot(pvd, c), ee1[c * CH:(c + 1) * CH])
    rst1 = jnp.zeros((VP, DD), jnp.float32)
    for c in range(NCH):
        oc = onehot(pvd, c)
        dg = dot(oc, denom)
        a1 = ee1[c * CH:(c + 1) * CH] / jnp.maximum(dg, 1e-9)
        rst1 = rst1 + _dotT(oc, a1 * ft1[c * CH:(c + 1) * CH])

    h0v = jnp.maximum(rst1, 0.0) + xv
    fniv = dot(h0v, wni2[...]) + bni2[...]
    fnjv = dot(h0v, wnj2[...]) + bnj2[...]
    fndv = dot(h0v, wnode2[...]) + bnode2[...]
    mask2 = (dstv == 0) & (pvd >= 0)
    onep0 = jnp.zeros((1, VP), jnp.float32)
    for c in range(NCH):
        sel = onehot(pvd, c) * jnp.where(mask2[c * CH:(c + 1) * CH], 1.0, 0.0)
        onep0 = jnp.maximum(onep0, jnp.max(sel, axis=0, keepdims=True))
    fnj2 = dot(onep0, fnjv)

    h1 = jnp.maximum(f1, 0.0) + efr
    ffij2 = dot(h1, wfij2[...]) + bfij2[...]

    e2s = []
    ft2s = []
    for c in range(NCH):
        os = onehot(pvs, c)
        f2 = _leaky(dot(os, fniv) + fnj2 + ffij2[c * CH:(c + 1) * CH])
        e2s.append(dot(f2, attn2[...]))
        ft2s.append(dot(os, fndv))
    e2 = jnp.concatenate(e2s, axis=0)
    ft2 = jnp.concatenate(ft2s, axis=0)

    m2 = jnp.max(jnp.where(mask2, e2, -1e30))
    ee2 = jnp.where(mask2, jnp.exp(e2 - m2), 0.0)
    d2 = jnp.sum(ee2)
    a2 = ee2 / jnp.maximum(d2, 1e-9)
    out_ref[...] = _dotT(a2, ft2) + x0_ref[...]


def _conv_c(pvd, pvs, dstv, xsrc, xdst, efr, xv, x0, p1, p2):
    args = [pvd, pvs, dstv, xsrc, xdst, efr, xv, x0]
    for p in (p1, p2):
        args += [
            p["W_ni"], p["W_nj"], p["W_fij"], p["W_node"],
            p["b_ni"].reshape(1, DD), p["b_nj"].reshape(1, DD),
            p["b_fij"].reshape(1, DD), p["b_node"].reshape(1, DD),
            p["attn"].reshape(DD, 1),
        ]
    return pl.pallas_call(
        _c_body,
        out_shape=jax.ShapeDtypeStruct((1, DD), jnp.float32),
    )(*args)


@jax.jit
def kernel(node_feats, edge_feats, edge_index, params):
    x = node_feats
    src = edge_index[0].astype(jnp.int32)
    dst = edge_index[1].astype(jnp.int32)
    big = jnp.int32(1 << 20)

    m0 = dst == 0
    i0 = jnp.nonzero(m0, size=NV, fill_value=0)[0]
    vvals = jnp.where(
        jnp.arange(NV) < jnp.sum(jnp.where(m0, 1, 0)), src[i0], -1
    )

    pos = jnp.where(vvals >= 0, jnp.arange(NV, dtype=jnp.int32), big)
    nid = jnp.arange(NPAD, dtype=jnp.int32)
    tbl = jnp.min(
        jnp.where(vvals[:, None] == nid[None, :], pos[:, None], big), axis=0
    )
    tbl = jnp.where(nid == 0, jnp.minimum(tbl, P0SLOT), tbl)
    p0 = tbl[0]
    tbl = jnp.where(tbl >= big, -1, tbl)

    member = tbl[dst] >= 0
    idx = jnp.nonzero(member, size=RTOT, fill_value=0)[0]
    valid = jnp.arange(RTOT) < jnp.sum(jnp.where(member, 1, 0))
    srcv = src[idx]
    pvd = jnp.where(valid, tbl[dst[idx]], -1)[:, None]
    pvs = jnp.where(valid, tbl[srcv], -1)[:, None]
    dstv = jnp.where(valid, dst[idx], -1)[:, None]
    xsrc = x[srcv]
    xdst = x[dst[idx]]
    efr = edge_feats[idx]
    xv = jnp.concatenate(
        [x[jnp.maximum(vvals, 0)],
         jnp.broadcast_to(x[0:1], (VP - NV, DD))], axis=0
    )

    return _conv_c(
        pvd, pvs, dstv, xsrc, xdst, efr, xv, x[0:1],
        params["conv1"], params["conv2"]
    )

# --- scband reference (transcript-rebuilt; emitter-appended) ---
"""Pipeline reference for scband-eugatgnn-38354057953943 (READ-ONLY COPY).

The authoritative reference and input builder live on the scoring server;
editing this copy changes nothing except your own understanding.
"""

import jax, jax.numpy as jnp
import numpy as np

N = 10000
E = 320000
D = 128
H = 1
STDV = 1.0 / np.sqrt(128.0)


def _lin(key, din, dout):
    k1, k2 = jax.random.split(key)
    W = jax.random.uniform(k1, (din, dout), minval=-STDV, maxval=STDV, dtype=jnp.float32)
    b = jax.random.uniform(k2, (dout,), minval=-STDV, maxval=STDV, dtype=jnp.float32)
    return W, b


def _conv_params(key, din, dedge, dout, heads):
    ks = jax.random.split(key, 5)
    p = {}
    p['W_node'], p['b_node'] = _lin(ks[0], din, heads * dout)
    p['W_ni'], p['b_ni'] = _lin(ks[1], din, heads * dout)
    p['W_nj'], p['b_nj'] = _lin(ks[2], din, heads * dout)
    p['W_fij'], p['b_fij'] = _lin(ks[3], dedge, heads * dout)
    p['attn'] = jax.random.uniform(ks[4], (1, heads, dout), minval=-STDV, maxval=STDV, dtype=jnp.float32)
    return p


def setup_inputs(seed: int = 0):
    key = jax.random.key(seed)
    k1, k2, k3, k4, k5 = jax.random.split(key, 5)
    node_feats = jax.random.normal(k1, (N, D), dtype=jnp.float32)
    edge_feats = jax.random.normal(k2, (E, D), dtype=jnp.float32)
    edge_index = jax.random.randint(k3, (2, E), 0, N)
    params = {'conv1': _conv_params(k4, D, D, D, H), 'conv2': _conv_params(k5, D, D, D, H)}
    return {'node_feats': node_feats, 'edge_feats': edge_feats, 'edge_index': edge_index, 'params': params}


def _egat(p, x, ef, src, dst):
    # EGAT-style conv: new edge feats from (src, dst, edge) linears, attention softmax over dst, node aggregation
    f_ni = x @ p['W_ni'] + p['b_ni']
    f_nj = x @ p['W_nj'] + p['b_nj']
    f_fij = ef @ p['W_fij'] + p['b_fij']
    f_out = f_ni[src] + f_nj[dst] + f_fij            # [E, H*D]
    f_out = jax.nn.leaky_relu(f_out, 0.2)
    f_out = f_out.reshape(-1, H, D)                  # [E, H, D]
    e = jnp.sum(f_out * p['attn'], axis=-1)          # [E, H]
    emax = jax.ops.segment_max(e, dst, num_segments=N)
    emax = jnp.where(jnp.isfinite(emax), emax, 0.0)
    ee = jnp.exp(e - emax[dst])
    denom = jax.ops.segment_sum(ee, dst, num_segments=N)
    a = ee / jnp.maximum(denom[dst], 1e-9)           # [E, H]
    ft = (x @ p['W_node'] + p['b_node']).reshape(N, H, D)
    rst = jax.ops.segment_sum(ft[src] * a[..., None], dst, num_segments=N)  # [N, H, D]
    return rst, f_out


def reference(node_feats, edge_feats, edge_index, params):
    src = edge_index[0]
    dst = edge_index[1]
    h0, h1 = _egat(params['conv1'], node_feats, edge_feats, src, dst)
    h0 = jnp.squeeze(h0, axis=1)   # num_head == 1
    h1 = jnp.squeeze(h1, axis=1)
    # dropout omitted (deterministic eval reference)
    h0 = jax.nn.relu(h0) + node_feats
    h1 = jax.nn.relu(h1) + edge_feats
    h, _ = _egat(params['conv2'], h0, h1, src, dst)
    h = jnp.squeeze(h, axis=1) + node_feats
    # single graph in batch: batch_num_nodes == [N], pick first node of each graph
    return h[0:1, :]

if __name__ == "__main__":
    import jax
    _d = setup_inputs()
    print(jax.jit(kernel)(*tuple(_d.values())))

</pallas_src>

<mosaic_0001>
module attributes {stable_mosaic.version = 14 : i64} {
  func.func @_c_body(%arg0: memref<4096x1xi32, #tpu.memory_space<vmem>>, %arg1: memref<4096x1xi32, #tpu.memory_space<vmem>>, %arg2: memref<4096x1xi32, #tpu.memory_space<vmem>>, %arg3: memref<4096x128xf32, #tpu.memory_space<vmem>>, %arg4: memref<4096x128xf32, #tpu.memory_space<vmem>>, %arg5: memref<4096x128xf32, #tpu.memory_space<vmem>>, %arg6: memref<640x128xf32, #tpu.memory_space<vmem>>, %arg7: memref<1x128xf32, #tpu.memory_space<vmem>>, %arg8: memref<128x128xf32, #tpu.memory_space<vmem>>, %arg9: memref<128x128xf32, #tpu.memory_space<vmem>>, %arg10: memref<128x128xf32, #tpu.memory_space<vmem>>, %arg11: memref<128x128xf32, #tpu.memory_space<vmem>>, %arg12: memref<1x128xf32, #tpu.memory_space<vmem>>, %arg13: memref<1x128xf32, #tpu.memory_space<vmem>>, %arg14: memref<1x128xf32, #tpu.memory_space<vmem>>, %arg15: memref<1x128xf32, #tpu.memory_space<vmem>>, %arg16: memref<128x1xf32, #tpu.memory_space<vmem>>, %arg17: memref<128x128xf32, #tpu.memory_space<vmem>>, %arg18: memref<128x128xf32, #tpu.memory_space<vmem>>, %arg19: memref<128x128xf32, #tpu.memory_space<vmem>>, %arg20: memref<128x128xf32, #tpu.memory_space<vmem>>, %arg21: memref<1x128xf32, #tpu.memory_space<vmem>>, %arg22: memref<1x128xf32, #tpu.memory_space<vmem>>, %arg23: memref<1x128xf32, #tpu.memory_space<vmem>>, %arg24: memref<1x128xf32, #tpu.memory_space<vmem>>, %arg25: memref<128x1xf32, #tpu.memory_space<vmem>>, %arg26: memref<1x128xf32, #tpu.memory_space<vmem>>) attributes {dimension_semantics = [], scalar_prefetch = 0 : i64, scratch_operands = 0 : i64, tpu.core_type = #tpu.core_type<tc>} {
    %get3A = arith.constant 0 : index
    %get3A_0 = arith.constant 0 : index
    %get3A_1 = vector.load %arg0[%get3A, %get3A_0] : memref<4096x1xi32, #tpu.memory_space<vmem>>, vector<4096x1xi32>
    %get3A_2 = arith.constant 0 : index
    %get3A_3 = arith.constant 0 : index
    %get3A_4 = vector.load %arg1[%get3A_2, %get3A_3] : memref<4096x1xi32, #tpu.memory_space<vmem>>, vector<4096x1xi32>
    %get3A_5 = arith.constant 0 : index
    %get3A_6 = arith.constant 0 : index
    %get3A_7 = vector.load %arg3[%get3A_5, %get3A_6] : memref<4096x128xf32, #tpu.memory_space<vmem>>, vector<4096x128xf32>
    %get3A_8 = arith.constant 0 : index
    %get3A_9 = arith.constant 0 : index
    %get3A_10 = vector.load %arg4[%get3A_8, %get3A_9] : memref<4096x128xf32, #tpu.memory_space<vmem>>, vector<4096x128xf32>
    %get3A_11 = arith.constant 0 : index
    %get3A_12 = arith.constant 0 : index
    %get3A_13 = vector.load %arg5[%get3A_11, %get3A_12] : memref<4096x128xf32, #tpu.memory_space<vmem>>, vector<4096x128xf32>
    %get3A_14 = arith.constant 0 : index
    %get3A_15 = arith.constant 0 : index
    %get3A_16 = vector.load %arg6[%get3A_14, %get3A_15] : memref<640x128xf32, #tpu.memory_space<vmem>>, vector<640x128xf32>
    %get3A_17 = arith.constant 0 : index
    %get3A_18 = arith.constant 0 : index
    %get3A_19 = vector.load %arg2[%get3A_17, %get3A_18] : memref<4096x1xi32, #tpu.memory_space<vmem>>, vector<4096x1xi32>
    %get3A_20 = arith.constant 0 : index
    %get3A_21 = arith.constant 0 : index
    %get3A_22 = vector.load %arg8[%get3A_20, %get3A_21] : memref<128x128xf32, #tpu.memory_space<vmem>>, vector<128x128xf32>
    %dot_general3A = arith.constant dense<0.000000e+00> : vector<4096x128xf32>
    %dot_general3A_23 = tpu.matmul %get3A_7, %get3A_22, %dot_general3A {dimension_numbers = #tpu.dot_dimension_numbers<[1], [0], [0], [1], [0, 0, 1, 1], [], []>, transpose_lhs_hint = false} : vector<4096x128xf32>, vector<128x128xf32>, vector<4096x128xf32> -> vector<4096x128xf32>
    %get3A_24 = arith.constant 0 : index
    %get3A_25 = arith.constant 0 : index
    %get3A_26 = vector.load %arg9[%get3A_24, %get3A_25] : memref<128x128xf32, #tpu.memory_space<vmem>>, vector<128x128xf32>
    %dot_general3A_27 = arith.constant dense<0.000000e+00> : vector<4096x128xf32>
    %dot_general3A_28 = tpu.matmul %get3A_10, %get3A_26, %dot_general3A_27 {dimension_numbers = #tpu.dot_dimension_numbers<[1], [0], [0], [1], [0, 0, 1, 1], [], []>, transpose_lhs_hint = false} : vector<4096x128xf32>, vector<128x128xf32>, vector<4096x128xf32> -> vector<4096x128xf32>
    %add3A = arith.addf %dot_general3A_23, %dot_general3A_28 : vector<4096x128xf32>
    %get3A_29 = arith.constant 0 : index
    %get3A_30 = arith.constant 0 : index
    %get3A_31 = vector.load %arg10[%get3A_29, %get3A_30] : memref<128x128xf32, #tpu.memory_space<vmem>>, vector<128x128xf32>
    %dot_general3A_32 = arith.constant dense<0.000000e+00> : vector<4096x128xf32>
    %dot_general3A_33 = tpu.matmul %get3A_13, %get3A_31, %dot_general3A_32 {dimension_numbers = #tpu.dot_dimension_numbers<[1], [0], [0], [1], [0, 0, 1, 1], [], []>, transpose_lhs_hint = false} : vector<4096x128xf32>, vector<128x128xf32>, vector<4096x128xf32> -> vector<4096x128xf32>
    %add3A_34 = arith.addf %add3A, %dot_general3A_33 : vector<4096x128xf32>
    %get3A_35 = arith.constant 0 : index
    %get3A_36 = arith.constant 0 : index
    %get3A_37 = vector.load %arg12[%get3A_35, %get3A_36] : memref<1x128xf32, #tpu.memory_space<vmem>>, vector<1x128xf32>
    %add3A_38 = vector.broadcast %get3A_37 : vector<1x128xf32> to vector<4096x128xf32>
    %add3A_39 = arith.addf %add3A_34, %add3A_38 : vector<4096x128xf32>
    %get3A_40 = arith.constant 0 : index
    %get3A_41 = arith.constant 0 : index
    %get3A_42 = vector.load %arg13[%get3A_40, %get3A_41] : memref<1x128xf32, #tpu.memory_space<vmem>>, vector<1x128xf32>
    %add3A_43 = vector.broadcast %get3A_42 : vector<1x128xf32> to vector<4096x128xf32>
    %add3A_44 = arith.addf %add3A_39, %add3A_43 : vector<4096x128xf32>
    %get3A_45 = arith.constant 0 : index
    %get3A_46 = arith.constant 0 : index
    %get3A_47 = vector.load %arg14[%get3A_45, %get3A_46] : memref<1x128xf32, #tpu.memory_space<vmem>>, vector<1x128xf32>
    %add3A_48 = vector.broadcast %get3A_47 : vector<1x128xf32> to vector<4096x128xf32>
    %add3A_49 = arith.addf %add3A_44, %add3A_48 : vector<4096x128xf32>
    %ge3A = arith.constant 0.000000e+00 : f32
    %ge3A_50 = vector.broadcast %ge3A : f32 to vector<4096x128xf32>
    %ge3A_51 = arith.cmpf oge, %add3A_49, %ge3A_50 : vector<4096x128xf32>
    %mul3A = arith.constant 2.000000e-01 : f32
    %mul3A_52 = vector.broadcast %mul3A : f32 to vector<4096x128xf32>
    %mul3A_53 = arith.mulf %mul3A_52, %add3A_49 : vector<4096x128xf32>
    %select_n3A = arith.select %ge3A_51, %add3A_49, %mul3A_53 : vector<4096x128xi1>, vector<4096x128xf32>
    %get3A_54 = arith.constant 0 : index
    %get3A_55 = arith.constant 0 : index
    %get3A_56 = vector.load %arg16[%get3A_54, %get3A_55] : memref<128x1xf32, #tpu.memory_space<vmem>>, vector<128x1xf32>
    %dot_general3A_57 = arith.constant dense<0.000000e+00> : vector<4096x1xf32>
    %dot_general3A_58 = tpu.matmul %select_n3A, %get3A_56, %dot_general3A_57 {dimension_numbers = #tpu.dot_dimension_numbers<[1], [0], [0], [1], [0, 0, 1, 1], [], []>, transpose_lhs_hint = false} : vector<4096x128xf32>, vector<128x1xf32>, vector<4096x1xf32> -> vector<4096x1xf32>
    %reduce_max3A = vector.shape_cast %dot_general3A_58 : vector<4096x1xf32> to vector<1x4096x1xf32>
    %reduce_max3A_59 = arith.constant dense<0xFF800000> : vector<1xf32>
    %reduce_max3A_60 = vector.multi_reduction <maximumf>, %reduce_max3A, %reduce_max3A_59 [1, 2] : vector<1x4096x1xf32> to vector<1xf32>
    %reduce_max3A_61 = vector.shape_cast %reduce_max3A_60 : vector<1xf32> to vector<1x1x1xf32>
    %reduce_max3A_62 = vector.extract %reduce_max3A_61[0, 0, 0] : f32 from vector<1x1x1xf32>
    %sub3A = vector.broadcast %reduce_max3A_62 : f32 to vector<4096x1xf32>
    %sub3A_63 = arith.subf %dot_general3A_58, %sub3A : vector<4096x1xf32>
    %exp3A = math.exp %sub3A_63 : vector<4096x1xf32>
    %get3A_64 = arith.constant 0 : index
    %get3A_65 = arith.constant 0 : index
    %get3A_66 = vector.load %arg11[%get3A_64, %get3A_65] : memref<128x128xf32, #tpu.memory_space<vmem>>, vector<128x128xf32>
    %dot_general3A_67 = arith.constant dense<0.000000e+00> : vector<4096x128xf32>
    %dot_general3A_68 = tpu.matmul %get3A_7, %get3A_66, %dot_general3A_67 {dimension_numbers = #tpu.dot_dimension_numbers<[1], [0], [0], [1], [0, 0, 1, 1], [], []>, transpose_lhs_hint = false} : vector<4096x128xf32>, vector<128x128xf32>, vector<4096x128xf32> -> vector<4096x128xf32>
    %get3A_69 = arith.constant 0 : index
    %get3A_70 = arith.constant 0 : index
    %get3A_71 = vector.load %arg15[%get3A_69, %get3A_70] : memref<1x128xf32, #tpu.memory_space<vmem>>, vector<1x128xf32>
    %add3A_72 = vector.broadcast %get3A_71 : vector<1x128xf32> to vector<4096x128xf32>
    %add3A_73 = arith.addf %dot_general3A_68, %add3A_72 : vector<4096x128xf32>
    %iota3A = tpu.iota {dimensions = array<i32: 1>} : vector<512x640xi32>
    %broadcast_in_dim3A = arith.constant 0.000000e+00 : f32
    %broadcast_in_dim3A_74 = vector.broadcast %broadcast_in_dim3A : f32 to vector<640x1xf32>
    %slice3A = vector.extract_strided_slice %get3A_1 {offsets = [0, 0], sizes = [512, 1], strides = [1, 1]} : vector<4096x1xi32> to vector<512x1xi32>
    %eq3A = vector.broadcast %slice3A : vector<512x1xi32> to vector<512x640xi32>
    %eq3A_75 = arith.cmpi eq, %eq3A, %iota3A : vector<512x640xi32>
    %convert_element_type3A = arith.extui %eq3A_75 : vector<512x640xi1> to vector<512x640xi32>
    %convert_element_type3A_76 = arith.sitofp %convert_element_type3A : vector<512x640xi32> to vector<512x640xf32>
    %slice3A_77 = vector.extract_strided_slice %exp3A {offsets = [0, 0], sizes = [512, 1], strides = [1, 1]} : vector<4096x1xf32> to vector<512x1xf32>
    %dot_general3A_78 = arith.constant dense<0.000000e+00> : vector<640x1xf32>
    %dot_general3A_79 = tpu.matmul %convert_element_type3A_76, %slice3A_77, %dot_general3A_78 {dimension_numbers = #tpu.dot_dimension_numbers<[0], [0], [1], [1], [0, 1, 1, 1], [], []>, transpose_lhs_hint = false} : vector<512x640xf32>, vector<512x1xf32>, vector<640x1xf32> -> vector<640x1xf32>
    %add3A_80 = arith.addf %broadcast_in_dim3A_74, %dot_general3A_79 : vector<640x1xf32>
    %slice3A_81 = vector.extract_strided_slice %get3A_1 {offsets = [512, 0], sizes = [512, 1], strides = [1, 1]} : vector<4096x1xi32> to vector<512x1xi32>
    %eq3A_82 = vector.broadcast %slice3A_81 : vector<512x1xi32> to vector<512x640xi32>
    %eq3A_83 = arith.cmpi eq, %eq3A_82, %iota3A : vector<512x640xi32>
    %convert_element_type3A_84 = arith.extui %eq3A_83 : vector<512x640xi1> to vector<512x640xi32>
    %convert_element_type3A_85 = arith.sitofp %convert_element_type3A_84 : vector<512x640xi32> to vector<512x640xf32>
    %slice3A_86 = vector.extract_strided_slice %exp3A {offsets = [512, 0], sizes = [512, 1], strides = [1, 1]} : vector<4096x1xf32> to vector<512x1xf32>
    %dot_general3A_87 = arith.constant dense<0.000000e+00> : vector<640x1xf32>
    %dot_general3A_88 = tpu.matmul %convert_element_type3A_85, %slice3A_86, %dot_general3A_87 {dimension_numbers = #tpu.dot_dimension_numbers<[0], [0], [1], [1], [0, 1, 1, 1], [], []>, transpose_lhs_hint = false} : vector<512x640xf32>, vector<512x1xf32>, vector<640x1xf32> -> vector<640x1xf32>
    %add3A_89 = arith.addf %add3A_80, %dot_general3A_88 : vector<640x1xf32>
    %slice3A_90 = vector.extract_strided_slice %get3A_1 {offsets = [1024, 0], sizes = [512, 1], strides = [1, 1]} : vector<4096x1xi32> to vector<512x1xi32>
    %eq3A_91 = vector.broadcast %slice3A_90 : vector<512x1xi32> to vector<512x640xi32>
    %eq3A_92 = arith.cmpi eq, %eq3A_91, %iota3A : vector<512x640xi32>
    %convert_element_type3A_93 = arith.extui %eq3A_92 : vector<512x640xi1> to vector<512x640xi32>
    %convert_element_type3A_94 = arith.sitofp %convert_element_type3A_93 : vector<512x640xi32> to vector<512x640xf32>
    %slice3A_95 = vector.extract_strided_slice %exp3A {offsets = [1024, 0], sizes = [512, 1], strides = [1, 1]} : vector<4096x1xf32> to vector<512x1xf32>
    %dot_general3A_96 = arith.constant dense<0.000000e+00> : vector<640x1xf32>
    %dot_general3A_97 = tpu.matmul %convert_element_type3A_94, %slice3A_95, %dot_general3A_96 {dimension_numbers = #tpu.dot_dimension_numbers<[0], [0], [1], [1], [0, 1, 1, 1], [], []>, transpose_lhs_hint = false} : vector<512x640xf32>, vector<512x1xf32>, vector<640x1xf32> -> vector<640x1xf32>
    %add3A_98 = arith.addf %add3A_89, %dot_general3A_97 : vector<640x1xf32>
    %slice3A_99 = vector.extract_strided_slice %get3A_1 {offsets = [1536, 0], sizes = [512, 1], strides = [1, 1]} : vector<4096x1xi32> to vector<512x1xi32>
    %eq3A_100 = vector.broadcast %slice3A_99 : vector<512x1xi32> to vector<512x640xi32>
    %eq3A_101 = arith.cmpi eq, %eq3A_100, %iota3A : vector<512x640xi32>
    %convert_element_type3A_102 = arith.extui %eq3A_101 : vector<512x640xi1> to vector<512x640xi32>
    %convert_element_type3A_103 = arith.sitofp %convert_element_type3A_102 : vector<512x640xi32> to vector<512x640xf32>
    %slice3A_104 = vector.extract_strided_slice %exp3A {offsets = [1536, 0], sizes = [512, 1], strides = [1, 1]} : vector<4096x1xf32> to vector<512x1xf32>
    %dot_general3A_105 = arith.constant dense<0.000000e+00> : vector<640x1xf32>
    %dot_general3A_106 = tpu.matmul %convert_element_type3A_103, %slice3A_104, %dot_general3A_105 {dimension_numbers = #tpu.dot_dimension_numbers<[0], [0], [1], [1], [0, 1, 1, 1], [], []>, transpose_lhs_hint = false} : vector<512x640xf32>, vector<512x1xf32>, vector<640x1xf32> -> vector<640x1xf32>
    %add3A_107 = arith.addf %add3A_98, %dot_general3A_106 : vector<640x1xf32>
    %slice3A_108 = vector.extract_strided_slice %get3A_1 {offsets = [2048, 0], sizes = [512, 1], strides = [1, 1]} : vector<4096x1xi32> to vector<512x1xi32>
    %eq3A_109 = vector.broadcast %slice3A_108 : vector<512x1xi32> to vector<512x640xi32>
    %eq3A_110 = arith.cmpi eq, %eq3A_109, %iota3A : vector<512x640xi32>
    %convert_element_type3A_111 = arith.extui %eq3A_110 : vector<512x640xi1> to vector<512x640xi32>
    %convert_element_type3A_112 = arith.sitofp %convert_element_type3A_111 : vector<512x640xi32> to vector<512x640xf32>
    %slice3A_113 = vector.extract_strided_slice %exp3A {offsets = [2048, 0], sizes = [512, 1], strides = [1, 1]} : vector<4096x1xf32> to vector<512x1xf32>
    %dot_general3A_114 = arith.constant dense<0.000000e+00> : vector<640x1xf32>
    %dot_general3A_115 = tpu.matmul %convert_element_type3A_112, %slice3A_113, %dot_general3A_114 {dimension_numbers = #tpu.dot_dimension_numbers<[0], [0], [1], [1], [0, 1, 1, 1], [], []>, transpose_lhs_hint = false} : vector<512x640xf32>, vector<512x1xf32>, vector<640x1xf32> -> vector<640x1xf32>
    %add3A_116 = arith.addf %add3A_107, %dot_general3A_115 : vector<640x1xf32>
    %slice3A_117 = vector.extract_strided_slice %get3A_1 {offsets = [2560, 0], sizes = [512, 1], strides = [1, 1]} : vector<4096x1xi32> to vector<512x1xi32>
    %eq3A_118 = vector.broadcast %slice3A_117 : vector<512x1xi32> to vector<512x640xi32>
    %eq3A_119 = arith.cmpi eq, %eq3A_118, %iota3A : vector<512x640xi32>
    %convert_element_type3A_120 = arith.extui %eq3A_119 : vector<512x640xi1> to vector<512x640xi32>
    %convert_element_type3A_121 = arith.sitofp %convert_element_type3A_120 : vector<512x640xi32> to vector<512x640xf32>
    %slice3A_122 = vector.extract_strided_slice %exp3A {offsets = [2560, 0], sizes = [512, 1], strides = [1, 1]} : vector<4096x1xf32> to vector<512x1xf32>
    %dot_general3A_123 = arith.constant dense<0.000000e+00> : vector<640x1xf32>
    %dot_general3A_124 = tpu.matmul %convert_element_type3A_121, %slice3A_122, %dot_general3A_123 {dimension_numbers = #tpu.dot_dimension_numbers<[0], [0], [1], [1], [0, 1, 1, 1], [], []>, transpose_lhs_hint = false} : vector<512x640xf32>, vector<512x1xf32>, vector<640x1xf32> -> vector<640x1xf32>
    %add3A_125 = arith.addf %add3A_116, %dot_general3A_124 : vector<640x1xf32>
    %slice3A_126 = vector.extract_strided_slice %get3A_1 {offsets = [3072, 0], sizes = [512, 1], strides = [1, 1]} : vector<4096x1xi32> to vector<512x1xi32>
    %eq3A_127 = vector.broadcast %slice3A_126 : vector<512x1xi32> to vector<512x640xi32>
    %eq3A_128 = arith.cmpi eq, %eq3A_127, %iota3A : vector<512x640xi32>
    %convert_element_type3A_129 = arith.extui %eq3A_128 : vector<512x640xi1> to vector<512x640xi32>
    %convert_element_type3A_130 = arith.sitofp %convert_element_type3A_129 : vector<512x640xi32> to vector<512x640xf32>
    %slice3A_131 = vector.extract_strided_slice %exp3A {offsets = [3072, 0], sizes = [512, 1], strides = [1, 1]} : vector<4096x1xf32> to vector<512x1xf32>
    %dot_general3A_132 = arith.constant dense<0.000000e+00> : vector<640x1xf32>
    %dot_general3A_133 = tpu.matmul %convert_element_type3A_130, %slice3A_131, %dot_general3A_132 {dimension_numbers = #tpu.dot_dimension_numbers<[0], [0], [1], [1], [0, 1, 1, 1], [], []>, transpose_lhs_hint = false} : vector<512x640xf32>, vector<512x1xf32>, vector<640x1xf32> -> vector<640x1xf32>
    %add3A_134 = arith.addf %add3A_125, %dot_general3A_133 : vector<640x1xf32>
    %slice3A_135 = vector.extract_strided_slice %get3A_1 {offsets = [3584, 0], sizes = [512, 1], strides = [1, 1]} : vector<4096x1xi32> to vector<512x1xi32>
    %eq3A_136 = vector.broadcast %slice3A_135 : vector<512x1xi32> to vector<512x640xi32>
    %eq3A_137 = arith.cmpi eq, %eq3A_136, %iota3A : vector<512x640xi32>
    %convert_element_type3A_138 = arith.extui %eq3A_137 : vector<512x640xi1> to vector<512x640xi32>
    %convert_element_type3A_139 = arith.sitofp %convert_element_type3A_138 : vector<512x640xi32> to vector<512x640xf32>
    %slice3A_140 = vector.extract_strided_slice %exp3A {offsets = [3584, 0], sizes = [512, 1], strides = [1, 1]} : vector<4096x1xf32> to vector<512x1xf32>
    %dot_general3A_141 = arith.constant dense<0.000000e+00> : vector<640x1xf32>
    %dot_general3A_142 = tpu.matmul %convert_element_type3A_139, %slice3A_140, %dot_general3A_141 {dimension_numbers = #tpu.dot_dimension_numbers<[0], [0], [1], [1], [0, 1, 1, 1], [], []>, transpose_lhs_hint = false} : vector<512x640xf32>, vector<512x1xf32>, vector<640x1xf32> -> vector<640x1xf32>
    %add3A_143 = arith.addf %add3A_134, %dot_general3A_142 : vector<640x1xf32>
    %broadcast_in_dim3A_144 = arith.constant 0.000000e+00 : f32
    %broadcast_in_dim3A_145 = vector.broadcast %broadcast_in_dim3A_144 : f32 to vector<640x128xf32>
    %slice3A_146 = vector.extract_strided_slice %get3A_1 {offsets = [0, 0], sizes = [512, 1], strides = [1, 1]} : vector<4096x1xi32> to vector<512x1xi32>
    %eq3A_147 = vector.broadcast %slice3A_146 : vector<512x1xi32> to vector<512x640xi32>
    %eq3A_148 = arith.cmpi eq, %eq3A_147, %iota3A : vector<512x640xi32>
    %convert_element_type3A_149 = arith.extui %eq3A_148 : vector<512x640xi1> to vector<512x640xi32>
    %convert_element_type3A_150 = arith.sitofp %convert_element_type3A_149 : vector<512x640xi32> to vector<512x640xf32>
    %dot_general3A_151 = arith.constant dense<0.000000e+00> : vector<512x1xf32>
    %dot_general3A_152 = tpu.matmul %convert_element_type3A_150, %add3A_143, %dot_general3A_151 {dimension_numbers = #tpu.dot_dimension_numbers<[1], [0], [0], [1], [0, 0, 1, 1], [], []>, transpose_lhs_hint = false} : vector<512x640xf32>, vector<640x1xf32>, vector<512x1xf32> -> vector<512x1xf32>
    %slice3A_153 = vector.extract_strided_slice %exp3A {offsets = [0, 0], sizes = [512, 1], strides = [1, 1]} : vector<4096x1xf32> to vector<512x1xf32>
    %max3A = arith.constant 9.99999971E-10 : f32
    %max3A_154 = vector.broadcast %max3A : f32 to vector<512x1xf32>
    %max3A_155 = arith.maximumf %dot_general3A_152, %max3A_154 : vector<512x1xf32>
    %div3A = arith.divf %slice3A_153, %max3A_155 : vector<512x1xf32>
    %slice3A_156 = vector.extract_strided_slice %add3A_73 {offsets = [0, 0], sizes = [512, 128], strides = [1, 1]} : vector<4096x128xf32> to vector<512x128xf32>
    %mul3A_157 = vector.broadcast %div3A : vector<512x1xf32> to vector<512x128xf32>
    %mul3A_158 = arith.mulf %mul3A_157, %slice3A_156 : vector<512x128xf32>
    %dot_general3A_159 = arith.constant dense<0.000000e+00> : vector<640x128xf32>
    %dot_general3A_160 = tpu.matmul %convert_element_type3A_150, %mul3A_158, %dot_general3A_159 {dimension_numbers = #tpu.dot_dimension_numbers<[0], [0], [1], [1], [0, 1, 1, 1], [], []>, transpose_lhs_hint = false} : vector<512x640xf32>, vector<512x128xf32>, vector<640x128xf32> -> vector<640x128xf32>
    %add3A_161 = arith.addf %broadcast_in_dim3A_145, %dot_general3A_160 : vector<640x128xf32>
    %slice3A_162 = vector.extract_strided_slice %get3A_1 {offsets = [512, 0], sizes = [512, 1], strides = [1, 1]} : vector<4096x1xi32> to vector<512x1xi32>
    %eq3A_163 = vector.broadcast %slice3A_162 : vector<512x1xi32> to vector<512x640xi32>
    %eq3A_164 = arith.cmpi eq, %eq3A_163, %iota3A : vector<512x640xi32>
    %convert_element_type3A_165 = arith.extui %eq3A_164 : vector<512x640xi1> to vector<512x640xi32>
    %convert_element_type3A_166 = arith.sitofp %convert_element_type3A_165 : vector<512x640xi32> to vector<512x640xf32>
    %dot_general3A_167 = arith.constant dense<0.000000e+00> : vector<512x1xf32>
    %dot_general3A_168 = tpu.matmul %convert_element_type3A_166, %add3A_143, %dot_general3A_167 {dimension_numbers = #tpu.dot_dimension_numbers<[1], [0], [0], [1], [0, 0, 1, 1], [], []>, transpose_lhs_hint = false} : vector<512x640xf32>, vector<640x1xf32>, vector<512x1xf32> -> vector<512x1xf32>
    %slice3A_169 = vector.extract_strided_slice %exp3A {offsets = [512, 0], sizes = [512, 1], strides = [1, 1]} : vector<4096x1xf32> to vector<512x1xf32>
    %max3A_170 = arith.constant 9.99999971E-10 : f32
    %max3A_171 = vector.broadcast %max3A_170 : f32 to vector<512x1xf32>
    %max3A_172 = arith.maximumf %dot_general3A_168, %max3A_171 : vector<512x1xf32>
    %div3A_173 = arith.divf %slice3A_169, %max3A_172 : vector<512x1xf32>
    %slice3A_174 = vector.extract_strided_slice %add3A_73 {offsets = [512, 0], sizes = [512, 128], strides = [1, 1]} : vector<4096x128xf32> to vector<512x128xf32>
    %mul3A_175 = vector.broadcast %div3A_173 : vector<512x1xf32> to vector<512x128xf32>
    %mul3A_176 = arith.mulf %mul3A_175, %slice3A_174 : vector<512x128xf32>
    %dot_general3A_177 = arith.constant dense<0.000000e+00> : vector<640x128xf32>
    %dot_general3A_178 = tpu.matmul %convert_element_type3A_166, %mul3A_176, %dot_general3A_177 {dimension_numbers = #tpu.dot_dimension_numbers<[0], [0], [1], [1], [0, 1, 1, 1], [], []>, transpose_lhs_hint = false} : vector<512x640xf32>, vector<512x128xf32>, vector<640x128xf32> -> vector<640x128xf32>
    %add3A_179 = arith.addf %add3A_161, %dot_general3A_178 : vector<640x128xf32>
    %slice3A_180 = vector.extract_strided_slice %get3A_1 {offsets = [1024, 0], sizes = [512, 1], strides = [1, 1]} : vector<4096x1xi32> to vector<512x1xi32>
    %eq3A_181 = vector.broadcast %slice3A_180 : vector<512x1xi32> to vector<512x640xi32>
    %eq3A_182 = arith.cmpi eq, %eq3A_181, %iota3A : vector<512x640xi32>
    %convert_element_type3A_183 = arith.extui %eq3A_182 : vector<512x640xi1> to vector<512x640xi32>
    %convert_element_type3A_184 = arith.sitofp %convert_element_type3A_183 : vector<512x640xi32> to vector<512x640xf32>
    %dot_general3A_185 = arith.constant dense<0.000000e+00> : vector<512x1xf32>
    %dot_general3A_186 = tpu.matmul %convert_element_type3A_184, %add3A_143, %dot_general3A_185 {dimension_numbers = #tpu.dot_dimension_numbers<[1], [0], [0], [1], [0, 0, 1, 1], [], []>, transpose_lhs_hint = false} : vector<512x640xf32>, vector<640x1xf32>, vector<512x1xf32> -> vector<512x1xf32>
    %slice3A_187 = vector.extract_strided_slice %exp3A {offsets = [1024, 0], sizes = [512, 1], strides = [1, 1]} : vector<4096x1xf32> to vector<512x1xf32>
    %max3A_188 = arith.constant 9.99999971E-10 : f32
    %max3A_189 = vector.broadcast %max3A_188 : f32 to vector<512x1xf32>
    %max3A_190 = arith.maximumf %dot_general3A_186, %max3A_189 : vector<512x1xf32>
    %div3A_191 = arith.divf %slice3A_187, %max3A_190 : vector<512x1xf32>
    %slice3A_192 = vector.extract_strided_slice %add3A_73 {offsets = [1024, 0], sizes = [512, 128], strides = [1, 1]} : vector<4096x128xf32> to vector<512x128xf32>
    %mul3A_193 = vector.broadcast %div3A_191 : vector<512x1xf32> to vector<512x128xf32>
    %mul3A_194 = arith.mulf %mul3A_193, %slice3A_192 : vector<512x128xf32>
    %dot_general3A_195 = arith.constant dense<0.000000e+00> : vector<640x128xf32>
    %dot_general3A_196 = tpu.matmul %convert_element_type3A_184, %mul3A_194, %dot_general3A_195 {dimension_numbers = #tpu.dot_dimension_numbers<[0], [0], [1], [1], [0, 1, 1, 1], [], []>, transpose_lhs_hint = false} : vector<512x640xf32>, vector<512x128xf32>, vector<640x128xf32> -> vector<640x128xf32>
    %add3A_197 = arith.addf %add3A_179, %dot_general3A_196 : vector<640x128xf32>
    %slice3A_198 = vector.extract_strided_slice %get3A_1 {offsets = [1536, 0], sizes = [512, 1], strides = [1, 1]} : vector<4096x1xi32> to vector<512x1xi32>
    %eq3A_199 = vector.broadcast %slice3A_198 : vector<512x1xi32> to vector<512x640xi32>
    %eq3A_200 = arith.cmpi eq, %eq3A_199, %iota3A : vector<512x640xi32>
    %convert_element_type3A_201 = arith.extui %eq3A_200 : vector<512x640xi1> to vector<512x640xi32>
    %convert_element_type3A_202 = arith.sitofp %convert_element_type3A_201 : vector<512x640xi32> to vector<512x640xf32>
    %dot_general3A_203 = arith.constant dense<0.000000e+00> : vector<512x1xf32>
    %dot_general3A_204 = tpu.matmul %convert_element_type3A_202, %add3A_143, %dot_general3A_203 {dimension_numbers = #tpu.dot_dimension_numbers<[1], [0], [0], [1], [0, 0, 1, 1], [], []>, transpose_lhs_hint = false} : vector<512x640xf32>, vector<640x1xf32>, vector<512x1xf32> -> vector<512x1xf32>
    %slice3A_205 = vector.extract_strided_slice %exp3A {offsets = [1536, 0], sizes = [512, 1], strides = [1, 1]} : vector<4096x1xf32> to vector<512x1xf32>
    %max3A_206 = arith.constant 9.99999971E-10 : f32
    %max3A_207 = vector.broadcast %max3A_206 : f32 to vector<512x1xf32>
    %max3A_208 = arith.maximumf %dot_general3A_204, %max3A_207 : vector<512x1xf32>
    %div3A_209 = arith.divf %slice3A_205, %max3A_208 : vector<512x1xf32>
    %slice3A_210 = vector.extract_strided_slice %add3A_73 {offsets = [1536, 0], sizes = [512, 128], strides = [1, 1]} : vector<4096x128xf32> to vector<512x128xf32>
    %mul3A_211 = vector.broadcast %div3A_209 : vector<512x1xf32> to vector<512x128xf32>
    %mul3A_212 = arith.mulf %mul3A_211, %slice3A_210 : vector<512x128xf32>
    %dot_general3A_213 = arith.constant dense<0.000000e+00> : vector<640x128xf32>
    %dot_general3A_214 = tpu.matmul %convert_element_type3A_202, %mul3A_212, %dot_general3A_213 {dimension_numbers = #tpu.dot_dimension_numbers<[0], [0], [1], [1], [0, 1, 1, 1], [], []>, transpose_lhs_hint = false} : vector<512x640xf32>, vector<512x128xf32>, vector<640x128xf32> -> vector<640x128xf32>
    %add3A_215 = arith.addf %add3A_197, %dot_general3A_214 : vector<640x128xf32>
    %slice3A_216 = vector.extract_strided_slice %get3A_1 {offsets = [2048, 0], sizes = [512, 1], strides = [1, 1]} : vector<4096x1xi32> to vector<512x1xi32>
    %eq3A_217 = vector.broadcast %slice3A_216 : vector<512x1xi32> to vector<512x640xi32>
    %eq3A_218 = arith.cmpi eq, %eq3A_217, %iota3A : vector<512x640xi32>
    %convert_element_type3A_219 = arith.extui %eq3A_218 : vector<512x640xi1> to vector<512x640xi32>
    %convert_element_type3A_220 = arith.sitofp %convert_element_type3A_219 : vector<512x640xi32> to vector<512x640xf32>
    %dot_general3A_221 = arith.constant dense<0.000000e+00> : vector<512x1xf32>
    %dot_general3A_222 = tpu.matmul %convert_element_type3A_220, %add3A_143, %dot_general3A_221 {dimension_numbers = #tpu.dot_dimension_numbers<[1], [0], [0], [1], [0, 0, 1, 1], [], []>, transpose_lhs_hint = false} : vector<512x640xf32>, vector<640x1xf32>, vector<512x1xf32> -> vector<512x1xf32>
    %slice3A_223 = vector.extract_strided_slice %exp3A {offsets = [2048, 0], sizes = [512, 1], strides = [1, 1]} : vector<4096x1xf32> to vector<512x1xf32>
    %max3A_224 = arith.constant 9.99999971E-10 : f32
    %max3A_225 = vector.broadcast %max3A_224 : f32 to vector<512x1xf32>
    %max3A_226 = arith.maximumf %dot_general3A_222, %max3A_225 : vector<512x1xf32>
    %div3A_227 = arith.divf %slice3A_223, %max3A_226 : vector<512x1xf32>
    %slice3A_228 = vector.extract_strided_slice %add3A_73 {offsets = [2048, 0], sizes = [512, 128], strides = [1, 1]} : vector<4096x128xf32> to vector<512x128xf32>
    %mul3A_229 = vector.broadcast %div3A_227 : vector<512x1xf32> to vector<512x128xf32>
    %mul3A_230 = arith.mulf %mul3A_229, %slice3A_228 : vector<512x128xf32>
    %dot_general3A_231 = arith.constant dense<0.000000e+00> : vector<640x128xf32>
    %dot_general3A_232 = tpu.matmul %convert_element_type3A_220, %mul3A_230, %dot_general3A_231 {dimension_numbers = #tpu.dot_dimension_numbers<[0], [0], [1], [1], [0, 1, 1, 1], [], []>, transpose_lhs_hint = false} : vector<512x640xf32>, vector<512x128xf32>, vector<640x128xf32> -> vector<640x128xf32>
    %add3A_233 = arith.addf %add3A_215, %dot_general3A_232 : vector<640x128xf32>
    %slice3A_234 = vector.extract_strided_slice %get3A_1 {offsets = [2560, 0], sizes = [512, 1], strides = [1, 1]} : vector<4096x1xi32> to vector<512x1xi32>
    %eq3A_235 = vector.broadcast %slice3A_234 : vector<512x1xi32> to vector<512x640xi32>
    %eq3A_236 = arith.cmpi eq, %eq3A_235, %iota3A : vector<512x640xi32>
    %convert_element_type3A_237 = arith.extui %eq3A_236 : vector<512x640xi1> to vector<512x640xi32>
    %convert_element_type3A_238 = arith.sitofp %convert_element_type3A_237 : vector<512x640xi32> to vector<512x640xf32>
    %dot_general3A_239 = arith.constant dense<0.000000e+00> : vector<512x1xf32>
    %dot_general3A_240 = tpu.matmul %convert_element_type3A_238, %add3A_143, %dot_general3A_239 {dimension_numbers = #tpu.dot_dimension_numbers<[1], [0], [0], [1], [0, 0, 1, 1], [], []>, transpose_lhs_hint = false} : vector<512x640xf32>, vector<640x1xf32>, vector<512x1xf32> -> vector<512x1xf32>
    %slice3A_241 = vector.extract_strided_slice %exp3A {offsets = [2560, 0], sizes = [512, 1], strides = [1, 1]} : vector<4096x1xf32> to vector<512x1xf32>
    %max3A_242 = arith.constant 9.99999971E-10 : f32
    %max3A_243 = vector.broadcast %max3A_242 : f32 to vector<512x1xf32>
    %max3A_244 = arith.maximumf %dot_general3A_240, %max3A_243 : vector<512x1xf32>
    %div3A_245 = arith.divf %slice3A_241, %max3A_244 : vector<512x1xf32>
    %slice3A_246 = vector.extract_strided_slice %add3A_73 {offsets = [2560, 0], sizes = [512, 128], strides = [1, 1]} : vector<4096x128xf32> to vector<512x128xf32>
    %mul3A_247 = vector.broadcast %div3A_245 : vector<512x1xf32> to vector<512x128xf32>
    %mul3A_248 = arith.mulf %mul3A_247, %slice3A_246 : vector<512x128xf32>
    %dot_general3A_249 = arith.constant dense<0.000000e+00> : vector<640x128xf32>
    %dot_general3A_250 = tpu.matmul %convert_element_type3A_238, %mul3A_248, %dot_general3A_249 {dimension_numbers = #tpu.dot_dimension_numbers<[0], [0], [1], [1], [0, 1, 1, 1], [], []>, transpose_lhs_hint = false} : vector<512x640xf32>, vector<512x128xf32>, vector<640x128xf32> -> vector<640x128xf32>
    %add3A_251 = arith.addf %add3A_233, %dot_general3A_250 : vector<640x128xf32>
    %slice3A_252 = vector.extract_strided_slice %get3A_1 {offsets = [3072, 0], sizes = [512, 1], strides = [1, 1]} : vector<4096x1xi32> to vector<512x1xi32>
    %eq3A_253 = vector.broadcast %slice3A_252 : vector<512x1xi32> to vector<512x640xi32>
    %eq3A_254 = arith.cmpi eq, %eq3A_253, %iota3A : vector<512x640xi32>
    %convert_element_type3A_255 = arith.extui %eq3A_254 : vector<512x640xi1> to vector<512x640xi32>
    %convert_element_type3A_256 = arith.sitofp %convert_element_type3A_255 : vector<512x640xi32> to vector<512x640xf32>
    %dot_general3A_257 = arith.constant dense<0.000000e+00> : vector<512x1xf32>
    %dot_general3A_258 = tpu.matmul %convert_element_type3A_256, %add3A_143, %dot_general3A_257 {dimension_numbers = #tpu.dot_dimension_numbers<[1], [0], [0], [1], [0, 0, 1, 1], [], []>, transpose_lhs_hint = false} : vector<512x640xf32>, vector<640x1xf32>, vector<512x1xf32> -> vector<512x1xf32>
    %slice3A_259 = vector.extract_strided_slice %exp3A {offsets = [3072, 0], sizes = [512, 1], strides = [1, 1]} : vector<4096x1xf32> to vector<512x1xf32>
    %max3A_260 = arith.constant 9.99999971E-10 : f32
    %max3A_261 = vector.broadcast %max3A_260 : f32 to vector<512x1xf32>
    %max3A_262 = arith.maximumf %dot_general3A_258, %max3A_261 : vector<512x1xf32>
    %div3A_263 = arith.divf %slice3A_259, %max3A_262 : vector<512x1xf32>
    %slice3A_264 = vector.extract_strided_slice %add3A_73 {offsets = [3072, 0], sizes = [512, 128], strides = [1, 1]} : vector<4096x128xf32> to vector<512x128xf32>
    %mul3A_265 = vector.broadcast %div3A_263 : vector<512x1xf32> to vector<512x128xf32>
    %mul3A_266 = arith.mulf %mul3A_265, %slice3A_264 : vector<512x128xf32>
    %dot_general3A_267 = arith.constant dense<0.000000e+00> : vector<640x128xf32>
    %dot_general3A_268 = tpu.matmul %convert_element_type3A_256, %mul3A_266, %dot_general3A_267 {dimension_numbers = #tpu.dot_dimension_numbers<[0], [0], [1], [1], [0, 1, 1, 1], [], []>, transpose_lhs_hint = false} : vector<512x640xf32>, vector<512x128xf32>, vector<640x128xf32> -> vector<640x128xf32>
    %add3A_269 = arith.addf %add3A_251, %dot_general3A_268 : vector<640x128xf32>
    %slice3A_270 = vector.extract_strided_slice %get3A_1 {offsets = [3584, 0], sizes = [512, 1], strides = [1, 1]} : vector<4096x1xi32> to vector<512x1xi32>
    %eq3A_271 = vector.broadcast %slice3A_270 : vector<512x1xi32> to vector<512x640xi32>
    %eq3A_272 = arith.cmpi eq, %eq3A_271, %iota3A : vector<512x640xi32>
    %convert_element_type3A_273 = arith.extui %eq3A_272 : vector<512x640xi1> to vector<512x640xi32>
    %convert_element_type3A_274 = arith.sitofp %convert_element_type3A_273 : vector<512x640xi32> to vector<512x640xf32>
    %dot_general3A_275 = arith.constant dense<0.000000e+00> : vector<512x1xf32>
    %dot_general3A_276 = tpu.matmul %convert_element_type3A_274, %add3A_143, %dot_general3A_275 {dimension_numbers = #tpu.dot_dimension_numbers<[1], [0], [0], [1], [0, 0, 1, 1], [], []>, transpose_lhs_hint = false} : vector<512x640xf32>, vector<640x1xf32>, vector<512x1xf32> -> vector<512x1xf32>
    %slice3A_277 = vector.extract_strided_slice %exp3A {offsets = [3584, 0], sizes = [512, 1], strides = [1, 1]} : vector<4096x1xf32> to vector<512x1xf32>
    %max3A_278 = arith.constant 9.99999971E-10 : f32
    %max3A_279 = vector.broadcast %max3A_278 : f32 to vector<512x1xf32>
    %max3A_280 = arith.maximumf %dot_general3A_276, %max3A_279 : vector<512x1xf32>
    %div3A_281 = arith.divf %slice3A_277, %max3A_280 : vector<512x1xf32>
    %slice3A_282 = vector.extract_strided_slice %add3A_73 {offsets = [3584, 0], sizes = [512, 128], strides = [1, 1]} : vector<4096x128xf32> to vector<512x128xf32>
    %mul3A_283 = vector.broadcast %div3A_281 : vector<512x1xf32> to vector<512x128xf32>
    %mul3A_284 = arith.mulf %mul3A_283, %slice3A_282 : vector<512x128xf32>
    %dot_general3A_285 = arith.constant dense<0.000000e+00> : vector<640x128xf32>
    %dot_general3A_286 = tpu.matmul %convert_element_type3A_274, %mul3A_284, %dot_general3A_285 {dimension_numbers = #tpu.dot_dimension_numbers<[0], [0], [1], [1], [0, 1, 1, 1], [], []>, transpose_lhs_hint = false} : vector<512x640xf32>, vector<512x128xf32>, vector<640x128xf32> -> vector<640x128xf32>
    %add3A_287 = arith.addf %add3A_269, %dot_general3A_286 : vector<640x128xf32>
    %max3A_288 = arith.constant 0.000000e+00 : f32
    %max3A_289 = vector.broadcast %max3A_288 : f32 to vector<640x128xf32>
    %max3A_290 = arith.maximumf %add3A_287, %max3A_289 : vector<640x128xf32>
    %add3A_291 = arith.addf %max3A_290, %get3A_16 : vector<640x128xf32>
    %get3A_292 = arith.constant 0 : index
    %get3A_293 = arith.constant 0 : index
    %get3A_294 = vector.load %arg17[%get3A_292, %get3A_293] : memref<128x128xf32, #tpu.memory_space<vmem>>, vector<128x128xf32>
    %dot_general3A_295 = arith.constant dense<0.000000e+00> : vector<640x128xf32>
    %dot_general3A_296 = tpu.matmul %add3A_291, %get3A_294, %dot_general3A_295 {dimension_numbers = #tpu.dot_dimension_numbers<[1], [0], [0], [1], [0, 0, 1, 1], [], []>, transpose_lhs_hint = false} : vector<640x128xf32>, vector<128x128xf32>, vector<640x128xf32> -> vector<640x128xf32>
    %get3A_297 = arith.constant 0 : index
    %get3A_298 = arith.constant 0 : index
    %get3A_299 = vector.load %arg21[%get3A_297, %get3A_298] : memref<1x128xf32, #tpu.memory_space<vmem>>, vector<1x128xf32>
    %add3A_300 = vector.broadcast %get3A_299 : vector<1x128xf32> to vector<640x128xf32>
    %add3A_301 = arith.addf %dot_general3A_296, %add3A_300 : vector<640x128xf32>
    %get3A_302 = arith.constant 0 : index
    %get3A_303 = arith.constant 0 : index
    %get3A_304 = vector.load %arg18[%get3A_302, %get3A_303] : memref<128x128xf32, #tpu.memory_space<vmem>>, vector<128x128xf32>
    %dot_general3A_305 = arith.constant dense<0.000000e+00> : vector<640x128xf32>
    %dot_general3A_306 = tpu.matmul %add3A_291, %get3A_304, %dot_general3A_305 {dimension_numbers = #tpu.dot_dimension_numbers<[1], [0], [0], [1], [0, 0, 1, 1], [], []>, transpose_lhs_hint = false} : vector<640x128xf32>, vector<128x128xf32>, vector<640x128xf32> -> vector<640x128xf32>
    %get3A_307 = arith.constant 0 : index
    %get3A_308 = arith.constant 0 : index
    %get3A_309 = vector.load %arg22[%get3A_307, %get3A_308] : memref<1x128xf32, #tpu.memory_space<vmem>>, vector<1x128xf32>
    %add3A_310 = vector.broadcast %get3A_309 : vector<1x128xf32> to vector<640x128xf32>
    %add3A_311 = arith.addf %dot_general3A_306, %add3A_310 : vector<640x128xf32>
    %get3A_312 = arith.constant 0 : index
    %get3A_313 = arith.constant 0 : index
    %get3A_314 = vector.load %arg20[%get3A_312, %get3A_313] : memref<128x128xf32, #tpu.memory_space<vmem>>, vector<128x128xf32>
    %dot_general3A_315 = arith.constant dense<0.000000e+00> : vector<640x128xf32>
    %dot_general3A_316 = tpu.matmul %add3A_291, %get3A_314, %dot_general3A_315 {dimension_numbers = #tpu.dot_dimension_numbers<[1], [0], [0], [1], [0, 0, 1, 1], [], []>, transpose_lhs_hint = false} : vector<640x128xf32>, vector<128x128xf32>, vector<640x128xf32> -> vector<640x128xf32>
    %get3A_317 = arith.constant 0 : index
    %get3A_318 = arith.constant 0 : index
    %get3A_319 = vector.load %arg24[%get3A_317, %get3A_318] : memref<1x128xf32, #tpu.memory_space<vmem>>, vector<1x128xf32>
    %add3A_320 = vector.broadcast %get3A_319 : vector<1x128xf32> to vector<640x128xf32>
    %add3A_321 = arith.addf %dot_general3A_316, %add3A_320 : vector<640x128xf32>
    %eq3A_322 = arith.constant 0 : i32
    %eq3A_323 = vector.broadcast %eq3A_322 : i32 to vector<4096x1xi32>
    %eq3A_324 = arith.cmpi eq, %get3A_19, %eq3A_323 : vector<4096x1xi32>
    %ge3A_325 = arith.constant 0 : i32
    %ge3A_326 = vector.broadcast %ge3A_325 : i32 to vector<4096x1xi32>
    %ge3A_327 = arith.cmpi sge, %get3A_1, %ge3A_326 : vector<4096x1xi32>
    %and3A = arith.andi %eq3A_324, %ge3A_327 : vector<4096x1xi1>
    %broadcast_in_dim3A_328 = arith.constant 0.000000e+00 : f32
    %broadcast_in_dim3A_329 = vector.broadcast %broadcast_in_dim3A_328 : f32 to vector<1x640xf32>
    %slice3A_330 = vector.extract_strided_slice %get3A_1 {offsets = [0, 0], sizes = [512, 1], strides = [1, 1]} : vector<4096x1xi32> to vector<512x1xi32>
    %eq3A_331 = vector.broadcast %slice3A_330 : vector<512x1xi32> to vector<512x640xi32>
    %eq3A_332 = arith.cmpi eq, %eq3A_331, %iota3A : vector<512x640xi32>
    %convert_element_type3A_333 = arith.extui %eq3A_332 : vector<512x640xi1> to vector<512x640xi32>
    %convert_element_type3A_334 = arith.sitofp %convert_element_type3A_333 : vector<512x640xi32> to vector<512x640xf32>
    %slice3A_335 = vector.extract_strided_slice %and3A {offsets = [0, 0], sizes = [512, 1], strides = [1, 1]} : vector<4096x1xi1> to vector<512x1xi1>
    %jit3A = arith.constant 1.000000e+00 : f32
    %jit3A_336 = arith.constant 0.000000e+00 : f32
    %broadcast_in_dim3A_337 = vector.broadcast %jit3A : f32 to vector<512x1xf32>
    %broadcast_in_dim3A_338 = vector.broadcast %jit3A_336 : f32 to vector<512x1xf32>
    %select_n3A_339 = arith.select %slice3A_335, %broadcast_in_dim3A_337, %broadcast_in_dim3A_338 : vector<512x1xi1>, vector<512x1xf32>
    %mul3A_340 = vector.broadcast %select_n3A_339 : vector<512x1xf32> to vector<512x640xf32>
    %mul3A_341 = arith.mulf %convert_element_type3A_334, %mul3A_340 : vector<512x640xf32>
    %reduce_max3A_342 = arith.constant dense<0xFF800000> : vector<640xf32>
    %reduce_max3A_343 = vector.multi_reduction <maximumf>, %mul3A_341, %reduce_max3A_342 [0] : vector<512x640xf32> to vector<640xf32>
    %broadcast_in_dim3A_344 = vector.shape_cast %reduce_max3A_343 : vector<640xf32> to vector<1x640xf32>
    %max3A_345 = arith.maximumf %broadcast_in_dim3A_329, %broadcast_in_dim3A_344 : vector<1x640xf32>
    %slice3A_346 = vector.extract_strided_slice %get3A_1 {offsets = [512, 0], sizes = [512, 1], strides = [1, 1]} : vector<4096x1xi32> to vector<512x1xi32>
    %eq3A_347 = vector.broadcast %slice3A_346 : vector<512x1xi32> to vector<512x640xi32>
    %eq3A_348 = arith.cmpi eq, %eq3A_347, %iota3A : vector<512x640xi32>
    %convert_element_type3A_349 = arith.extui %eq3A_348 : vector<512x640xi1> to vector<512x640xi32>
    %convert_element_type3A_350 = arith.sitofp %convert_element_type3A_349 : vector<512x640xi32> to vector<512x640xf32>
    %slice3A_351 = vector.extract_strided_slice %and3A {offsets = [512, 0], sizes = [512, 1], strides = [1, 1]} : vector<4096x1xi1> to vector<512x1xi1>
    %jit3A_352 = arith.constant 1.000000e+00 : f32
    %jit3A_353 = arith.constant 0.000000e+00 : f32
    %broadcast_in_dim3A_354 = vector.broadcast %jit3A_352 : f32 to vector<512x1xf32>
    %broadcast_in_dim3A_355 = vector.broadcast %jit3A_353 : f32 to vector<512x1xf32>
    %select_n3A_356 = arith.select %slice3A_351, %broadcast_in_dim3A_354, %broadcast_in_dim3A_355 : vector<512x1xi1>, vector<512x1xf32>
    %mul3A_357 = vector.broadcast %select_n3A_356 : vector<512x1xf32> to vector<512x640xf32>
    %mul3A_358 = arith.mulf %convert_element_type3A_350, %mul3A_357 : vector<512x640xf32>
    %reduce_max3A_359 = arith.constant dense<0xFF800000> : vector<640xf32>
    %reduce_max3A_360 = vector.multi_reduction <maximumf>, %mul3A_358, %reduce_max3A_359 [0] : vector<512x640xf32> to vector<640xf32>
    %broadcast_in_dim3A_361 = vector.shape_cast %reduce_max3A_360 : vector<640xf32> to vector<1x640xf32>
    %max3A_362 = arith.maximumf %max3A_345, %broadcast_in_dim3A_361 : vector<1x640xf32>
    %slice3A_363 = vector.extract_strided_slice %get3A_1 {offsets = [1024, 0], sizes = [512, 1], strides = [1, 1]} : vector<4096x1xi32> to vector<512x1xi32>
    %eq3A_364 = vector.broadcast %slice3A_363 : vector<512x1xi32> to vector<512x640xi32>
    %eq3A_365 = arith.cmpi eq, %eq3A_364, %iota3A : vector<512x640xi32>
    %convert_element_type3A_366 = arith.extui %eq3A_365 : vector<512x640xi1> to vector<512x640xi32>
    %convert_element_type3A_367 = arith.sitofp %convert_element_type3A_366 : vector<512x640xi32> to vector<512x640xf32>
    %slice3A_368 = vector.extract_strided_slice %and3A {offsets = [1024, 0], sizes = [512, 1], strides = [1, 1]} : vector<4096x1xi1> to vector<512x1xi1>
    %jit3A_369 = arith.constant 1.000000e+00 : f32
    %jit3A_370 = arith.constant 0.000000e+00 : f32
    %broadcast_in_dim3A_371 = vector.broadcast %jit3A_369 : f32 to vector<512x1xf32>
    %broadcast_in_dim3A_372 = vector.broadcast %jit3A_370 : f32 to vector<512x1xf32>
    %select_n3A_373 = arith.select %slice3A_368, %broadcast_in_dim3A_371, %broadcast_in_dim3A_372 : vector<512x1xi1>, vector<512x1xf32>
    %mul3A_374 = vector.broadcast %select_n3A_373 : vector<512x1xf32> to vector<512x640xf32>
    %mul3A_375 = arith.mulf %convert_element_type3A_367, %mul3A_374 : vector<512x640xf32>
    %reduce_max3A_376 = arith.constant dense<0xFF800000> : vector<640xf32>
    %reduce_max3A_377 = vector.multi_reduction <maximumf>, %mul3A_375, %reduce_max3A_376 [0] : vector<512x640xf32> to vector<640xf32>
    %broadcast_in_dim3A_378 = vector.shape_cast %reduce_max3A_377 : vector<640xf32> to vector<1x640xf32>
    %max3A_379 = arith.maximumf %max3A_362, %broadcast_in_dim3A_378 : vector<1x640xf32>
    %slice3A_380 = vector.extract_strided_slice %get3A_1 {offsets = [1536, 0], sizes = [512, 1], strides = [1, 1]} : vector<4096x1xi32> to vector<512x1xi32>
    %eq3A_381 = vector.broadcast %slice3A_380 : vector<512x1xi32> to vector<512x640xi32>
    %eq3A_382 = arith.cmpi eq, %eq3A_381, %iota3A : vector<512x640xi32>
    %convert_element_type3A_383 = arith.extui %eq3A_382 : vector<512x640xi1> to vector<512x640xi32>
    %convert_element_type3A_384 = arith.sitofp %convert_element_type3A_383 : vector<512x640xi32> to vector<512x640xf32>
    %slice3A_385 = vector.extract_strided_slice %and3A {offsets = [1536, 0], sizes = [512, 1], strides = [1, 1]} : vector<4096x1xi1> to vector<512x1xi1>
    %jit3A_386 = arith.constant 1.000000e+00 : f32
    %jit3A_387 = arith.constant 0.000000e+00 : f32
    %broadcast_in_dim3A_388 = vector.broadcast %jit3A_386 : f32 to vector<512x1xf32>
    %broadcast_in_dim3A_389 = vector.broadcast %jit3A_387 : f32 to vector<512x1xf32>
    %select_n3A_390 = arith.select %slice3A_385, %broadcast_in_dim3A_388, %broadcast_in_dim3A_389 : vector<512x1xi1>, vector<512x1xf32>
    %mul3A_391 = vector.broadcast %select_n3A_390 : vector<512x1xf32> to vector<512x640xf32>
    %mul3A_392 = arith.mulf %convert_element_type3A_384, %mul3A_391 : vector<512x640xf32>
    %reduce_max3A_393 = arith.constant dense<0xFF800000> : vector<640xf32>
    %reduce_max3A_394 = vector.multi_reduction <maximumf>, %mul3A_392, %reduce_max3A_393 [0] : vector<512x640xf32> to vector<640xf32>
    %broadcast_in_dim3A_395 = vector.shape_cast %reduce_max3A_394 : vector<640xf32> to vector<1x640xf32>
    %max3A_396 = arith.maximumf %max3A_379, %broadcast_in_dim3A_395 : vector<1x640xf32>
    %slice3A_397 = vector.extract_strided_slice %get3A_1 {offsets = [2048, 0], sizes = [512, 1], strides = [1, 1]} : vector<4096x1xi32> to vector<512x1xi32>
    %eq3A_398 = vector.broadcast %slice3A_397 : vector<512x1xi32> to vector<512x640xi32>
    %eq3A_399 = arith.cmpi eq, %eq3A_398, %iota3A : vector<512x640xi32>
    %convert_element_type3A_400 = arith.extui %eq3A_399 : vector<512x640xi1> to vector<512x640xi32>
    %convert_element_type3A_401 = arith.sitofp %convert_element_type3A_400 : vector<512x640xi32> to vector<512x640xf32>
    %slice3A_402 = vector.extract_strided_slice %and3A {offsets = [2048, 0], sizes = [512, 1], strides = [1, 1]} : vector<4096x1xi1> to vector<512x1xi1>
    %jit3A_403 = arith.constant 1.000000e+00 : f32
    %jit3A_404 = arith.constant 0.000000e+00 : f32
    %broadcast_in_dim3A_405 = vector.broadcast %jit3A_403 : f32 to vector<512x1xf32>
    %broadcast_in_dim3A_406 = vector.broadcast %jit3A_404 : f32 to vector<512x1xf32>
    %select_n3A_407 = arith.select %slice3A_402, %broadcast_in_dim3A_405, %broadcast_in_dim3A_406 : vector<512x1xi1>, vector<512x1xf32>
    %mul3A_408 = vector.broadcast %select_n3A_407 : vector<512x1xf32> to vector<512x640xf32>
    %mul3A_409 = arith.mulf %convert_element_type3A_401, %mul3A_408 : vector<512x640xf32>
    %reduce_max3A_410 = arith.constant dense<0xFF800000> : vector<640xf32>
    %reduce_max3A_411 = vector.multi_reduction <maximumf>, %mul3A_409, %reduce_max3A_410 [0] : vector<512x640xf32> to vector<640xf32>
    %broadcast_in_dim3A_412 = vector.shape_cast %reduce_max3A_411 : vector<640xf32> to vector<1x640xf32>
    %max3A_413 = arith.maximumf %max3A_396, %broadcast_in_dim3A_412 : vector<1x640xf32>
    %slice3A_414 = vector.extract_strided_slice %get3A_1 {offsets = [2560, 0], sizes = [512, 1], strides = [1, 1]} : vector<4096x1xi32> to vector<512x1xi32>
    %eq3A_415 = vector.broadcast %slice3A_414 : vector<512x1xi32> to vector<512x640xi32>
    %eq3A_416 = arith.cmpi eq, %eq3A_415, %iota3A : vector<512x640xi32>
    %convert_element_type3A_417 = arith.extui %eq3A_416 : vector<512x640xi1> to vector<512x640xi32>
    %convert_element_type3A_418 = arith.sitofp %convert_element_type3A_417 : vector<512x640xi32> to vector<512x640xf32>
    %slice3A_419 = vector.extract_strided_slice %and3A {offsets = [2560, 0], sizes = [512, 1], strides = [1, 1]} : vector<4096x1xi1> to vector<512x1xi1>
    %jit3A_420 = arith.constant 1.000000e+00 : f32
    %jit3A_421 = arith.constant 0.000000e+00 : f32
    %broadcast_in_dim3A_422 = vector.broadcast %jit3A_420 : f32 to vector<512x1xf32>
    %broadcast_in_dim3A_423 = vector.broadcast %jit3A_421 : f32 to vector<512x1xf32>
    %select_n3A_424 = arith.select %slice3A_419, %broadcast_in_dim3A_422, %broadcast_in_dim3A_423 : vector<512x1xi1>, vector<512x1xf32>
    %mul3A_425 = vector.broadcast %select_n3A_424 : vector<512x1xf32> to vector<512x640xf32>
    %mul3A_426 = arith.mulf %convert_element_type3A_418, %mul3A_425 : vector<512x640xf32>
    %reduce_max3A_427 = arith.constant dense<0xFF800000> : vector<640xf32>
    %reduce_max3A_428 = vector.multi_reduction <maximumf>, %mul3A_426, %reduce_max3A_427 [0] : vector<512x640xf32> to vector<640xf32>
    %broadcast_in_dim3A_429 = vector.shape_cast %reduce_max3A_428 : vector<640xf32> to vector<1x640xf32>
    %max3A_430 = arith.maximumf %max3A_413, %broadcast_in_dim3A_429 : vector<1x640xf32>
    %slice3A_431 = vector.extract_strided_slice %get3A_1 {offsets = [3072, 0], sizes = [512, 1], strides = [1, 1]} : vector<4096x1xi32> to vector<512x1xi32>
    %eq3A_432 = vector.broadcast %slice3A_431 : vector<512x1xi32> to vector<512x640xi32>
    %eq3A_433 = arith.cmpi eq, %eq3A_432, %iota3A : vector<512x640xi32>
    %convert_element_type3A_434 = arith.extui %eq3A_433 : vector<512x640xi1> to vector<512x640xi32>
    %convert_element_type3A_435 = arith.sitofp %convert_element_type3A_434 : vector<512x640xi32> to vector<512x640xf32>
    %slice3A_436 = vector.extract_strided_slice %and3A {offsets = [3072, 0], sizes = [512, 1], strides = [1, 1]} : vector<4096x1xi1> to vector<512x1xi1>
    %jit3A_437 = arith.constant 1.000000e+00 : f32
    %jit3A_438 = arith.constant 0.000000e+00 : f32
    %broadcast_in_dim3A_439 = vector.broadcast %jit3A_437 : f32 to vector<512x1xf32>
    %broadcast_in_dim3A_440 = vector.broadcast %jit3A_438 : f32 to vector<512x1xf32>
    %select_n3A_441 = arith.select %slice3A_436, %broadcast_in_dim3A_439, %broadcast_in_dim3A_440 : vector<512x1xi1>, vector<512x1xf32>
    %mul3A_442 = vector.broadcast %select_n3A_441 : vector<512x1xf32> to vector<512x640xf32>
    %mul3A_443 = arith.mulf %convert_element_type3A_435, %mul3A_442 : vector<512x640xf32>
    %reduce_max3A_444 = arith.constant dense<0xFF800000> : vector<640xf32>
    %reduce_max3A_445 = vector.multi_reduction <maximumf>, %mul3A_443, %reduce_max3A_444 [0] : vector<512x640xf32> to vector<640xf32>
    %broadcast_in_dim3A_446 = vector.shape_cast %reduce_max3A_445 : vector<640xf32> to vector<1x640xf32>
    %max3A_447 = arith.maximumf %max3A_430, %broadcast_in_dim3A_446 : vector<1x640xf32>
    %slice3A_448 = vector.extract_strided_slice %get3A_1 {offsets = [3584, 0], sizes = [512, 1], strides = [1, 1]} : vector<4096x1xi32> to vector<512x1xi32>
    %eq3A_449 = vector.broadcast %slice3A_448 : vector<512x1xi32> to vector<512x640xi32>
    %eq3A_450 = arith.cmpi eq, %eq3A_449, %iota3A : vector<512x640xi32>
    %convert_element_type3A_451 = arith.extui %eq3A_450 : vector<512x640xi1> to vector<512x640xi32>
    %convert_element_type3A_452 = arith.sitofp %convert_element_type3A_451 : vector<512x640xi32> to vector<512x640xf32>
    %slice3A_453 = vector.extract_strided_slice %and3A {offsets = [3584, 0], sizes = [512, 1], strides = [1, 1]} : vector<4096x1xi1> to vector<512x1xi1>
    %jit3A_454 = arith.constant 1.000000e+00 : f32
    %jit3A_455 = arith.constant 0.000000e+00 : f32
    %broadcast_in_dim3A_456 = vector.broadcast %jit3A_454 : f32 to vector<512x1xf32>
    %broadcast_in_dim3A_457 = vector.broadcast %jit3A_455 : f32 to vector<512x1xf32>
    %select_n3A_458 = arith.select %slice3A_453, %broadcast_in_dim3A_456, %broadcast_in_dim3A_457 : vector<512x1xi1>, vector<512x1xf32>
    %mul3A_459 = vector.broadcast %select_n3A_458 : vector<512x1xf32> to vector<512x640xf32>
    %mul3A_460 = arith.mulf %convert_element_type3A_452, %mul3A_459 : vector<512x640xf32>
    %reduce_max3A_461 = arith.constant dense<0xFF800000> : vector<640xf32>
    %reduce_max3A_462 = vector.multi_reduction <maximumf>, %mul3A_460, %reduce_max3A_461 [0] : vector<512x640xf32> to vector<640xf32>
    %broadcast_in_dim3A_463 = vector.shape_cast %reduce_max3A_462 : vector<640xf32> to vector<1x640xf32>
    %max3A_464 = arith.maximumf %max3A_447, %broadcast_in_dim3A_463 : vector<1x640xf32>
    %dot_general3A_465 = arith.constant dense<0.000000e+00> : vector<1x128xf32>
    %dot_general3A_466 = tpu.matmul %max3A_464, %add3A_311, %dot_general3A_465 {dimension_numbers = #tpu.dot_dimension_numbers<[1], [0], [0], [1], [0, 0, 1, 1], [], []>, transpose_lhs_hint = false} : vector<1x640xf32>, vector<640x128xf32>, vector<1x128xf32> -> vector<1x128xf32>
    %max3A_467 = arith.constant 0.000000e+00 : f32
    %max3A_468 = vector.broadcast %max3A_467 : f32 to vector<4096x128xf32>
    %max3A_469 = arith.maximumf %select_n3A, %max3A_468 : vector<4096x128xf32>
    %add3A_470 = arith.addf %max3A_469, %get3A_13 : vector<4096x128xf32>
    %get3A_471 = arith.constant 0 : index
    %get3A_472 = arith.constant 0 : index
    %get3A_473 = vector.load %arg19[%get3A_471, %get3A_472] : memref<128x128xf32, #tpu.memory_space<vmem>>, vector<128x128xf32>
    %dot_general3A_474 = arith.constant dense<0.000000e+00> : vector<4096x128xf32>
    %dot_general3A_475 = tpu.matmul %add3A_470, %get3A_473, %dot_general3A_474 {dimension_numbers = #tpu.dot_dimension_numbers<[1], [0], [0], [1], [0, 0, 1, 1], [], []>, transpose_lhs_hint = false} : vector<4096x128xf32>, vector<128x128xf32>, vector<4096x128xf32> -> vector<4096x128xf32>
    %get3A_476 = arith.constant 0 : index
    %get3A_477 = arith.constant 0 : index
    %get3A_478 = vector.load %arg23[%get3A_476, %get3A_477] : memref<1x128xf32, #tpu.memory_space<vmem>>, vector<1x128xf32>
    %add3A_479 = vector.broadcast %get3A_478 : vector<1x128xf32> to vector<4096x128xf32>
    %add3A_480 = arith.addf %dot_general3A_475, %add3A_479 : vector<4096x128xf32>
    %slice3A_481 = vector.extract_strided_slice %get3A_4 {offsets = [0, 0], sizes = [512, 1], strides = [1, 1]} : vector<4096x1xi32> to vector<512x1xi32>
    %eq3A_482 = vector.broadcast %slice3A_481 : vector<512x1xi32> to vector<512x640xi32>
    %eq3A_483 = arith.cmpi eq, %eq3A_482, %iota3A : vector<512x640xi32>
    %convert_element_type3A_484 = arith.extui %eq3A_483 : vector<512x640xi1> to vector<512x640xi32>
    %convert_element_type3A_485 = arith.sitofp %convert_element_type3A_484 : vector<512x640xi32> to vector<512x640xf32>
    %dot_general3A_486 = arith.constant dense<0.000000e+00> : vector<512x128xf32>
    %dot_general3A_487 = tpu.matmul %convert_element_type3A_485, %add3A_301, %dot_general3A_486 {dimension_numbers = #tpu.dot_dimension_numbers<[1], [0], [0], [1], [0, 0, 1, 1], [], []>, transpose_lhs_hint = false} : vector<512x640xf32>, vector<640x128xf32>, vector<512x128xf32> -> vector<512x128xf32>
    %add3A_488 = vector.broadcast %dot_general3A_466 : vector<1x128xf32> to vector<512x128xf32>
    %add3A_489 = arith.addf %dot_general3A_487, %add3A_488 : vector<512x128xf32>
    %slice3A_490 = vector.extract_strided_slice %add3A_480 {offsets = [0, 0], sizes = [512, 128], strides = [1, 1]} : vector<4096x128xf32> to vector<512x128xf32>
    %add3A_491 = arith.addf %add3A_489, %slice3A_490 : vector<512x128xf32>
    %ge3A_492 = arith.constant 0.000000e+00 : f32
    %ge3A_493 = vector.broadcast %ge3A_492 : f32 to vector<512x128xf32>
    %ge3A_494 = arith.cmpf oge, %add3A_491, %ge3A_493 : vector<512x128xf32>
    %mul3A_495 = arith.constant 2.000000e-01 : f32
    %mul3A_496 = vector.broadcast %mul3A_495 : f32 to vector<512x128xf32>
    %mul3A_497 = arith.mulf %mul3A_496, %add3A_491 : vector<512x128xf32>
    %select_n3A_498 = arith.select %ge3A_494, %add3A_491, %mul3A_497 : vector<512x128xi1>, vector<512x128xf32>
    %get3A_499 = arith.constant 0 : index
    %get3A_500 = arith.constant 0 : index
    %get3A_501 = vector.load %arg25[%get3A_499, %get3A_500] : memref<128x1xf32, #tpu.memory_space<vmem>>, vector<128x1xf32>
    %dot_general3A_502 = arith.constant dense<0.000000e+00> : vector<512x1xf32>
    %dot_general3A_503 = tpu.matmul %select_n3A_498, %get3A_501, %dot_general3A_502 {dimension_numbers = #tpu.dot_dimension_numbers<[1], [0], [0], [1], [0, 0, 1, 1], [], []>, transpose_lhs_hint = false} : vector<512x128xf32>, vector<128x1xf32>, vector<512x1xf32> -> vector<512x1xf32>
    %dot_general3A_504 = arith.constant dense<0.000000e+00> : vector<512x128xf32>
    %dot_general3A_505 = tpu.matmul %convert_element_type3A_485, %add3A_321, %dot_general3A_504 {dimension_numbers = #tpu.dot_dimension_numbers<[1], [0], [0], [1], [0, 0, 1, 1], [], []>, transpose_lhs_hint = false} : vector<512x640xf32>, vector<640x128xf32>, vector<512x128xf32> -> vector<512x128xf32>
    %slice3A_506 = vector.extract_strided_slice %get3A_4 {offsets = [512, 0], sizes = [512, 1], strides = [1, 1]} : vector<4096x1xi32> to vector<512x1xi32>
    %eq3A_507 = vector.broadcast %slice3A_506 : vector<512x1xi32> to vector<512x640xi32>
    %eq3A_508 = arith.cmpi eq, %eq3A_507, %iota3A : vector<512x640xi32>
    %convert_element_type3A_509 = arith.extui %eq3A_508 : vector<512x640xi1> to vector<512x640xi32>
    %convert_element_type3A_510 = arith.sitofp %convert_element_type3A_509 : vector<512x640xi32> to vector<512x640xf32>
    %dot_general3A_511 = arith.constant dense<0.000000e+00> : vector<512x128xf32>
    %dot_general3A_512 = tpu.matmul %convert_element_type3A_510, %add3A_301, %dot_general3A_511 {dimension_numbers = #tpu.dot_dimension_numbers<[1], [0], [0], [1], [0, 0, 1, 1], [], []>, transpose_lhs_hint = false} : vector<512x640xf32>, vector<640x128xf32>, vector<512x128xf32> -> vector<512x128xf32>
    %add3A_513 = vector.broadcast %dot_general3A_466 : vector<1x128xf32> to vector<512x128xf32>
    %add3A_514 = arith.addf %dot_general3A_512, %add3A_513 : vector<512x128xf32>
    %slice3A_515 = vector.extract_strided_slice %add3A_480 {offsets = [512, 0], sizes = [512, 128], strides = [1, 1]} : vector<4096x128xf32> to vector<512x128xf32>
    %add3A_516 = arith.addf %add3A_514, %slice3A_515 : vector<512x128xf32>
    %ge3A_517 = arith.constant 0.000000e+00 : f32
    %ge3A_518 = vector.broadcast %ge3A_517 : f32 to vector<512x128xf32>
    %ge3A_519 = arith.cmpf oge, %add3A_516, %ge3A_518 : vector<512x128xf32>
    %mul3A_520 = arith.constant 2.000000e-01 : f32
    %mul3A_521 = vector.broadcast %mul3A_520 : f32 to vector<512x128xf32>
    %mul3A_522 = arith.mulf %mul3A_521, %add3A_516 : vector<512x128xf32>
    %select_n3A_523 = arith.select %ge3A_519, %add3A_516, %mul3A_522 : vector<512x128xi1>, vector<512x128xf32>
    %get3A_524 = arith.constant 0 : index
    %get3A_525 = arith.constant 0 : index
    %get3A_526 = vector.load %arg25[%get3A_524, %get3A_525] : memref<128x1xf32, #tpu.memory_space<vmem>>, vector<128x1xf32>
    %dot_general3A_527 = arith.constant dense<0.000000e+00> : vector<512x1xf32>
    %dot_general3A_528 = tpu.matmul %select_n3A_523, %get3A_526, %dot_general3A_527 {dimension_numbers = #tpu.dot_dimension_numbers<[1], [0], [0], [1], [0, 0, 1, 1], [], []>, transpose_lhs_hint = false} : vector<512x128xf32>, vector<128x1xf32>, vector<512x1xf32> -> vector<512x1xf32>
    %dot_general3A_529 = arith.constant dense<0.000000e+00> : vector<512x128xf32>
    %dot_general3A_530 = tpu.matmul %convert_element_type3A_510, %add3A_321, %dot_general3A_529 {dimension_numbers = #tpu.dot_dimension_numbers<[1], [0], [0], [1], [0, 0, 1, 1], [], []>, transpose_lhs_hint = false} : vector<512x640xf32>, vector<640x128xf32>, vector<512x128xf32> -> vector<512x128xf32>
    %slice3A_531 = vector.extract_strided_slice %get3A_4 {offsets = [1024, 0], sizes = [512, 1], strides = [1, 1]} : vector<4096x1xi32> to vector<512x1xi32>
    %eq3A_532 = vector.broadcast %slice3A_531 : vector<512x1xi32> to vector<512x640xi32>
    %eq3A_533 = arith.cmpi eq, %eq3A_532, %iota3A : vector<512x640xi32>
    %convert_element_type3A_534 = arith.extui %eq3A_533 : vector<512x640xi1> to vector<512x640xi32>
    %convert_element_type3A_535 = arith.sitofp %convert_element_type3A_534 : vector<512x640xi32> to vector<512x640xf32>
    %dot_general3A_536 = arith.constant dense<0.000000e+00> : vector<512x128xf32>
    %dot_general3A_537 = tpu.matmul %convert_element_type3A_535, %add3A_301, %dot_general3A_536 {dimension_numbers = #tpu.dot_dimension_numbers<[1], [0], [0], [1], [0, 0, 1, 1], [], []>, transpose_lhs_hint = false} : vector<512x640xf32>, vector<640x128xf32>, vector<512x128xf32> -> vector<512x128xf32>
    %add3A_538 = vector.broadcast %dot_general3A_466 : vector<1x128xf32> to vector<512x128xf32>
    %add3A_539 = arith.addf %dot_general3A_537, %add3A_538 : vector<512x128xf32>
    %slice3A_540 = vector.extract_strided_slice %add3A_480 {offsets = [1024, 0], sizes = [512, 128], strides = [1, 1]} : vector<4096x128xf32> to vector<512x128xf32>
    %add3A_541 = arith.addf %add3A_539, %slice3A_540 : vector<512x128xf32>
    %ge3A_542 = arith.constant 0.000000e+00 : f32
    %ge3A_543 = vector.broadcast %ge3A_542 : f32 to vector<512x128xf32>
    %ge3A_544 = arith.cmpf oge, %add3A_541, %ge3A_543 : vector<512x128xf32>
    %mul3A_545 = arith.constant 2.000000e-01 : f32
    %mul3A_546 = vector.broadcast %mul3A_545 : f32 to vector<512x128xf32>
    %mul3A_547 = arith.mulf %mul3A_546, %add3A_541 : vector<512x128xf32>
    %select_n3A_548 = arith.select %ge3A_544, %add3A_541, %mul3A_547 : vector<512x128xi1>, vector<512x128xf32>
    %get3A_549 = arith.constant 0 : index
    %get3A_550 = arith.constant 0 : index
    %get3A_551 = vector.load %arg25[%get3A_549, %get3A_550] : memref<128x1xf32, #tpu.memory_space<vmem>>, vector<128x1xf32>
    %dot_general3A_552 = arith.constant dense<0.000000e+00> : vector<512x1xf32>
    %dot_general3A_553 = tpu.matmul %select_n3A_548, %get3A_551, %dot_general3A_552 {dimension_numbers = #tpu.dot_dimension_numbers<[1], [0], [0], [1], [0, 0, 1, 1], [], []>, transpose_lhs_hint = false} : vector<512x128xf32>, vector<128x1xf32>, vector<512x1xf32> -> vector<512x1xf32>
    %dot_general3A_554 = arith.constant dense<0.000000e+00> : vector<512x128xf32>
    %dot_general3A_555 = tpu.matmul %convert_element_type3A_535, %add3A_321, %dot_general3A_554 {dimension_numbers = #tpu.dot_dimension_numbers<[1], [0], [0], [1], [0, 0, 1, 1], [], []>, transpose_lhs_hint = false} : vector<512x640xf32>, vector<640x128xf32>, vector<512x128xf32> -> vector<512x128xf32>
    %slice3A_556 = vector.extract_strided_slice %get3A_4 {offsets = [1536, 0], sizes = [512, 1], strides = [1, 1]} : vector<4096x1xi32> to vector<512x1xi32>
    %eq3A_557 = vector.broadcast %slice3A_556 : vector<512x1xi32> to vector<512x640xi32>
    %eq3A_558 = arith.cmpi eq, %eq3A_557, %iota3A : vector<512x640xi32>
    %convert_element_type3A_559 = arith.extui %eq3A_558 : vector<512x640xi1> to vector<512x640xi32>
    %convert_element_type3A_560 = arith.sitofp %convert_element_type3A_559 : vector<512x640xi32> to vector<512x640xf32>
    %dot_general3A_561 = arith.constant dense<0.000000e+00> : vector<512x128xf32>
    %dot_general3A_562 = tpu.matmul %convert_element_type3A_560, %add3A_301, %dot_general3A_561 {dimension_numbers = #tpu.dot_dimension_numbers<[1], [0], [0], [1], [0, 0, 1, 1], [], []>, transpose_lhs_hint = false} : vector<512x640xf32>, vector<640x128xf32>, vector<512x128xf32> -> vector<512x128xf32>
    %add3A_563 = vector.broadcast %dot_general3A_466 : vector<1x128xf32> to vector<512x128xf32>
    %add3A_564 = arith.addf %dot_general3A_562, %add3A_563 : vector<512x128xf32>
    %slice3A_565 = vector.extract_strided_slice %add3A_480 {offsets = [1536, 0], sizes = [512, 128], strides = [1, 1]} : vector<4096x128xf32> to vector<512x128xf32>
    %add3A_566 = arith.addf %add3A_564, %slice3A_565 : vector<512x128xf32>
    %ge3A_567 = arith.constant 0.000000e+00 : f32
    %ge3A_568 = vector.broadcast %ge3A_567 : f32 to vector<512x128xf32>
    %ge3A_569 = arith.cmpf oge, %add3A_566, %ge3A_568 : vector<512x128xf32>
    %mul3A_570 = arith.constant 2.000000e-01 : f32
    %mul3A_571 = vector.broadcast %mul3A_570 : f32 to vector<512x128xf32>
    %mul3A_572 = arith.mulf %mul3A_571, %add3A_566 : vector<512x128xf32>
    %select_n3A_573 = arith.select %ge3A_569, %add3A_566, %mul3A_572 : vector<512x128xi1>, vector<512x128xf32>
    %get3A_574 = arith.constant 0 : index
    %get3A_575 = arith.constant 0 : index
    %get3A_576 = vector.load %arg25[%get3A_574, %get3A_575] : memref<128x1xf32, #tpu.memory_space<vmem>>, vector<128x1xf32>
    %dot_general3A_577 = arith.constant dense<0.000000e+00> : vector<512x1xf32>
    %dot_general3A_578 = tpu.matmul %select_n3A_573, %get3A_576, %dot_general3A_577 {dimension_numbers = #tpu.dot_dimension_numbers<[1], [0], [0], [1], [0, 0, 1, 1], [], []>, transpose_lhs_hint = false} : vector<512x128xf32>, vector<128x1xf32>, vector<512x1xf32> -> vector<512x1xf32>
    %dot_general3A_579 = arith.constant dense<0.000000e+00> : vector<512x128xf32>
    %dot_general3A_580 = tpu.matmul %convert_element_type3A_560, %add3A_321, %dot_general3A_579 {dimension_numbers = #tpu.dot_dimension_numbers<[1], [0], [0], [1], [0, 0, 1, 1], [], []>, transpose_lhs_hint = false} : vector<512x640xf32>, vector<640x128xf32>, vector<512x128xf32> -> vector<512x128xf32>
    %slice3A_581 = vector.extract_strided_slice %get3A_4 {offsets = [2048, 0], sizes = [512, 1], strides = [1, 1]} : vector<4096x1xi32> to vector<512x1xi32>
    %eq3A_582 = vector.broadcast %slice3A_581 : vector<512x1xi32> to vector<512x640xi32>
    %eq3A_583 = arith.cmpi eq, %eq3A_582, %iota3A : vector<512x640xi32>
    %convert_element_type3A_584 = arith.extui %eq3A_583 : vector<512x640xi1> to vector<512x640xi32>
    %convert_element_type3A_585 = arith.sitofp %convert_element_type3A_584 : vector<512x640xi32> to vector<512x640xf32>
    %dot_general3A_586 = arith.constant dense<0.000000e+00> : vector<512x128xf32>
    %dot_general3A_587 = tpu.matmul %convert_element_type3A_585, %add3A_301, %dot_general3A_586 {dimension_numbers = #tpu.dot_dimension_numbers<[1], [0], [0], [1], [0, 0, 1, 1], [], []>, transpose_lhs_hint = false} : vector<512x640xf32>, vector<640x128xf32>, vector<512x128xf32> -> vector<512x128xf32>
    %add3A_588 = vector.broadcast %dot_general3A_466 : vector<1x128xf32> to vector<512x128xf32>
    %add3A_589 = arith.addf %dot_general3A_587, %add3A_588 : vector<512x128xf32>
    %slice3A_590 = vector.extract_strided_slice %add3A_480 {offsets = [2048, 0], sizes = [512, 128], strides = [1, 1]} : vector<4096x128xf32> to vector<512x128xf32>
    %add3A_591 = arith.addf %add3A_589, %slice3A_590 : vector<512x128xf32>
    %ge3A_592 = arith.constant 0.000000e+00 : f32
    %ge3A_593 = vector.broadcast %ge3A_592 : f32 to vector<512x128xf32>
    %ge3A_594 = arith.cmpf oge, %add3A_591, %ge3A_593 : vector<512x128xf32>
    %mul3A_595 = arith.constant 2.000000e-01 : f32
    %mul3A_596 = vector.broadcast %mul3A_595 : f32 to vector<512x128xf32>
    %mul3A_597 = arith.mulf %mul3A_596, %add3A_591 : vector<512x128xf32>
    %select_n3A_598 = arith.select %ge3A_594, %add3A_591, %mul3A_597 : vector<512x128xi1>, vector<512x128xf32>
    %get3A_599 = arith.constant 0 : index
    %get3A_600 = arith.constant 0 : index
    %get3A_601 = vector.load %arg25[%get3A_599, %get3A_600] : memref<128x1xf32, #tpu.memory_space<vmem>>, vector<128x1xf32>
    %dot_general3A_602 = arith.constant dense<0.000000e+00> : vector<512x1xf32>
    %dot_general3A_603 = tpu.matmul %select_n3A_598, %get3A_601, %dot_general3A_602 {dimension_numbers = #tpu.dot_dimension_numbers<[1], [0], [0], [1], [0, 0, 1, 1], [], []>, transpose_lhs_hint = false} : vector<512x128xf32>, vector<128x1xf32>, vector<512x1xf32> -> vector<512x1xf32>
    %dot_general3A_604 = arith.constant dense<0.000000e+00> : vector<512x128xf32>
    %dot_general3A_605 = tpu.matmul %convert_element_type3A_585, %add3A_321, %dot_general3A_604 {dimension_numbers = #tpu.dot_dimension_numbers<[1], [0], [0], [1], [0, 0, 1, 1], [], []>, transpose_lhs_hint = false} : vector<512x640xf32>, vector<640x128xf32>, vector<512x128xf32> -> vector<512x128xf32>
    %slice3A_606 = vector.extract_strided_slice %get3A_4 {offsets = [2560, 0], sizes = [512, 1], strides = [1, 1]} : vector<4096x1xi32> to vector<512x1xi32>
    %eq3A_607 = vector.broadcast %slice3A_606 : vector<512x1xi32> to vector<512x640xi32>
    %eq3A_608 = arith.cmpi eq, %eq3A_607, %iota3A : vector<512x640xi32>
    %convert_element_type3A_609 = arith.extui %eq3A_608 : vector<512x640xi1> to vector<512x640xi32>
    %convert_element_type3A_610 = arith.sitofp %convert_element_type3A_609 : vector<512x640xi32> to vector<512x640xf32>
    %dot_general3A_611 = arith.constant dense<0.000000e+00> : vector<512x128xf32>
    %dot_general3A_612 = tpu.matmul %convert_element_type3A_610, %add3A_301, %dot_general3A_611 {dimension_numbers = #tpu.dot_dimension_numbers<[1], [0], [0], [1], [0, 0, 1, 1], [], []>, transpose_lhs_hint = false} : vector<512x640xf32>, vector<640x128xf32>, vector<512x128xf32> -> vector<512x128xf32>
    %add3A_613 = vector.broadcast %dot_general3A_466 : vector<1x128xf32> to vector<512x128xf32>
    %add3A_614 = arith.addf %dot_general3A_612, %add3A_613 : vector<512x128xf32>
    %slice3A_615 = vector.extract_strided_slice %add3A_480 {offsets = [2560, 0], sizes = [512, 128], strides = [1, 1]} : vector<4096x128xf32> to vector<512x128xf32>
    %add3A_616 = arith.addf %add3A_614, %slice3A_615 : vector<512x128xf32>
    %ge3A_617 = arith.constant 0.000000e+00 : f32
    %ge3A_618 = vector.broadcast %ge3A_617 : f32 to vector<512x128xf32>
    %ge3A_619 = arith.cmpf oge, %add3A_616, %ge3A_618 : vector<512x128xf32>
    %mul3A_620 = arith.constant 2.000000e-01 : f32
    %mul3A_621 = vector.broadcast %mul3A_620 : f32 to vector<512x128xf32>
    %mul3A_622 = arith.mulf %mul3A_621, %add3A_616 : vector<512x128xf32>
    %select_n3A_623 = arith.select %ge3A_619, %add3A_616, %mul3A_622 : vector<512x128xi1>, vector<512x128xf32>
    %get3A_624 = arith.constant 0 : index
    %get3A_625 = arith.constant 0 : index
    %get3A_626 = vector.load %arg25[%get3A_624, %get3A_625] : memref<128x1xf32, #tpu.memory_space<vmem>>, vector<128x1xf32>
    %dot_general3A_627 = arith.constant dense<0.000000e+00> : vector<512x1xf32>
    %dot_general3A_628 = tpu.matmul %select_n3A_623, %get3A_626, %dot_general3A_627 {dimension_numbers = #tpu.dot_dimension_numbers<[1], [0], [0], [1], [0, 0, 1, 1], [], []>, transpose_lhs_hint = false} : vector<512x128xf32>, vector<128x1xf32>, vector<512x1xf32> -> vector<512x1xf32>
    %dot_general3A_629 = arith.constant dense<0.000000e+00> : vector<512x128xf32>
    %dot_general3A_630 = tpu.matmul %convert_element_type3A_610, %add3A_321, %dot_general3A_629 {dimension_numbers = #tpu.dot_dimension_numbers<[1], [0], [0], [1], [0, 0, 1, 1], [], []>, transpose_lhs_hint = false} : vector<512x640xf32>, vector<640x128xf32>, vector<512x128xf32> -> vector<512x128xf32>
    %slice3A_631 = vector.extract_strided_slice %get3A_4 {offsets = [3072, 0], sizes = [512, 1], strides = [1, 1]} : vector<4096x1xi32> to vector<512x1xi32>
    %eq3A_632 = vector.broadcast %slice3A_631 : vector<512x1xi32> to vector<512x640xi32>
    %eq3A_633 = arith.cmpi eq, %eq3A_632, %iota3A : vector<512x640xi32>
    %convert_element_type3A_634 = arith.extui %eq3A_633 : vector<512x640xi1> to vector<512x640xi32>
    %convert_element_type3A_635 = arith.sitofp %convert_element_type3A_634 : vector<512x640xi32> to vector<512x640xf32>
    %dot_general3A_636 = arith.constant dense<0.000000e+00> : vector<512x128xf32>
    %dot_general3A_637 = tpu.matmul %convert_element_type3A_635, %add3A_301, %dot_general3A_636 {dimension_numbers = #tpu.dot_dimension_numbers<[1], [0], [0], [1], [0, 0, 1, 1], [], []>, transpose_lhs_hint = false} : vector<512x640xf32>, vector<640x128xf32>, vector<512x128xf32> -> vector<512x128xf32>
    %add3A_638 = vector.broadcast %dot_general3A_466 : vector<1x128xf32> to vector<512x128xf32>
    %add3A_639 = arith.addf %dot_general3A_637, %add3A_638 : vector<512x128xf32>
    %slice3A_640 = vector.extract_strided_slice %add3A_480 {offsets = [3072, 0], sizes = [512, 128], strides = [1, 1]} : vector<4096x128xf32> to vector<512x128xf32>
    %add3A_641 = arith.addf %add3A_639, %slice3A_640 : vector<512x128xf32>
    %ge3A_642 = arith.constant 0.000000e+00 : f32
    %ge3A_643 = vector.broadcast %ge3A_642 : f32 to vector<512x128xf32>
    %ge3A_644 = arith.cmpf oge, %add3A_641, %ge3A_643 : vector<512x128xf32>
    %mul3A_645 = arith.constant 2.000000e-01 : f32
    %mul3A_646 = vector.broadcast %mul3A_645 : f32 to vector<512x128xf32>
    %mul3A_647 = arith.mulf %mul3A_646, %add3A_641 : vector<512x128xf32>
    %select_n3A_648 = arith.select %ge3A_644, %add3A_641, %mul3A_647 : vector<512x128xi1>, vector<512x128xf32>
    %get3A_649 = arith.constant 0 : index
    %get3A_650 = arith.constant 0 : index
    %get3A_651 = vector.load %arg25[%get3A_649, %get3A_650] : memref<128x1xf32, #tpu.memory_space<vmem>>, vector<128x1xf32>
    %dot_general3A_652 = arith.constant dense<0.000000e+00> : vector<512x1xf32>
    %dot_general3A_653 = tpu.matmul %select_n3A_648, %get3A_651, %dot_general3A_652 {dimension_numbers = #tpu.dot_dimension_numbers<[1], [0], [0], [1], [0, 0, 1, 1], [], []>, transpose_lhs_hint = false} : vector<512x128xf32>, vector<128x1xf32>, vector<512x1xf32> -> vector<512x1xf32>
    %dot_general3A_654 = arith.constant dense<0.000000e+00> : vector<512x128xf32>
    %dot_general3A_655 = tpu.matmul %convert_element_type3A_635, %add3A_321, %dot_general3A_654 {dimension_numbers = #tpu.dot_dimension_numbers<[1], [0], [0], [1], [0, 0, 1, 1], [], []>, transpose_lhs_hint = false} : vector<512x640xf32>, vector<640x128xf32>, vector<512x128xf32> -> vector<512x128xf32>
    %slice3A_656 = vector.extract_strided_slice %get3A_4 {offsets = [3584, 0], sizes = [512, 1], strides = [1, 1]} : vector<4096x1xi32> to vector<512x1xi32>
    %eq3A_657 = vector.broadcast %slice3A_656 : vector<512x1xi32> to vector<512x640xi32>
    %eq3A_658 = arith.cmpi eq, %eq3A_657, %iota3A : vector<512x640xi32>
    %convert_element_type3A_659 = arith.extui %eq3A_658 : vector<512x640xi1> to vector<512x640xi32>
    %convert_element_type3A_660 = arith.sitofp %convert_element_type3A_659 : vector<512x640xi32> to vector<512x640xf32>
    %dot_general3A_661 = arith.constant dense<0.000000e+00> : vector<512x128xf32>
    %dot_general3A_662 = tpu.matmul %convert_element_type3A_660, %add3A_301, %dot_general3A_661 {dimension_numbers = #tpu.dot_dimension_numbers<[1], [0], [0], [1], [0, 0, 1, 1], [], []>, transpose_lhs_hint = false} : vector<512x640xf32>, vector<640x128xf32>, vector<512x128xf32> -> vector<512x128xf32>
    %add3A_663 = vector.broadcast %dot_general3A_466 : vector<1x128xf32> to vector<512x128xf32>
    %add3A_664 = arith.addf %dot_general3A_662, %add3A_663 : vector<512x128xf32>
    %slice3A_665 = vector.extract_strided_slice %add3A_480 {offsets = [3584, 0], sizes = [512, 128], strides = [1, 1]} : vector<4096x128xf32> to vector<512x128xf32>
    %add3A_666 = arith.addf %add3A_664, %slice3A_665 : vector<512x128xf32>
    %ge3A_667 = arith.constant 0.000000e+00 : f32
    %ge3A_668 = vector.broadcast %ge3A_667 : f32 to vector<512x128xf32>
    %ge3A_669 = arith.cmpf oge, %add3A_666, %ge3A_668 : vector<512x128xf32>
    %mul3A_670 = arith.constant 2.000000e-01 : f32
    %mul3A_671 = vector.broadcast %mul3A_670 : f32 to vector<512x128xf32>
    %mul3A_672 = arith.mulf %mul3A_671, %add3A_666 : vector<512x128xf32>
    %select_n3A_673 = arith.select %ge3A_669, %add3A_666, %mul3A_672 : vector<512x128xi1>, vector<512x128xf32>
    %get3A_674 = arith.constant 0 : index
    %get3A_675 = arith.constant 0 : index
    %get3A_676 = vector.load %arg25[%get3A_674, %get3A_675] : memref<128x1xf32, #tpu.memory_space<vmem>>, vector<128x1xf32>
    %dot_general3A_677 = arith.constant dense<0.000000e+00> : vector<512x1xf32>
    %dot_general3A_678 = tpu.matmul %select_n3A_673, %get3A_676, %dot_general3A_677 {dimension_numbers = #tpu.dot_dimension_numbers<[1], [0], [0], [1], [0, 0, 1, 1], [], []>, transpose_lhs_hint = false} : vector<512x128xf32>, vector<128x1xf32>, vector<512x1xf32> -> vector<512x1xf32>
    %dot_general3A_679 = arith.constant dense<0.000000e+00> : vector<512x128xf32>
    %dot_general3A_680 = tpu.matmul %convert_element_type3A_660, %add3A_321, %dot_general3A_679 {dimension_numbers = #tpu.dot_dimension_numbers<[1], [0], [0], [1], [0, 0, 1, 1], [], []>, transpose_lhs_hint = false} : vector<512x640xf32>, vector<640x128xf32>, vector<512x128xf32> -> vector<512x128xf32>
    %concatenate3A = tpu.concatenate %dot_general3A_503, %dot_general3A_528, %dot_general3A_553, %dot_general3A_578, %dot_general3A_603, %dot_general3A_628, %dot_general3A_653, %dot_general3A_678 in 0 : vector<512x1xf32>, vector<512x1xf32>, vector<512x1xf32>, vector<512x1xf32>, vector<512x1xf32>, vector<512x1xf32>, vector<512x1xf32>, vector<512x1xf32> -> vector<4096x1xf32>
    %concatenate3A_681 = tpu.concatenate %dot_general3A_505, %dot_general3A_530, %dot_general3A_555, %dot_general3A_580, %dot_general3A_605, %dot_general3A_630, %dot_general3A_655, %dot_general3A_680 in 0 : vector<512x128xf32>, vector<512x128xf32>, vector<512x128xf32>, vector<512x128xf32>, vector<512x128xf32>, vector<512x128xf32>, vector<512x128xf32>, vector<512x128xf32> -> vector<4096x128xf32>
    %jit3A_682 = arith.constant -1.000000e+30 : f32
    %broadcast_in_dim3A_683 = vector.broadcast %jit3A_682 : f32 to vector<4096x1xf32>
    %select_n3A_684 = arith.select %and3A, %concatenate3A, %broadcast_in_dim3A_683 : vector<4096x1xi1>, vector<4096x1xf32>
    %reduce_max3A_685 = vector.shape_cast %select_n3A_684 : vector<4096x1xf32> to vector<1x4096x1xf32>
    %reduce_max3A_686 = arith.constant dense<0xFF800000> : vector<1xf32>
    %reduce_max3A_687 = vector.multi_reduction <maximumf>, %reduce_max3A_685, %reduce_max3A_686 [1, 2] : vector<1x4096x1xf32> to vector<1xf32>
    %reduce_max3A_688 = vector.shape_cast %reduce_max3A_687 : vector<1xf32> to vector<1x1x1xf32>
    %reduce_max3A_689 = vector.extract %reduce_max3A_688[0, 0, 0] : f32 from vector<1x1x1xf32>
    %sub3A_690 = vector.broadcast %reduce_max3A_689 : f32 to vector<4096x1xf32>
    %sub3A_691 = arith.subf %concatenate3A, %sub3A_690 : vector<4096x1xf32>
    %exp3A_692 = math.exp %sub3A_691 : vector<4096x1xf32>
    %jit3A_693 = arith.constant 0.000000e+00 : f32
    %broadcast_in_dim3A_694 = vector.broadcast %jit3A_693 : f32 to vector<4096x1xf32>
    %select_n3A_695 = arith.select %and3A, %exp3A_692, %broadcast_in_dim3A_694 : vector<4096x1xi1>, vector<4096x1xf32>
    %reduce_sum3A = vector.shape_cast %select_n3A_695 : vector<4096x1xf32> to vector<1x4096x1xf32>
    %reduce_sum3A_696 = arith.constant dense<0.000000e+00> : vector<1xf32>
    %reduce_sum3A_697 = vector.multi_reduction <add>, %reduce_sum3A, %reduce_sum3A_696 [1, 2] : vector<1x4096x1xf32> to vector<1xf32>
    %reduce_sum3A_698 = vector.shape_cast %reduce_sum3A_697 : vector<1xf32> to vector<1x1x1xf32>
    %reduce_sum3A_699 = vector.extract %reduce_sum3A_698[0, 0, 0] : f32 from vector<1x1x1xf32>
    %max3A_700 = arith.constant 9.99999971E-10 : f32
    %max3A_701 = arith.maximumf %reduce_sum3A_699, %max3A_700 : f32
    %div3A_702 = vector.broadcast %max3A_701 : f32 to vector<4096x1xf32>
    %div3A_703 = arith.divf %select_n3A_695, %div3A_702 : vector<4096x1xf32>
    %dot_general3A_704 = arith.constant dense<0.000000e+00> : vector<1x128xf32>
    %dot_general3A_705 = tpu.matmul %div3A_703, %concatenate3A_681, %dot_general3A_704 {dimension_numbers = #tpu.dot_dimension_numbers<[0], [0], [1], [1], [0, 1, 1, 1], [], []>, transpose_lhs_hint = false} : vector<4096x1xf32>, vector<4096x128xf32>, vector<1x128xf32> -> vector<1x128xf32>
    %get3A_706 = arith.constant 0 : index
    %get3A_707 = arith.constant 0 : index
    %get3A_708 = vector.load %arg7[%get3A_706, %get3A_707] : memref<1x128xf32, #tpu.memory_space<vmem>>, vector<1x128xf32>
    %add3A_709 = arith.addf %dot_general3A_705, %get3A_708 : vector<1x128xf32>
    %swap3A = arith.constant 0 : index
    %swap3A_710 = arith.constant 0 : index
    %swap3A_711 = vector.load %arg26[%swap3A, %swap3A_710] : memref<1x128xf32, #tpu.memory_space<vmem>>, vector<1x128xf32>
    tpu.vector_store %arg26[%swap3A, %swap3A_710], %add3A_709 {strides = array<i32>} : memref<1x128xf32, #tpu.memory_space<vmem>>, vector<1x128xf32>,
    return
  }
}

</mosaic_0001>

<sc_bundles>
// kernel: gather_offload_async_start.1
scs
__scs_entry_jumppad:
0x0: {  	(pc) =	sbr.rel $0x88, $3  }
0x1: {  	(tag) =	ssettag $0x0;
	lr =	simm.s32 $0x1  }
0x2: {  	[smem:$0x3F8C] =	sst lr;
	_ =	strace $0xD0000000  }
0x3: {  	_ = 	snop  }
0x4: {  	_ = 	snop  }
0x5: {  	_ = 	snop  }
0x6: {  	_ = 	snop  }
0x7: {  	_ = 	snop  }
__scs_overlays_trampoline_lowered:
0x8: {  	[smem:$0x3F9B] =	sst s0  }
0x9: {  	[smem:$0x3F9C] =	sst s1  }
0xa: {  	[smem:$0x3F9D] =	sst s2  }
0xb: {  	[smem:$0x3F9E] =	sst s3  }
0xc: {  	[smem:$0x3F9F] =	sst s4  }
0xd: {  	[smem:$0x3FA0] =	sst s5  }
0xe: {  	[smem:$0x3FA1] =	sst s6  }
0xf: {  	[smem:$0x3FA2] =	sst s7  }
0x10: {  	[smem:$0x3FA3] =	sst s8  }
0x11: {  	[smem:$0x3FA4] =	sst s9;
	s0 =	simm.s32 @!p0 $0x0  }
0x12: {  	s1 =	sld [smem:$0x3F8A];
	s0 =	simm.s32 @p0 $0x1  }
0x13: {  	[smem:$0x3FA5] =	sst s0;
	s0 =	simm.s32 @!p1 $0x0  }
0x14: {  	s2 =	sld [smem:$0x3F89];
	s0 =	simm.s32 @p1 $0x1  }
0x15: {  	[smem:$0x3FA6] =	sst s0;
	s0 =	simm.s32 @!p2 $0x0  }
0x16: {  	s3 =	sld [smem:$0x3FDB];
	s0 =	simm.s32 @p2 $0x1  }
0x17: {  	s4 =	simm.s32 $0x1BF5;
	[smem:$0x3FA8] =	sst s0  }
0x18: {  	s0 =	sld [smem:$0x3F8B];
	_ =	swait.ge [sflag:s4], $0x0  }
0x19: {  	s7 =	sld [smem:$0x3F8C]  }
0x1a: {  	s8 =	sadd.s32 $0xFFFFE003, lr  }
0x1b: {  	s9 =	sadd.s32 $0xFFFFFEF7, lr;
	s5 =	simm.s32 $0xFFFFFFFF;
	p2 =	slt.u32 s8, $0xFFFFF086  }
0x1c: {  	p1 =	slt.u32 s9, $0xF7A;
	s5 =	simm.s32 @!p2 $0x0  }
0x1d: {  	s5 =	simm.s32 @p1 $0x1;
	p0 =	seq.s32 s7, s2  }
0x1e: {  	s7 =	smul.u32 @!p0 $0xF7A, s2;
	p2 =	seq.s32 @!p0 s5, $0x0  }
0x1f: {  	s9 =	smul.u32 $0xF7A, s1;
	s8 =	simm.s32 @!p0 $0x1BF5;
	p2 =	por !p2, p0  }
0x20: {  	[sflag:s8] =	ssyncset.s32 @!p0 $0xFFFFF086;
	s6 =	sadd.s32 @!p0 s3, s7;
	s7 =	simm.s32 @!p0 $0x108  }
0x21: {  	s3 =	sadd.s32 s3, s9;
	s6 =	sadd.s32 @!p0 $0x88, s6;
	s7 =	simm.s32 @p2 $0x1082  }
0x22: {  	[simem:s7], [sflag:s8] =	dma.local @!p0 [hbm:s6], $0xF7A  }
0x23: {  	s9 =	sor.u32 $0xD0000000, s2;
	s6 =	simm.s32 $0x108;
	_ =	swait.ge @!p0 [sflag:s8], $0x0  }
0x24: {  	s3 =	sadd.s32 $0x88, s3;
	s6 =	simm.s32 @!p1 $0x1082;
	[sflag:s4] =	ssyncset.s32 $0xFFFFF086  }
0x25: {  	[simem:s6], [sflag:s4] =	dma.local [hbm:s3], $0xF7A  }
0x26: {  	[smem:$0x3F8C] =	sst s1;
	(tag) =	ssettag s2;
	_ =	strace s9  }
0x27: {  	s1 =	sld [smem:$0x3F9C]  }
0x28: {  	s2 =	sld [smem:$0x3F9D]  }
0x29: {  	s4 =	sld [smem:$0x3F9F]  }
0x2a: {  	p0 =	seq.s32 s5, $0x0;
	s5 =	sld [smem:$0x3FA0]  }
0x2b: {  	s6 =	sld [smem:$0x3FA1]  }
0x2c: {  	s7 =	sld [smem:$0x3FA2]  }
0x2d: {  	s3 =	simm.s32 $0x108;
	s8 =	sld [smem:$0x3FA3]  }
0x2e: {  	s3 =	simm.s32 @!p0 $0x1082;
	s9 =	sld [smem:$0x3FA4]  }
0x2f: {  	lr =	sadd.s32 s0, s3;
	s0 =	sld [smem:$0x3F9B]  }
0x30: {  	s3 =	sld [smem:$0x3F9E]  }
0x31: {  	[smem:$0x3FA7] =	sst s10  }
0x32: {  	s10 =	sld [smem:$0x3FA5];
	_ =	sdelay $0x3  }
0x33: {  	p0 =	seq.s32 s10, $0x1;
	s10 =	sld [smem:$0x3FA7];
	_ =	sdelay $0x3  }
0x34: {  	[smem:$0x3FA7] =	sst s10  }
0x35: {  	s10 =	sld [smem:$0x3FA6];
	_ =	sdelay $0x3  }
0x36: {  	p1 =	seq.s32 s10, $0x1;
	s10 =	sld [smem:$0x3FA7];
	_ =	sdelay $0x3  }
0x37: {  	[smem:$0x3FA7] =	sst s10  }
0x38: {  	s10 =	sld [smem:$0x3FA8]  }
0x39: {  	_ = 	snop;
	(pc) =	sbr.ind lr, $3  }
0x3a: {  	_ = 	snop  }
0x3b: {  	_ = 	snop  }
0x3c: {  	p2 =	seq.s32 s10, $0x1;
	s10 =	sld [smem:$0x3FA7]  }
0x3d: {  	_ =	shalt  }
0x3e: {  	_ =	shalt  }
0x3f: {  	_ =	shalt  }
0x40: {  	_ =	shalt  }
0x41: {  	_ =	shalt  }
0x42: {  	_ =	shalt  }
0x43: {  	_ =	shalt  }
0x44: {  	_ =	shalt  }
0x45: {  	_ =	shalt  }
0x46: {  	_ =	shalt  }
0x47: {  	_ =	shalt  }
0x48: {  	_ =	shalt  }
0x49: {  	_ =	shalt  }
0x4a: {  	_ =	shalt  }
0x4b: {  	_ =	shalt  }
0x4c: {  	_ =	shalt  }
0x4d: {  	_ =	shalt  }
0x4e: {  	_ =	shalt  }
0x4f: {  	_ =	shalt  }
0x50: {  	_ =	shalt  }
0x51: {  	_ =	shalt  }
0x52: {  	_ =	shalt  }
0x53: {  	_ =	shalt  }
0x54: {  	_ =	shalt  }
0x55: {  	_ =	shalt  }
0x56: {  	_ =	shalt  }
0x57: {  	_ =	shalt  }
0x58: {  	_ =	shalt  }
0x59: {  	_ =	shalt  }
0x5a: {  	_ =	shalt  }
0x5b: {  	_ =	shalt  }
0x5c: {  	_ =	shalt  }
0x5d: {  	_ =	shalt  }
0x5e: {  	_ =	shalt  }
0x5f: {  	_ =	shalt  }
0x60: {  	_ =	shalt  }
0x61: {  	_ =	shalt  }
0x62: {  	_ =	shalt  }
0x63: {  	_ =	shalt  }
0x64: {  	_ =	shalt  }
0x65: {  	_ =	shalt  }
0x66: {  	_ =	shalt  }
0x67: {  	_ =	shalt  }
0x68: {  	_ =	shalt  }
0x69: {  	_ =	shalt  }
0x6a: {  	_ =	shalt  }
0x6b: {  	_ =	shalt  }
0x6c: {  	_ =	shalt  }
0x6d: {  	_ =	shalt  }
0x6e: {  	_ =	shalt  }
0x6f: {  	_ =	shalt  }
0x70: {  	_ =	shalt  }
0x71: {  	_ =	shalt  }
0x72: {  	_ =	shalt  }
0x73: {  	_ =	shalt  }
0x74: {  	_ =	shalt  }
0x75: {  	_ =	shalt  }
0x76: {  	_ =	shalt  }
0x77: {  	_ =	shalt  }
0x78: {  	_ =	shalt  }
0x79: {  	_ =	shalt  }
0x7a: {  	_ =	shalt  }
0x7b: {  	_ =	shalt  }
0x7c: {  	_ =	shalt  }
0x7d: {  	_ =	shalt  }
0x7e: {  	_ =	shalt  }
0x7f: {  	_ =	shalt  }
0x80: {  	_ =	shalt  }
0x81: {  	_ =	shalt  }
0x82: {  	_ =	shalt  }
0x83: {  	_ =	shalt  }
0x84: {  	_ =	shalt  }
0x85: {  	_ =	shalt  }
0x86: {  	_ =	shalt  }
0x87: {  	_ =	shalt  }
.Lfunc_end0:
.L_simem_size_0:
called_computation.3_lowered:
.L_overlay_start_0:
0x88: {  	s2 =	sld [smem:$0x3FD9]  }
0x89: {  	s3 =	sld [smem:$0x3FFE];
	_ =	sdelay $0x1  }
0x8a: {  	s1 =	srdreg.scid  }
0x8b: {  	s0 =	sand.u32 $0x1, s1  }
0x8c: {  	s16 =	sshll.u32 s0, $0xA;
	s2 =	sadd.s32 s3, s2  }
0x8d: {  	s2 =	sadd.s32 s2, s16  }
0x8e: {  	[smem:$0x3FB3] =	sst s2  }
0x8f: {  	_ = 	snop  }
0x90: {  	(tm) =	ssettm $0x1  }
0x91: {  	s17 =	sld [smem:$0x3FFB];
	_ =	sdelay $0x3  }
0x92: {  	_ =	strace s17  }
0x93: {  	s2 =	sld [smem:$0x3FFC];
	_ =	sdelay $0x3  }
0x94: {  	_ =	strace s2  }
0x95: {  	s2 =	sld [smem:$0x3FFD];
	_ =	sdelay $0x3  }
0x96: {  	_ =	strace s2  }
0x97: {  	_ =	strace $0x8FFFFFFF  }
0x98: {  	s18 =	sld [smem:$0x3FDB];
	_ =	sdelay $0x1  }
0x99: {  	s19 =	simm.s32 $_scs_section_size  }
0x9a: {  	s4 =	simm.s32 $_size__tile_overlayer_lowered;
	s5 =	simm.s32 $_tile_overlayer_lowered  }
0x9b: {  	s22 =	simm.s32 $0x1BFF;
	s21 =	sshll.u32 s5, $0x1;
	s2 =	sadd.s32 s19, s18  }
0x9c: {  	s6 =	simm.s32 $0x0;
	s20 =	sshll.u32 s4, $0x1;
	s4 =	sadd.s32 s21, s2  }
0x9d: {  	[timem:s6], [sflag:s22] =	dma.local [hbm:s4], s20  }
0x9e: {  	_ =	swait.ge [sflag:s22], s20  }
0x9f: {  	s3 =	ssub.s32 $0x0, s20;
	[sflag:s22] =	ssyncset.done $0x0  }
0xa0: {  	[sflag:s22] =	ssyncadd.s32 s3;
	_ =	sdelay $0x1  }
0xa1: {  	s23 =	simm.s32 $0x1B8B  }
0xa2: {  	_ =	swait.ge [sflag:s23], $0x1  }
0xa3: {  	[sflag:s23] =	ssyncset.done $0x0  }
0xa4: {  	s25 =	simm.s32 $0x1B8E;
	s24 =	sld [smem:$0x3FFE];
	[sflag:s23] =	ssyncadd.s32 $0xFFFFFFFF  }
0xa5: {  	s26 =	simm.s32 $execute0_lowered;
	[smem:$0x3FD2] =	sst s25  }
0xa6: {  	s4 =	sshll.u32 s26, $0x1;
	_ =	strace $0x8000004F;
	[dreg:$0x1] =	wrdreg $0xFFFFFFFF  }
0xa7: {  	s28 =	simm.s32 $_size_execute0_lowered;
	s2 =	sadd.s32 s2, s4;
	[dreg:$0x0] =	wrdreg $0x0  }
0xa8: {  	s4 =	sshll.u32 s28, $0x1;
	[dreg:$0x2] =	wrdreg s2  }
0xa9: {  	[dreg:$0x3] =	wrdreg s4  }
0xaa: {  	[dreg:$0x4] =	wrdreg $0xC0  }
0xab: {  	_ =	task [dreg:s6], $0x5FFFF  }
0xac: {  	[dreg:$0x1] =	wrdreg $0xFFFFFFFF  }
0xad: {  	[dreg:$0x0] =	wrdreg $0x60  }
0xae: {  	[dreg:$0x2] =	wrdreg s24  }
0xaf: {  	[dreg:$0x3] =	wrdreg $0x9  }
0xb0: {  	_ =	task.clear_ibuf [dreg:s6], $0x4FFFF;
	_ =	strace $0x9000004F  }
0xb1: {  	s29 =	simm.s32 $0x9;
	_ =	strace $0x80000051  }
0xb2: {  	_ =	swait.ge [sflag:s29], $0x1  }
0xb3: {  	[sflag:s29] =	ssyncadd.s32 $0xFFFFFFFF  }
0xb4: {  	_ =	strace $0x90000051  }
0xb5: {  	_ =	sfence  }
0xb6: {  	s30 =	sld [smem:$0x0];
	_ =	sdelay $0x2  }
0xb7: {  	s31 =	sshll.u32 s1, $0xD;
	s1 =	sshrl.u32 s1, $0x2  }
0xb8: {  	s3 =	sand.u32 $0x4000, s31;
	s1 =	sadd.s32 s1, s30  }
0xb9: {  	s0 =	sor.u32 s3, s0;
	s1 =	sshll.u32 s1, $0x11  }
0xba: {  	s0 =	sor.u32 s1, s0  }
0xbb: {  	s0 =	sadd.s32 $0x8F2B, s0  }
0xbc: {  	[sflag:s0] =	ssyncadd.remote.s32 $0x1  }
0xbd: {  	_ =	sfence.sel $0xFFFF  }
0xbe: {  	[dreg:$0x0] =	wrdreg $0xFFFFFFFF;
	(pc) =	sbr.abs _section_cstart, $3  }
0xbf: {  	[dreg:$0x1] =	wrdreg $0xFFFFFFFF  }
0xc0: {  	_ =	task.clear_ibuf [dreg:s6], $0x2FFFF;
	_ =	strace $0x9FFFFFFF  }
0xc1: {  	(tm) =	ssettm $0x7FFFFFFF  }
tec
execute0_lowered:
.L_overlay_start_1:
0x0: {  	(tag) =	ssettag $0x1  }
0x1: {  	s1 =	srdreg.scid  }
0x2: {  	s0 =	stileid.u32;
	s2 =	rddreg [dreg:$0x0];
	s6 =	simm.s32 $0x1  }
0x3: {  	s9 =	simm.s32 $0x1;
	s10 =	simm.s32 $0x3;
	s1 =	sshll.u32 s1, $0x6  }
0x4: {  	s13 =	simm.s32 $0x0;
	s3 =	sshll.u32 s0, $0x7;
	s4 =	sand.u32 $0x40, s1  }
0x5: {  	s12 =	simm.s32 $0x0;
	s5 =	sadd.s32 $0x15000, s2;
	s3 =	sor.u32 s3, s4  }
0x6: {  	s1 =	rddreg [dreg:$0x1];
	_ =	strace $0x80000050;
	s8 =	ssub.s32 $0x1000, s3  }
.Ltmp0:
0x7: {  	s4 =	sadd.s32 $0x9E00, s2;
	s7 =	sand.u32 $0x7C0, s8;
	(pc) =	sbr.rel .LBB2_1-.Ltmp0, $4  }
0x8: {  	[sflag:s6] =	ssyncpa.u1 $0x0;
	s11 =	smov.u32 s3;
	p0 =	sne.s32 s7, $0x0  }
0x9: {  	s8 =	sshrl.u32 s8, $0xB;
	s7 =	simm.s32 $0x2;
	s9 =	simm.s32 @!p0 $0x0  }
0xa: {  	[sflag:s7] =	ssyncpa.u1 $0x0;
	p0 =	por $0x0, $0x0;
	s8 =	sadd.s32 s9, s8  }
0xb: {  	vm0 =	vmmov $0xffff;
	[sflag:s10] =	ssyncpa.u1 $0x0;
	s10 =	simm.s32 $0x0;
	s9 =	sadd.s32 $0x1, s8  }
.LBB2_4:
0xc: {  	v2 =	vnsel vm1, $0x0, v2  }
0xd: {  	vm1 =	vgt.s32 v0, $0x0;
	v2 =	vmin.u32 v2, $0x4E1FF  }
0xe: {  	v0 =	vnsel vm1, $0x0, v0  }
0xf: {  	v0 =	vmin.u32 v0, $0x4E1FF  }
0x10: {  	[tilespmem:s15], [sflag:$0x1] =	stream.indirect_vreg.gather [hbm4b:s4+s10], $0x1, v1, vm0, $0x4038;
	[tilespmem:$0x100] =	vst v63  }
0x11: {  	(ifvalue) =	ssetifvalue $0x7FFFFFFF  }
0x12: {  	[tilespmem:s16], [sflag:$0x1] =	stream.indirect_vreg.gather [hbm4b:s4+s10], $0x1, v2, vm0, $0x4038;
	[tilespmem:$0x100] =	vst v63  }
0x13: {  	s29 =	sadd.s32 $0x10, s16;
	(ifvalue) =	ssetifvalue $0x7FFFFFFF  }
0x14: {  	[tilespmem:s29], [sflag:$0x1] =	stream.indirect_vreg.gather [hbm4b:s4+s10], $0x1, v0, vm0, $0x4038;
	[tilespmem:$0x100] =	vst v63  }
0x15: {  	_ =	swait.ge [sflag:s6], $0x40  }
0x16: {  	s30 =	sshrl.u32 s13, $0x3;
	[sflag:s6] =	ssyncset.done $0x0  }
0x17: {  	s31 =	sand.u32 $0x7, s13;
	s15 =	sadd.s32 s2, s30;
	[sflag:s6] =	ssyncadd.s32 $0xFFFFFFC0  }
0x18: {  	[hbm4b:s15+s31] =	stream.linear.scatter [tilespmem:s14], [sflag:$0x3], $0x40, $0x38;
	[tilespmem:$0x100] =	vst v63  }
.LBB2_5:
0x19: {  	s15 =	sadd.s32 $0x800, s11  }
0x1a: {  	p2 =	sgt.s32 s15, $0xFFF  }
0x1b: {  	s15 =	smov.u32 @p2 s3;
	p2 =	sne.s32 s12, s9  }
.Ltmp1:
0x1c: {  	p1 =	slt.u32 s12, $0x2;
	(pc) =	sbr.rel @!p2 .LBB2_6-.Ltmp1, $4  }
0x1d: {  	s14 =	simm.s32 @!p1 $0x3  }
0x1e: {  	s16 =	sadd.s32 $0x1, s12;
	_ =	swait.ge @!p1 [sflag:s14], $0x40  }
0x1f: {  	s13 =	smov.u32 s11;
	p0 =	por !p0, !p0;
	[sflag:s14] =	ssyncset.done @!p1 $0x0  }
0x20: {  	s12 =	smov.u32 s16;
	s11 =	smov.u32 s15;
	[sflag:s14] =	ssyncadd.s32 @!p1 $0xFFFFFFC0  }
.LBB2_1:
0x21: {  	p1 =	sge.u32 s12, s8  }
0x22: {  	s14 =	sxor.u32 @!p1 $0xFFFFFFFF, s12  }
0x23: {  	s31 =	sadd.s32 $0xFFFFFFFF, s12;
	s15 =	sshrl.u32 @!p1 s11, $0x3;
	s14 =	sshll.u32 @!p1 s14, $0x6  }
0x24: {  	s16 =	sand.u32 @!p1 $0x7, s11;
	s15 =	sadd.s32 @!p1 s5, s15;
	s14 =	sand.u32 @!p1 $0x40, s14  }
0x25: {  	[tilespmem:s14], [sflag:$0x2] =	stream.linear.gather @!p1 [hbm4b:s15+s16], $0x40, $0x38;
	[tilespmem:$0x100] =	vst v63  }
0x26: {  	p1 =	sge.u32 s31, s8  }
.Ltmp2:
0x27: {  	_ = 	snop;
	(pc) =	sbr.rel @p1 .LBB2_5-.Ltmp2, $1  }
0x28: {  	_ =	sdelay $0x3  }
0x29: {  	s14 =	simm.s32 $0x1  }
0x2a: {  	_ =	swait.ge [sflag:s7], $0x40;
	s14 =	simm.s32 @!p0 $0x0  }
0x2b: {  	[sflag:s7] =	ssyncset.done $0x0;
	s14 =	sshll.u32 s14, $0x6  }
0x2c: {  	[sflag:s7] =	ssyncadd.s32 $0xFFFFFFC0;
	(ifvalue) =	ssetifvalue $0x7FFFFFFF;
	v0 =	vld.msk [tilespmem:s14+$0x0 ss:$0x1], $0xffff;
	_ =	sdelay $0x4  }
0x2d: {  	s15 =	sadd.s32 $0x10, s14;
	vm1 =	vgt.s32 v0, $0x0  }
0x2e: {  	v2 =	vld.msk [tilespmem:s15+$0x0 ss:$0x1], $0xffff;
	v1 =	vnsel vm1, $0x0, v0  }
0x2f: {  	v1 =	vmin.u32 v1, $0x4E1FF;
	_ =	sdelay $0x1  }
0x30: {  	s16 =	sshll.u32 s12, $0x6;
	s18 =	simm.s32 $0x20  }
0x31: {  	s16 =	sand.u32 $0x40, s16;
	s17 =	sadd.s32 $0x10, s15;
	s15 =	sor.u32 $0x80, s14  }
0x32: {  	s14 =	sor.u32 $0x80, s16;
	s16 =	sadd.s32 $0x10, s15;
	v0 =	vld.msk [tilespmem:s17+$0x0 ss:$0x1], $0xffff;
	vm1 =	vgt.s32 v2, $0x0;
	(ifvalue) =	ssetifvalue $0x7FFFFFFF  }
.LBB2_3:
0x33: {  	[tilespmem:s15], [sflag:$0x1] =	stream.indirect_vreg.gather [hbm4b:s4+s10], $0x1, v1, vm0, $0x4038;
	[tilespmem:$0x100] =	vst v63  }
0x34: {  	s18 =	sadd.s32 $0x10, s18  }
0x35: {  	v2 =	vnsel vm1, $0x0, v2;
	p1 =	slt.u32 s18, $0x30  }
.Ltmp3:
0x36: {  	s15 =	smov.u32 s16;
	v1 =	vmin.u32 v2, $0x4E1FF;
	(pc) =	sbr.rel @p1 .LBB2_3-.Ltmp3, $3  }
0x37: {  	_ =	sdelay $0x1  }
0x38: {  	s17 =	sadd.s32 $0x10, s17  }
0x39: {  	vm1 =	vgt.s32 v0, $0x0;
	s16 =	sadd.s32 $0x10, s16;
	v2 =	vmov v0;
	(ifvalue) =	ssetifvalue $0x7FFFFFFF;
	v0 =	vld.msk [tilespmem:s17+$0x0 ss:$0x1], $0xffff  }
.Ltmp4:
0x3a: {  	_ = 	snop;
	(pc) =	sbr.rel .LBB2_4-.Ltmp4, $1  }
0x3b: {  	_ =	sdelay $0x3  }
.LBB2_6:
0x3c: {  	_ =	sfence.sel $0x180000  }
0x3d: {  	s2 =	simm.s32 $0x2;
	[bflag:$0x0] =	sbarrier.arrive $0xFFFF  }
0x3e: {  	s30 =	simm.s32 $0x3;
	[sflag:s2] =	ssyncpa.u1 $0x1  }
0x3f: {  	s31 =	simm.s32 $0x1;
	[sflag:s30] =	ssyncpa.u1 $0x1  }
0x40: {  	[sflag:s31] =	ssyncpa.u1 $0x1  }
0x41: {  	p0 =	sne.s32 s0, $0x0;
	_ =	strace $0x90000050  }
0x42: {  	s0 =	sadd.s32 @!p0 $0x100000, s1;
	[bflag:$0x2] =	sbarrier.arrive $0xFFFF  }
0x43: {  	[sflag:s0] =	ssyncadd.tile.s32 @!p0 $0x1;
	_ =	shalt  }
.Lfunc_end2:
_tile_overlayer_lowered:
.L_overlay_start_2:
0x44: {  	(tag) =	ssettag $0x2  }
0x45: {  	s0 =	rddreg [dreg:$0x0];
	s2 =	stileid.u32  }
0x46: {  	s1 =	rddreg [dreg:$0x1];
	p0 =	sne.s32 s2, $0x0  }
0x47: {  	s3 =	rddreg [dreg:$0x2];
	[bflag:$0x3] =	sbarrier.arrive $0xFFFF;
	s2 =	simm.s32 @!p0 $0x1C01  }
0x48: {  	[timem:s3], [sflag:s2] =	dma.local @!p0 [hbm:s0], s1  }
0x49: {  	s0 =	simm.s32 @!p0 $0x1  }
0x4a: {  	_ =	swait.ge @!p0 [sflag:s0], s1  }
0x4b: {  	s1 =	ssub.s32 @!p0 $0x0, s1;
	[sflag:s0] =	ssyncset.done @!p0 $0x0  }
0x4c: {  	[sflag:s0] =	ssyncadd.s32 @!p0 s1  }
0x4d: {  	[bflag:$0x3] =	sbarrier.arrive $0xFFFF  }
0x4e: {  	_ =	shalt  }

// kernel: gather_offload_async_start.2
scs
__scs_entry_jumppad:
0x0: {  	(pc) =	sbr.rel $0x88, $3  }
0x1: {  	(tag) =	ssettag $0x0;
	lr =	simm.s32 $0x1  }
0x2: {  	[smem:$0x3F8C] =	sst lr;
	_ =	strace $0xD0000000  }
0x3: {  	_ = 	snop  }
0x4: {  	_ = 	snop  }
0x5: {  	_ = 	snop  }
0x6: {  	_ = 	snop  }
0x7: {  	_ = 	snop  }
__scs_overlays_trampoline_lowered:
0x8: {  	[smem:$0x3F9B] =	sst s0  }
0x9: {  	[smem:$0x3F9C] =	sst s1  }
0xa: {  	[smem:$0x3F9D] =	sst s2  }
0xb: {  	[smem:$0x3F9E] =	sst s3  }
0xc: {  	[smem:$0x3F9F] =	sst s4  }
0xd: {  	[smem:$0x3FA0] =	sst s5  }
0xe: {  	[smem:$0x3FA1] =	sst s6  }
0xf: {  	[smem:$0x3FA2] =	sst s7  }
0x10: {  	[smem:$0x3FA3] =	sst s8  }
0x11: {  	[smem:$0x3FA4] =	sst s9;
	s0 =	simm.s32 @!p0 $0x0  }
0x12: {  	s1 =	sld [smem:$0x3F8A];
	s0 =	simm.s32 @p0 $0x1  }
0x13: {  	[smem:$0x3FA5] =	sst s0;
	s0 =	simm.s32 @!p1 $0x0  }
0x14: {  	s2 =	sld [smem:$0x3F89];
	s0 =	simm.s32 @p1 $0x1  }
0x15: {  	[smem:$0x3FA6] =	sst s0;
	s0 =	simm.s32 @!p2 $0x0  }
0x16: {  	s3 =	sld [smem:$0x3FDB];
	s0 =	simm.s32 @p2 $0x1  }
0x17: {  	s4 =	simm.s32 $0x1BF5;
	[smem:$0x3FA8] =	sst s0  }
0x18: {  	s0 =	sld [smem:$0x3F8B];
	_ =	swait.ge [sflag:s4], $0x0  }
0x19: {  	s7 =	sld [smem:$0x3F8C]  }
0x1a: {  	s8 =	sadd.s32 $0xFFFFE003, lr  }
0x1b: {  	s9 =	sadd.s32 $0xFFFFFEF7, lr;
	s5 =	simm.s32 $0xFFFFFFFF;
	p2 =	slt.u32 s8, $0xFFFFF086  }
0x1c: {  	p1 =	slt.u32 s9, $0xF7A;
	s5 =	simm.s32 @!p2 $0x0  }
0x1d: {  	s5 =	simm.s32 @p1 $0x1;
	p0 =	seq.s32 s7, s2  }
0x1e: {  	s7 =	smul.u32 @!p0 $0xF7A, s2;
	p2 =	seq.s32 @!p0 s5, $0x0  }
0x1f: {  	s9 =	smul.u32 $0xF7A, s1;
	s8 =	simm.s32 @!p0 $0x1BF5;
	p2 =	por !p2, p0  }
0x20: {  	[sflag:s8] =	ssyncset.s32 @!p0 $0xFFFFF086;
	s6 =	sadd.s32 @!p0 s3, s7;
	s7 =	simm.s32 @!p0 $0x108  }
0x21: {  	s3 =	sadd.s32 s3, s9;
	s6 =	sadd.s32 @!p0 $0x88, s6;
	s7 =	simm.s32 @p2 $0x1082  }
0x22: {  	[simem:s7], [sflag:s8] =	dma.local @!p0 [hbm:s6], $0xF7A  }
0x23: {  	s9 =	sor.u32 $0xD0000000, s2;
	s6 =	simm.s32 $0x108;
	_ =	swait.ge @!p0 [sflag:s8], $0x0  }
0x24: {  	s3 =	sadd.s32 $0x88, s3;
	s6 =	simm.s32 @!p1 $0x1082;
	[sflag:s4] =	ssyncset.s32 $0xFFFFF086  }
0x25: {  	[simem:s6], [sflag:s4] =	dma.local [hbm:s3], $0xF7A  }
0x26: {  	[smem:$0x3F8C] =	sst s1;
	(tag) =	ssettag s2;
	_ =	strace s9  }
0x27: {  	s1 =	sld [smem:$0x3F9C]  }
0x28: {  	s2 =	sld [smem:$0x3F9D]  }
0x29: {  	s4 =	sld [smem:$0x3F9F]  }
0x2a: {  	p0 =	seq.s32 s5, $0x0;
	s5 =	sld [smem:$0x3FA0]  }
0x2b: {  	s6 =	sld [smem:$0x3FA1]  }
0x2c: {  	s7 =	sld [smem:$0x3FA2]  }
0x2d: {  	s3 =	simm.s32 $0x108;
	s8 =	sld [smem:$0x3FA3]  }
0x2e: {  	s3 =	simm.s32 @!p0 $0x1082;
	s9 =	sld [smem:$0x3FA4]  }
0x2f: {  	lr =	sadd.s32 s0, s3;
	s0 =	sld [smem:$0x3F9B]  }
0x30: {  	s3 =	sld [smem:$0x3F9E]  }
0x31: {  	[smem:$0x3FA7] =	sst s10  }
0x32: {  	s10 =	sld [smem:$0x3FA5];
	_ =	sdelay $0x3  }
0x33: {  	p0 =	seq.s32 s10, $0x1;
	s10 =	sld [smem:$0x3FA7];
	_ =	sdelay $0x3  }
0x34: {  	[smem:$0x3FA7] =	sst s10  }
0x35: {  	s10 =	sld [smem:$0x3FA6];
	_ =	sdelay $0x3  }
0x36: {  	p1 =	seq.s32 s10, $0x1;
	s10 =	sld [smem:$0x3FA7];
	_ =	sdelay $0x3  }
0x37: {  	[smem:$0x3FA7] =	sst s10  }
0x38: {  	s10 =	sld [smem:$0x3FA8]  }
0x39: {  	_ = 	snop;
	(pc) =	sbr.ind lr, $3  }
0x3a: {  	_ = 	snop  }
0x3b: {  	_ = 	snop  }
0x3c: {  	p2 =	seq.s32 s10, $0x1;
	s10 =	sld [smem:$0x3FA7]  }
0x3d: {  	_ =	shalt  }
0x3e: {  	_ =	shalt  }
0x3f: {  	_ =	shalt  }
0x40: {  	_ =	shalt  }
0x41: {  	_ =	shalt  }
0x42: {  	_ =	shalt  }
0x43: {  	_ =	shalt  }
0x44: {  	_ =	shalt  }
0x45: {  	_ =	shalt  }
0x46: {  	_ =	shalt  }
0x47: {  	_ =	shalt  }
0x48: {  	_ =	shalt  }
0x49: {  	_ =	shalt  }
0x4a: {  	_ =	shalt  }
0x4b: {  	_ =	shalt  }
0x4c: {  	_ =	shalt  }
0x4d: {  	_ =	shalt  }
0x4e: {  	_ =	shalt  }
0x4f: {  	_ =	shalt  }
0x50: {  	_ =	shalt  }
0x51: {  	_ =	shalt  }
0x52: {  	_ =	shalt  }
0x53: {  	_ =	shalt  }
0x54: {  	_ =	shalt  }
0x55: {  	_ =	shalt  }
0x56: {  	_ =	shalt  }
0x57: {  	_ =	shalt  }
0x58: {  	_ =	shalt  }
0x59: {  	_ =	shalt  }
0x5a: {  	_ =	shalt  }
0x5b: {  	_ =	shalt  }
0x5c: {  	_ =	shalt  }
0x5d: {  	_ =	shalt  }
0x5e: {  	_ =	shalt  }
0x5f: {  	_ =	shalt  }
0x60: {  	_ =	shalt  }
0x61: {  	_ =	shalt  }
0x62: {  	_ =	shalt  }
0x63: {  	_ =	shalt  }
0x64: {  	_ =	shalt  }
0x65: {  	_ =	shalt  }
0x66: {  	_ =	shalt  }
0x67: {  	_ =	shalt  }
0x68: {  	_ =	shalt  }
0x69: {  	_ =	shalt  }
0x6a: {  	_ =	shalt  }
0x6b: {  	_ =	shalt  }
0x6c: {  	_ =	shalt  }
0x6d: {  	_ =	shalt  }
0x6e: {  	_ =	shalt  }
0x6f: {  	_ =	shalt  }
0x70: {  	_ =	shalt  }
0x71: {  	_ =	shalt  }
0x72: {  	_ =	shalt  }
0x73: {  	_ =	shalt  }
0x74: {  	_ =	shalt  }
0x75: {  	_ =	shalt  }
0x76: {  	_ =	shalt  }
0x77: {  	_ =	shalt  }
0x78: {  	_ =	shalt  }
0x79: {  	_ =	shalt  }
0x7a: {  	_ =	shalt  }
0x7b: {  	_ =	shalt  }
0x7c: {  	_ =	shalt  }
0x7d: {  	_ =	shalt  }
0x7e: {  	_ =	shalt  }
0x7f: {  	_ =	shalt  }
0x80: {  	_ =	shalt  }
0x81: {  	_ =	shalt  }
0x82: {  	_ =	shalt  }
0x83: {  	_ =	shalt  }
0x84: {  	_ =	shalt  }
0x85: {  	_ =	shalt  }
0x86: {  	_ =	shalt  }
0x87: {  	_ =	shalt  }
.Lfunc_end0:
.L_simem_size_0:
called_computation.4_lowered:
.L_overlay_start_0:
0x88: {  	s2 =	sld [smem:$0x3FD9]  }
0x89: {  	s3 =	sld [smem:$0x3FFE];
	_ =	sdelay $0x1  }
0x8a: {  	s1 =	srdreg.scid  }
0x8b: {  	s0 =	sand.u32 $0x1, s1  }
0x8c: {  	s17 =	sshll.u32 s0, $0xA;
	s2 =	sadd.s32 s3, s2  }
0x8d: {  	s2 =	sadd.s32 s2, s17  }
0x8e: {  	[smem:$0x3FB3] =	sst s2  }
0x8f: {  	_ = 	snop  }
0x90: {  	(tm) =	ssettm $0x1  }
0x91: {  	s18 =	sld [smem:$0x3FFB];
	_ =	sdelay $0x3  }
0x92: {  	_ =	strace s18  }
0x93: {  	s2 =	sld [smem:$0x3FFC];
	_ =	sdelay $0x3  }
0x94: {  	_ =	strace s2  }
0x95: {  	s2 =	sld [smem:$0x3FFD];
	_ =	sdelay $0x3  }
0x96: {  	_ =	strace s2  }
0x97: {  	_ =	strace $0x8FFFFFFF  }
0x98: {  	s19 =	sld [smem:$0x3FDB];
	_ =	sdelay $0x1  }
0x99: {  	s20 =	simm.s32 $_scs_section_size  }
0x9a: {  	s4 =	simm.s32 $_size__tile_overlayer_lowered;
	s5 =	simm.s32 $_tile_overlayer_lowered  }
0x9b: {  	s6 =	simm.s32 $0x1BFF;
	s21 =	sshll.u32 s5, $0x1;
	s3 =	sadd.s32 s20, s19  }
0x9c: {  	s22 =	simm.s32 $0x0;
	s4 =	sshll.u32 s4, $0x1;
	s5 =	sadd.s32 s21, s3  }
0x9d: {  	[timem:s22], [sflag:s6] =	dma.local [hbm:s5], s4  }
0x9e: {  	_ =	swait.ge [sflag:s6], s4  }
0x9f: {  	s4 =	ssub.s32 $0x0, s4;
	[sflag:s6] =	ssyncset.done $0x0  }
0xa0: {  	[sflag:s6] =	ssyncadd.s32 s4;
	_ =	sdelay $0x1  }
0xa1: {  	s23 =	simm.s32 $0x1B8B  }
0xa2: {  	_ =	swait.ge [sflag:s23], $0x1  }
0xa3: {  	[sflag:s23] =	ssyncset.done $0x0  }
0xa4: {  	[sflag:s23] =	ssyncadd.s32 $0xFFFFFFFF  }
0xa5: {  	s4 =	sld [smem:$0x0]  }
0xa6: {  	s5 =	sand.u32 $0xFFFFFFFE, s1  }
0xa7: {  	p0 =	sne.s32 s1, s5  }
0xa8: {  	s5 =	sshll.u32 @p0 s5, $0xE  }
0xa9: {  	s5 =	sadd.s32 @p0 $0x11B8D, s5;
	s6 =	sshll.u32 @p0 s4, $0x11  }
0xaa: {  	s5 =	sor.u32 @p0 s6, s5  }
0xab: {  	[sflag:s5] =	ssyncadd.remote.s32 @p0 $0x1;
	_ =	sdelay $0x1  }
0xac: {  	s5 =	simm.s32 @p0 $0x1B8D  }
0xad: {  	_ =	swait.eq @p0 [sflag:s5], $0x1  }
0xae: {  	[sflag:s5] =	ssyncadd.s32 @p0 $0xFFFFFFFF  }
0xaf: {  	s6 =	sshll.u32 @!p0 s1, $0xE  }
0xb0: {  	s6 =	sor.u32 @!p0 $0x4000, s6;
	s5 =	simm.s32 @!p0 $0x1B8D  }
0xb1: {  	s4 =	sshll.u32 @!p0 s4, $0x11;
	s6 =	sadd.s32 @!p0 $0x11B8D, s6;
	_ =	swait.eq @!p0 [sflag:s5], $0x1  }
0xb2: {  	s4 =	sor.u32 @!p0 s4, s6;
	[sflag:s5] =	ssyncadd.s32 @!p0 $0xFFFFFFFF  }
0xb3: {  	s25 =	simm.s32 $0x1B8E;
	s24 =	sld [smem:$0x3FFE];
	[sflag:s4] =	ssyncadd.remote.s32 @!p0 $0x1  }
0xb4: {  	s26 =	simm.s32 $execute0_lowered;
	[smem:$0x3FD2] =	sst s25  }
0xb5: {  	s5 =	sshll.u32 s26, $0x1;
	_ =	strace $0x80000055;
	[dreg:$0x1] =	wrdreg $0xFFFFFFFF  }
0xb6: {  	s28 =	simm.s32 $_size_execute0_lowered;
	s3 =	sadd.s32 s3, s5;
	[dreg:$0x0] =	wrdreg $0x0  }
0xb7: {  	s5 =	sshll.u32 s28, $0x1;
	[dreg:$0x2] =	wrdreg s3  }
0xb8: {  	[dreg:$0x3] =	wrdreg s5  }
0xb9: {  	[dreg:$0x4] =	wrdreg $0xC0  }
0xba: {  	_ =	task [dreg:s22], $0x5FFFF  }
0xbb: {  	[dreg:$0x1] =	wrdreg $0xFFFFFFFF  }
0xbc: {  	[dreg:$0x0] =	wrdreg $0x60  }
0xbd: {  	[dreg:$0x2] =	wrdreg s24  }
0xbe: {  	[dreg:$0x3] =	wrdreg $0xA  }
0xbf: {  	_ =	task.clear_ibuf [dreg:s22], $0x4FFFF;
	_ =	strace $0x90000055  }
0xc0: {  	s29 =	simm.s32 $0xA;
	_ =	strace $0x80000057  }
0xc1: {  	_ =	swait.ge [sflag:s29], $0x1  }
0xc2: {  	[sflag:s29] =	ssyncadd.s32 $0xFFFFFFFF  }
0xc3: {  	_ =	strace $0x90000057  }
0xc4: {  	_ =	sfence  }
0xc5: {  	s30 =	sld [smem:$0x0];
	_ =	sdelay $0x2  }
0xc6: {  	s31 =	sshll.u32 s1, $0xD;
	s1 =	sshrl.u32 s1, $0x2  }
0xc7: {  	s4 =	sand.u32 $0x4000, s31;
	s1 =	sadd.s32 s1, s30  }
0xc8: {  	s0 =	sor.u32 s4, s0;
	s1 =	sshll.u32 s1, $0x11  }
0xc9: {  	s0 =	sor.u32 s1, s0  }
0xca: {  	s0 =	sadd.s32 $0x8F2B, s0  }
0xcb: {  	[sflag:s0] =	ssyncadd.remote.s32 $0x1  }
0xcc: {  	_ =	sfence.sel $0xFFFF  }
0xcd: {  	[dreg:$0x0] =	wrdreg $0xFFFFFFFF;
	(pc) =	sbr.abs _section_cstart, $3  }
0xce: {  	[dreg:$0x1] =	wrdreg $0xFFFFFFFF  }
0xcf: {  	_ =	task.clear_ibuf [dreg:s22], $0x2FFFF;
	_ =	strace $0x9FFFFFFF  }
0xd0: {  	(tm) =	ssettm $0x7FFFFFFF  }
0xd1: {  	_ =	shalt  }
tec
execute0_lowered:
.L_overlay_start_1:
0x0: {  	(tag) =	ssettag $0x1  }
0x1: {  	s0 =	srdreg.scid;
	s5 =	rddreg [dreg:$0x0]  }
0x2: {  	s1 =	stileid.u32;
	s6 =	simm.s32 $0x1;
	s9 =	simm.s32 $0x1  }
0x3: {  	s10 =	simm.s32 $0x3;
	s13 =	simm.s32 $0x0;
	s2 =	sshll.u32 s0, $0x6  }
0x4: {  	s12 =	simm.s32 $0x0;
	s3 =	sshll.u32 s1, $0x7;
	s2 =	sand.u32 $0x40, s2  }
0x5: {  	s0 =	rddreg [dreg:$0x1];
	_ =	strace $0x80000056;
	s2 =	sor.u32 s3, s2  }
0x6: {  	s4 =	sadd.s32 $0x15400, s5;
	[sflag:s6] =	ssyncpa.u1 $0x0;
	s8 =	ssub.s32 $0x1000, s2  }
.Ltmp0:
0x7: {  	s3 =	sadd.s32 $0x1F000, s5;
	s7 =	sand.u32 $0x7C0, s8;
	(pc) =	sbr.rel .LBB2_1-.Ltmp0, $4  }
0x8: {  	s5 =	sadd.s32 $0x15600, s5;
	s11 =	smov.u32 s2;
	p0 =	sne.s32 s7, $0x0  }
0x9: {  	s8 =	sshrl.u32 s8, $0xB;
	s7 =	simm.s32 $0x2;
	s9 =	simm.s32 @!p0 $0x0  }
0xa: {  	[sflag:s7] =	ssyncpa.u1 $0x0;
	p0 =	por $0x0, $0x0;
	s8 =	sadd.s32 s9, s8  }
0xb: {  	vm0 =	vmmov $0xffff;
	[sflag:s10] =	ssyncpa.u1 $0x0;
	s10 =	simm.s32 $0x0;
	s9 =	sadd.s32 $0x1, s8  }
.LBB2_4:
0xc: {  	v2 =	vnsel vm1, $0x0, v2  }
0xd: {  	vm1 =	vgt.s32 v0, $0x0;
	v2 =	vmin.u32 v2, $0x27FF  }
0xe: {  	v0 =	vnsel vm1, $0x0, v0  }
0xf: {  	v0 =	vmin.u32 v0, $0x27FF  }
0x10: {  	[tilespmem:s15], [sflag:$0x1] =	stream.indirect_vreg.gather [hbm4b:s3+s10], $0x1, v1, vm0, $0x4038;
	[tilespmem:$0x100] =	vst v63  }
0x11: {  	(ifvalue) =	ssetifvalue $0x7FFFFFFF  }
0x12: {  	[tilespmem:s16], [sflag:$0x1] =	stream.indirect_vreg.gather [hbm4b:s3+s10], $0x1, v2, vm0, $0x4038;
	[tilespmem:$0x100] =	vst v63  }
0x13: {  	s29 =	sadd.s32 $0x10, s16;
	(ifvalue) =	ssetifvalue $0x7FFFFFFF  }
0x14: {  	[tilespmem:s29], [sflag:$0x1] =	stream.indirect_vreg.gather [hbm4b:s3+s10], $0x1, v0, vm0, $0x4038;
	[tilespmem:$0x100] =	vst v63  }
0x15: {  	_ =	swait.ge [sflag:s6], $0x40  }
0x16: {  	s30 =	sshrl.u32 s13, $0x3;
	[sflag:s6] =	ssyncset.done $0x0  }
0x17: {  	s31 =	sand.u32 $0x7, s13;
	s15 =	sadd.s32 s5, s30;
	[sflag:s6] =	ssyncadd.s32 $0xFFFFFFC0  }
0x18: {  	[hbm4b:s15+s31] =	stream.linear.scatter [tilespmem:s14], [sflag:$0x3], $0x40, $0x38;
	[tilespmem:$0x100] =	vst v63  }
.LBB2_5:
0x19: {  	s15 =	sadd.s32 $0x800, s11  }
0x1a: {  	p2 =	sgt.s32 s15, $0xFFF  }
0x1b: {  	s15 =	smov.u32 @p2 s2;
	p2 =	sne.s32 s12, s9  }
.Ltmp1:
0x1c: {  	p1 =	slt.u32 s12, $0x2;
	(pc) =	sbr.rel @!p2 .LBB2_6-.Ltmp1, $4  }
0x1d: {  	s14 =	simm.s32 @!p1 $0x3  }
0x1e: {  	s16 =	sadd.s32 $0x1, s12;
	_ =	swait.ge @!p1 [sflag:s14], $0x40  }
0x1f: {  	s13 =	smov.u32 s11;
	p0 =	por !p0, !p0;
	[sflag:s14] =	ssyncset.done @!p1 $0x0  }
0x20: {  	s12 =	smov.u32 s16;
	s11 =	smov.u32 s15;
	[sflag:s14] =	ssyncadd.s32 @!p1 $0xFFFFFFC0  }
.LBB2_1:
0x21: {  	p1 =	sge.u32 s12, s8  }
0x22: {  	s14 =	sxor.u32 @!p1 $0xFFFFFFFF, s12  }
0x23: {  	s31 =	sadd.s32 $0xFFFFFFFF, s12;
	s15 =	sshrl.u32 @!p1 s11, $0x3;
	s14 =	sshll.u32 @!p1 s14, $0x6  }
0x24: {  	s16 =	sand.u32 @!p1 $0x7, s11;
	s15 =	sadd.s32 @!p1 s4, s15;
	s14 =	sand.u32 @!p1 $0x40, s14  }
0x25: {  	[tilespmem:s14], [sflag:$0x2] =	stream.linear.gather @!p1 [hbm4b:s15+s16], $0x40, $0x38;
	[tilespmem:$0x100] =	vst v63  }
0x26: {  	p1 =	sge.u32 s31, s8  }
.Ltmp2:
0x27: {  	_ = 	snop;
	(pc) =	sbr.rel @p1 .LBB2_5-.Ltmp2, $1  }
0x28: {  	_ =	sdelay $0x3  }
0x29: {  	s14 =	simm.s32 $0x1  }
0x2a: {  	_ =	swait.ge [sflag:s7], $0x40;
	s14 =	simm.s32 @!p0 $0x0  }
0x2b: {  	[sflag:s7] =	ssyncset.done $0x0;
	s14 =	sshll.u32 s14, $0x6  }
0x2c: {  	[sflag:s7] =	ssyncadd.s32 $0xFFFFFFC0;
	(ifvalue) =	ssetifvalue $0x7FFFFFFF;
	v0 =	vld.msk [tilespmem:s14+$0x0 ss:$0x1], $0xffff;
	_ =	sdelay $0x4  }
0x2d: {  	s15 =	sadd.s32 $0x10, s14;
	vm1 =	vgt.s32 v0, $0x0  }
0x2e: {  	v2 =	vld.msk [tilespmem:s15+$0x0 ss:$0x1], $0xffff;
	v1 =	vnsel vm1, $0x0, v0  }
0x2f: {  	v1 =	vmin.u32 v1, $0x27FF;
	_ =	sdelay $0x1  }
0x30: {  	s16 =	sshll.u32 s12, $0x6;
	s18 =	simm.s32 $0x20  }
0x31: {  	s16 =	sand.u32 $0x40, s16;
	s17 =	sadd.s32 $0x10, s15;
	s15 =	sor.u32 $0x80, s14  }
0x32: {  	s14 =	sor.u32 $0x80, s16;
	s16 =	sadd.s32 $0x10, s15;
	v0 =	vld.msk [tilespmem:s17+$0x0 ss:$0x1], $0xffff;
	vm1 =	vgt.s32 v2, $0x0;
	(ifvalue) =	ssetifvalue $0x7FFFFFFF  }
.LBB2_3:
0x33: {  	[tilespmem:s15], [sflag:$0x1] =	stream.indirect_vreg.gather [hbm4b:s3+s10], $0x1, v1, vm0, $0x4038;
	[tilespmem:$0x100] =	vst v63  }
0x34: {  	s18 =	sadd.s32 $0x10, s18  }
0x35: {  	v2 =	vnsel vm1, $0x0, v2;
	p1 =	slt.u32 s18, $0x30  }
.Ltmp3:
0x36: {  	s15 =	smov.u32 s16;
	v1 =	vmin.u32 v2, $0x27FF;
	(pc) =	sbr.rel @p1 .LBB2_3-.Ltmp3, $3  }
0x37: {  	_ =	sdelay $0x1  }
0x38: {  	s17 =	sadd.s32 $0x10, s17  }
0x39: {  	vm1 =	vgt.s32 v0, $0x0;
	s16 =	sadd.s32 $0x10, s16;
	v2 =	vmov v0;
	(ifvalue) =	ssetifvalue $0x7FFFFFFF;
	v0 =	vld.msk [tilespmem:s17+$0x0 ss:$0x1], $0xffff  }
.Ltmp4:
0x3a: {  	_ = 	snop;
	(pc) =	sbr.rel .LBB2_4-.Ltmp4, $1  }
0x3b: {  	_ =	sdelay $0x3  }
.LBB2_6:
0x3c: {  	_ =	sfence.sel $0x180000  }
0x3d: {  	s2 =	simm.s32 $0x2;
	[bflag:$0x0] =	sbarrier.arrive $0xFFFF  }
0x3e: {  	s30 =	simm.s32 $0x3;
	[sflag:s2] =	ssyncpa.u1 $0x1  }
0x3f: {  	s31 =	simm.s32 $0x1;
	[sflag:s30] =	ssyncpa.u1 $0x1  }
0x40: {  	[sflag:s31] =	ssyncpa.u1 $0x1  }
0x41: {  	p0 =	sne.s32 s1, $0x0;
	_ =	strace $0x90000056  }
0x42: {  	s0 =	sadd.s32 @!p0 $0x100000, s0;
	[bflag:$0x2] =	sbarrier.arrive $0xFFFF  }
0x43: {  	[sflag:s0] =	ssyncadd.tile.s32 @!p0 $0x1;
	_ =	shalt  }
.Lfunc_end2:
_tile_overlayer_lowered:
.L_overlay_start_2:
0x44: {  	(tag) =	ssettag $0x2  }
0x45: {  	s0 =	rddreg [dreg:$0x0];
	s2 =	stileid.u32  }
0x46: {  	s1 =	rddreg [dreg:$0x1];
	p0 =	sne.s32 s2, $0x0  }
0x47: {  	s3 =	rddreg [dreg:$0x2];
	[bflag:$0x3] =	sbarrier.arrive $0xFFFF;
	s2 =	simm.s32 @!p0 $0x1C01  }
0x48: {  	[timem:s3], [sflag:s2] =	dma.local @!p0 [hbm:s0], s1  }
0x49: {  	s0 =	simm.s32 @!p0 $0x1  }
0x4a: {  	_ =	swait.ge @!p0 [sflag:s0], s1  }
0x4b: {  	s1 =	ssub.s32 @!p0 $0x0, s1;
	[sflag:s0] =	ssyncset.done @!p0 $0x0  }
0x4c: {  	[sflag:s0] =	ssyncadd.s32 @!p0 s1  }
0x4d: {  	[bflag:$0x3] =	sbarrier.arrive $0xFFFF  }
0x4e: {  	_ =	shalt  }

// kernel: gather_offload_async_start.3
scs
__scs_entry_jumppad:
0x0: {  	(pc) =	sbr.rel $0x88, $3  }
0x1: {  	(tag) =	ssettag $0x0;
	lr =	simm.s32 $0x1  }
0x2: {  	[smem:$0x3F8C] =	sst lr;
	_ =	strace $0xD0000000  }
0x3: {  	_ = 	snop  }
0x4: {  	_ = 	snop  }
0x5: {  	_ = 	snop  }
0x6: {  	_ = 	snop  }
0x7: {  	_ = 	snop  }
__scs_overlays_trampoline_lowered:
0x8: {  	[smem:$0x3F9B] =	sst s0  }
0x9: {  	[smem:$0x3F9C] =	sst s1  }
0xa: {  	[smem:$0x3F9D] =	sst s2  }
0xb: {  	[smem:$0x3F9E] =	sst s3  }
0xc: {  	[smem:$0x3F9F] =	sst s4  }
0xd: {  	[smem:$0x3FA0] =	sst s5  }
0xe: {  	[smem:$0x3FA1] =	sst s6  }
0xf: {  	[smem:$0x3FA2] =	sst s7  }
0x10: {  	[smem:$0x3FA3] =	sst s8  }
0x11: {  	[smem:$0x3FA4] =	sst s9;
	s0 =	simm.s32 @!p0 $0x0  }
0x12: {  	s1 =	sld [smem:$0x3F8A];
	s0 =	simm.s32 @p0 $0x1  }
0x13: {  	[smem:$0x3FA5] =	sst s0;
	s0 =	simm.s32 @!p1 $0x0  }
0x14: {  	s2 =	sld [smem:$0x3F89];
	s0 =	simm.s32 @p1 $0x1  }
0x15: {  	[smem:$0x3FA6] =	sst s0;
	s0 =	simm.s32 @!p2 $0x0  }
0x16: {  	s3 =	sld [smem:$0x3FDB];
	s0 =	simm.s32 @p2 $0x1  }
0x17: {  	s4 =	simm.s32 $0x1BF5;
	[smem:$0x3FA8] =	sst s0  }
0x18: {  	s0 =	sld [smem:$0x3F8B];
	_ =	swait.ge [sflag:s4], $0x0  }
0x19: {  	s7 =	sld [smem:$0x3F8C]  }
0x1a: {  	s8 =	sadd.s32 $0xFFFFE003, lr  }
0x1b: {  	s9 =	sadd.s32 $0xFFFFFEF7, lr;
	s5 =	simm.s32 $0xFFFFFFFF;
	p2 =	slt.u32 s8, $0xFFFFF086  }
0x1c: {  	p1 =	slt.u32 s9, $0xF7A;
	s5 =	simm.s32 @!p2 $0x0  }
0x1d: {  	s5 =	simm.s32 @p1 $0x1;
	p0 =	seq.s32 s7, s2  }
0x1e: {  	s7 =	smul.u32 @!p0 $0xF7A, s2;
	p2 =	seq.s32 @!p0 s5, $0x0  }
0x1f: {  	s9 =	smul.u32 $0xF7A, s1;
	s8 =	simm.s32 @!p0 $0x1BF5;
	p2 =	por !p2, p0  }
0x20: {  	[sflag:s8] =	ssyncset.s32 @!p0 $0xFFFFF086;
	s6 =	sadd.s32 @!p0 s3, s7;
	s7 =	simm.s32 @!p0 $0x108  }
0x21: {  	s3 =	sadd.s32 s3, s9;
	s6 =	sadd.s32 @!p0 $0x88, s6;
	s7 =	simm.s32 @p2 $0x1082  }
0x22: {  	[simem:s7], [sflag:s8] =	dma.local @!p0 [hbm:s6], $0xF7A  }
0x23: {  	s9 =	sor.u32 $0xD0000000, s2;
	s6 =	simm.s32 $0x108;
	_ =	swait.ge @!p0 [sflag:s8], $0x0  }
0x24: {  	s3 =	sadd.s32 $0x88, s3;
	s6 =	simm.s32 @!p1 $0x1082;
	[sflag:s4] =	ssyncset.s32 $0xFFFFF086  }
0x25: {  	[simem:s6], [sflag:s4] =	dma.local [hbm:s3], $0xF7A  }
0x26: {  	[smem:$0x3F8C] =	sst s1;
	(tag) =	ssettag s2;
	_ =	strace s9  }
0x27: {  	s1 =	sld [smem:$0x3F9C]  }
0x28: {  	s2 =	sld [smem:$0x3F9D]  }
0x29: {  	s4 =	sld [smem:$0x3F9F]  }
0x2a: {  	p0 =	seq.s32 s5, $0x0;
	s5 =	sld [smem:$0x3FA0]  }
0x2b: {  	s6 =	sld [smem:$0x3FA1]  }
0x2c: {  	s7 =	sld [smem:$0x3FA2]  }
0x2d: {  	s3 =	simm.s32 $0x108;
	s8 =	sld [smem:$0x3FA3]  }
0x2e: {  	s3 =	simm.s32 @!p0 $0x1082;
	s9 =	sld [smem:$0x3FA4]  }
0x2f: {  	lr =	sadd.s32 s0, s3;
	s0 =	sld [smem:$0x3F9B]  }
0x30: {  	s3 =	sld [smem:$0x3F9E]  }
0x31: {  	[smem:$0x3FA7] =	sst s10  }
0x32: {  	s10 =	sld [smem:$0x3FA5];
	_ =	sdelay $0x3  }
0x33: {  	p0 =	seq.s32 s10, $0x1;
	s10 =	sld [smem:$0x3FA7];
	_ =	sdelay $0x3  }
0x34: {  	[smem:$0x3FA7] =	sst s10  }
0x35: {  	s10 =	sld [smem:$0x3FA6];
	_ =	sdelay $0x3  }
0x36: {  	p1 =	seq.s32 s10, $0x1;
	s10 =	sld [smem:$0x3FA7];
	_ =	sdelay $0x3  }
0x37: {  	[smem:$0x3FA7] =	sst s10  }
0x38: {  	s10 =	sld [smem:$0x3FA8]  }
0x39: {  	_ = 	snop;
	(pc) =	sbr.ind lr, $3  }
0x3a: {  	_ = 	snop  }
0x3b: {  	_ = 	snop  }
0x3c: {  	p2 =	seq.s32 s10, $0x1;
	s10 =	sld [smem:$0x3FA7]  }
0x3d: {  	_ =	shalt  }
0x3e: {  	_ =	shalt  }
0x3f: {  	_ =	shalt  }
0x40: {  	_ =	shalt  }
0x41: {  	_ =	shalt  }
0x42: {  	_ =	shalt  }
0x43: {  	_ =	shalt  }
0x44: {  	_ =	shalt  }
0x45: {  	_ =	shalt  }
0x46: {  	_ =	shalt  }
0x47: {  	_ =	shalt  }
0x48: {  	_ =	shalt  }
0x49: {  	_ =	shalt  }
0x4a: {  	_ =	shalt  }
0x4b: {  	_ =	shalt  }
0x4c: {  	_ =	shalt  }
0x4d: {  	_ =	shalt  }
0x4e: {  	_ =	shalt  }
0x4f: {  	_ =	shalt  }
0x50: {  	_ =	shalt  }
0x51: {  	_ =	shalt  }
0x52: {  	_ =	shalt  }
0x53: {  	_ =	shalt  }
0x54: {  	_ =	shalt  }
0x55: {  	_ =	shalt  }
0x56: {  	_ =	shalt  }
0x57: {  	_ =	shalt  }
0x58: {  	_ =	shalt  }
0x59: {  	_ =	shalt  }
0x5a: {  	_ =	shalt  }
0x5b: {  	_ =	shalt  }
0x5c: {  	_ =	shalt  }
0x5d: {  	_ =	shalt  }
0x5e: {  	_ =	shalt  }
0x5f: {  	_ =	shalt  }
0x60: {  	_ =	shalt  }
0x61: {  	_ =	shalt  }
0x62: {  	_ =	shalt  }
0x63: {  	_ =	shalt  }
0x64: {  	_ =	shalt  }
0x65: {  	_ =	shalt  }
0x66: {  	_ =	shalt  }
0x67: {  	_ =	shalt  }
0x68: {  	_ =	shalt  }
0x69: {  	_ =	shalt  }
0x6a: {  	_ =	shalt  }
0x6b: {  	_ =	shalt  }
0x6c: {  	_ =	shalt  }
0x6d: {  	_ =	shalt  }
0x6e: {  	_ =	shalt  }
0x6f: {  	_ =	shalt  }
0x70: {  	_ =	shalt  }
0x71: {  	_ =	shalt  }
0x72: {  	_ =	shalt  }
0x73: {  	_ =	shalt  }
0x74: {  	_ =	shalt  }
0x75: {  	_ =	shalt  }
0x76: {  	_ =	shalt  }
0x77: {  	_ =	shalt  }
0x78: {  	_ =	shalt  }
0x79: {  	_ =	shalt  }
0x7a: {  	_ =	shalt  }
0x7b: {  	_ =	shalt  }
0x7c: {  	_ =	shalt  }
0x7d: {  	_ =	shalt  }
0x7e: {  	_ =	shalt  }
0x7f: {  	_ =	shalt  }
0x80: {  	_ =	shalt  }
0x81: {  	_ =	shalt  }
0x82: {  	_ =	shalt  }
0x83: {  	_ =	shalt  }
0x84: {  	_ =	shalt  }
0x85: {  	_ =	shalt  }
0x86: {  	_ =	shalt  }
0x87: {  	_ =	shalt  }
.Lfunc_end0:
.L_simem_size_0:
called_computation.5_lowered:
.L_overlay_start_0:
0x88: {  	s2 =	sld [smem:$0x3FD9]  }
0x89: {  	s3 =	sld [smem:$0x3FFE];
	_ =	sdelay $0x1  }
0x8a: {  	s1 =	srdreg.scid  }
0x8b: {  	s0 =	sand.u32 $0x1, s1  }
0x8c: {  	s16 =	sshll.u32 s0, $0xA;
	s2 =	sadd.s32 s3, s2  }
0x8d: {  	s2 =	sadd.s32 s2, s16  }
0x8e: {  	[smem:$0x3FB3] =	sst s2  }
0x8f: {  	_ = 	snop  }
0x90: {  	(tm) =	ssettm $0x1  }
0x91: {  	s17 =	sld [smem:$0x3FFB];
	_ =	sdelay $0x3  }
0x92: {  	_ =	strace s17  }
0x93: {  	s2 =	sld [smem:$0x3FFC];
	_ =	sdelay $0x3  }
0x94: {  	_ =	strace s2  }
0x95: {  	s2 =	sld [smem:$0x3FFD];
	_ =	sdelay $0x3  }
0x96: {  	_ =	strace s2  }
0x97: {  	_ =	strace $0x8FFFFFFF  }
0x98: {  	s18 =	sld [smem:$0x3FDB];
	_ =	sdelay $0x1  }
0x99: {  	s19 =	simm.s32 $_scs_section_size  }
0x9a: {  	s4 =	simm.s32 $_size__tile_overlayer_lowered;
	s5 =	simm.s32 $_tile_overlayer_lowered  }
0x9b: {  	s22 =	simm.s32 $0x1BFF;
	s21 =	sshll.u32 s5, $0x1;
	s2 =	sadd.s32 s19, s18  }
0x9c: {  	s6 =	simm.s32 $0x0;
	s20 =	sshll.u32 s4, $0x1;
	s4 =	sadd.s32 s21, s2  }
0x9d: {  	[timem:s6], [sflag:s22] =	dma.local [hbm:s4], s20  }
0x9e: {  	_ =	swait.ge [sflag:s22], s20  }
0x9f: {  	s3 =	ssub.s32 $0x0, s20;
	[sflag:s22] =	ssyncset.done $0x0  }
0xa0: {  	[sflag:s22] =	ssyncadd.s32 s3;
	_ =	sdelay $0x1  }
0xa1: {  	s23 =	simm.s32 $0x1B8B  }
0xa2: {  	_ =	swait.ge [sflag:s23], $0x1  }
0xa3: {  	[sflag:s23] =	ssyncset.done $0x0  }
0xa4: {  	s25 =	simm.s32 $0x1B8E;
	s24 =	sld [smem:$0x3FFE];
	[sflag:s23] =	ssyncadd.s32 $0xFFFFFFFF  }
0xa5: {  	s26 =	simm.s32 $execute0_lowered;
	[smem:$0x3FD2] =	sst s25  }
0xa6: {  	s4 =	sshll.u32 s26, $0x1;
	_ =	strace $0x80000052;
	[dreg:$0x1] =	wrdreg $0xFFFFFFFF  }
0xa7: {  	s28 =	simm.s32 $_size_execute0_lowered;
	s2 =	sadd.s32 s2, s4;
	[dreg:$0x0] =	wrdreg $0x0  }
0xa8: {  	s4 =	sshll.u32 s28, $0x1;
	[dreg:$0x2] =	wrdreg s2  }
0xa9: {  	[dreg:$0x3] =	wrdreg s4  }
0xaa: {  	[dreg:$0x4] =	wrdreg $0xC0  }
0xab: {  	_ =	task [dreg:s6], $0x5FFFF  }
0xac: {  	[dreg:$0x1] =	wrdreg $0xFFFFFFFF  }
0xad: {  	[dreg:$0x0] =	wrdreg $0x60  }
0xae: {  	[dreg:$0x2] =	wrdreg s24  }
0xaf: {  	[dreg:$0x3] =	wrdreg $0xB  }
0xb0: {  	_ =	task.clear_ibuf [dreg:s6], $0x4FFFF;
	_ =	strace $0x90000052  }
0xb1: {  	s29 =	simm.s32 $0xB;
	_ =	strace $0x80000054  }
0xb2: {  	_ =	swait.ge [sflag:s29], $0x1  }
0xb3: {  	[sflag:s29] =	ssyncadd.s32 $0xFFFFFFFF  }
0xb4: {  	_ =	strace $0x90000054  }
0xb5: {  	_ =	sfence  }
0xb6: {  	s30 =	sld [smem:$0x0];
	_ =	sdelay $0x2  }
0xb7: {  	s31 =	sshll.u32 s1, $0xD;
	s1 =	sshrl.u32 s1, $0x2  }
0xb8: {  	s3 =	sand.u32 $0x4000, s31;
	s1 =	sadd.s32 s1, s30  }
0xb9: {  	s0 =	sor.u32 s3, s0;
	s1 =	sshll.u32 s1, $0x11  }
0xba: {  	s0 =	sor.u32 s1, s0  }
0xbb: {  	s0 =	sadd.s32 $0x8F2B, s0  }
0xbc: {  	[sflag:s0] =	ssyncadd.remote.s32 $0x1  }
0xbd: {  	_ =	sfence.sel $0xFFFF  }
0xbe: {  	[dreg:$0x0] =	wrdreg $0xFFFFFFFF;
	(pc) =	sbr.abs _section_cstart, $3  }
0xbf: {  	[dreg:$0x1] =	wrdreg $0xFFFFFFFF  }
0xc0: {  	_ =	task.clear_ibuf [dreg:s6], $0x2FFFF;
	_ =	strace $0x9FFFFFFF  }
0xc1: {  	(tm) =	ssettm $0x7FFFFFFF  }
tec
execute0_lowered:
.L_overlay_start_1:
0x0: {  	(tag) =	ssettag $0x1  }
0x1: {  	s0 =	srdreg.scid;
	s5 =	rddreg [dreg:$0x0]  }
0x2: {  	s1 =	stileid.u32;
	s6 =	simm.s32 $0x1;
	s9 =	simm.s32 $0x1  }
0x3: {  	s10 =	simm.s32 $0x3;
	s13 =	simm.s32 $0x0;
	s2 =	sshll.u32 s0, $0x6  }
0x4: {  	s12 =	simm.s32 $0x0;
	s3 =	sshll.u32 s1, $0x7;
	s2 =	sand.u32 $0x40, s2  }
0x5: {  	s0 =	rddreg [dreg:$0x1];
	_ =	strace $0x80000053;
	s2 =	sor.u32 s3, s2  }
0x6: {  	s4 =	sadd.s32 $0x200, s5;
	[sflag:s6] =	ssyncpa.u1 $0x0;
	s8 =	ssub.s32 $0x1000, s2  }
.Ltmp0:
0x7: {  	s3 =	sadd.s32 $0x1F000, s5;
	s7 =	sand.u32 $0x7C0, s8;
	(pc) =	sbr.rel .LBB2_1-.Ltmp0, $4  }
0x8: {  	s5 =	sadd.s32 $0x15200, s5;
	s11 =	smov.u32 s2;
	p0 =	sne.s32 s7, $0x0  }
0x9: {  	s8 =	sshrl.u32 s8, $0xB;
	s7 =	simm.s32 $0x2;
	s9 =	simm.s32 @!p0 $0x0  }
0xa: {  	[sflag:s7] =	ssyncpa.u1 $0x0;
	p0 =	por $0x0, $0x0;
	s8 =	sadd.s32 s9, s8  }
0xb: {  	vm0 =	vmmov $0xffff;
	[sflag:s10] =	ssyncpa.u1 $0x0;
	s10 =	simm.s32 $0x0;
	s9 =	sadd.s32 $0x1, s8  }
.LBB2_4:
0xc: {  	v2 =	vnsel vm1, $0x0, v2  }
0xd: {  	vm1 =	vgt.s32 v0, $0x0;
	v2 =	vmin.u32 v2, $0x27FF  }
0xe: {  	v0 =	vnsel vm1, $0x0, v0  }
0xf: {  	v0 =	vmin.u32 v0, $0x27FF  }
0x10: {  	[tilespmem:s15], [sflag:$0x1] =	stream.indirect_vreg.gather [hbm4b:s3+s10], $0x1, v1, vm0, $0x4038;
	[tilespmem:$0x100] =	vst v63  }
0x11: {  	(ifvalue) =	ssetifvalue $0x7FFFFFFF  }
0x12: {  	[tilespmem:s16], [sflag:$0x1] =	stream.indirect_vreg.gather [hbm4b:s3+s10], $0x1, v2, vm0, $0x4038;
	[tilespmem:$0x100] =	vst v63  }
0x13: {  	s29 =	sadd.s32 $0x10, s16;
	(ifvalue) =	ssetifvalue $0x7FFFFFFF  }
0x14: {  	[tilespmem:s29], [sflag:$0x1] =	stream.indirect_vreg.gather [hbm4b:s3+s10], $0x1, v0, vm0, $0x4038;
	[tilespmem:$0x100] =	vst v63  }
0x15: {  	_ =	swait.ge [sflag:s6], $0x40  }
0x16: {  	s30 =	sshrl.u32 s13, $0x3;
	[sflag:s6] =	ssyncset.done $0x0  }
0x17: {  	s31 =	sand.u32 $0x7, s13;
	s15 =	sadd.s32 s5, s30;
	[sflag:s6] =	ssyncadd.s32 $0xFFFFFFC0  }
0x18: {  	[hbm4b:s15+s31] =	stream.linear.scatter [tilespmem:s14], [sflag:$0x3], $0x40, $0x38;
	[tilespmem:$0x100] =	vst v63  }
.LBB2_5:
0x19: {  	s15 =	sadd.s32 $0x800, s11  }
0x1a: {  	p2 =	sgt.s32 s15, $0xFFF  }
0x1b: {  	s15 =	smov.u32 @p2 s2;
	p2 =	sne.s32 s12, s9  }
.Ltmp1:
0x1c: {  	p1 =	slt.u32 s12, $0x2;
	(pc) =	sbr.rel @!p2 .LBB2_6-.Ltmp1, $4  }
0x1d: {  	s14 =	simm.s32 @!p1 $0x3  }
0x1e: {  	s16 =	sadd.s32 $0x1, s12;
	_ =	swait.ge @!p1 [sflag:s14], $0x40  }
0x1f: {  	s13 =	smov.u32 s11;
	p0 =	por !p0, !p0;
	[sflag:s14] =	ssyncset.done @!p1 $0x0  }
0x20: {  	s12 =	smov.u32 s16;
	s11 =	smov.u32 s15;
	[sflag:s14] =	ssyncadd.s32 @!p1 $0xFFFFFFC0  }
.LBB2_1:
0x21: {  	p1 =	sge.u32 s12, s8  }
0x22: {  	s14 =	sxor.u32 @!p1 $0xFFFFFFFF, s12  }
0x23: {  	s31 =	sadd.s32 $0xFFFFFFFF, s12;
	s15 =	sshrl.u32 @!p1 s11, $0x3;
	s14 =	sshll.u32 @!p1 s14, $0x6  }
0x24: {  	s16 =	sand.u32 @!p1 $0x7, s11;
	s15 =	sadd.s32 @!p1 s4, s15;
	s14 =	sand.u32 @!p1 $0x40, s14  }
0x25: {  	[tilespmem:s14], [sflag:$0x2] =	stream.linear.gather @!p1 [hbm4b:s15+s16], $0x40, $0x38;
	[tilespmem:$0x100] =	vst v63  }
0x26: {  	p1 =	sge.u32 s31, s8  }
.Ltmp2:
0x27: {  	_ = 	snop;
	(pc) =	sbr.rel @p1 .LBB2_5-.Ltmp2, $1  }
0x28: {  	_ =	sdelay $0x3  }
0x29: {  	s14 =	simm.s32 $0x1  }
0x2a: {  	_ =	swait.ge [sflag:s7], $0x40;
	s14 =	simm.s32 @!p0 $0x0  }
0x2b: {  	[sflag:s7] =	ssyncset.done $0x0;
	s14 =	sshll.u32 s14, $0x6  }
0x2c: {  	[sflag:s7] =	ssyncadd.s32 $0xFFFFFFC0;
	(ifvalue) =	ssetifvalue $0x7FFFFFFF;
	v0 =	vld.msk [tilespmem:s14+$0x0 ss:$0x1], $0xffff;
	_ =	sdelay $0x4  }
0x2d: {  	s15 =	sadd.s32 $0x10, s14;
	vm1 =	vgt.s32 v0, $0x0  }
0x2e: {  	v2 =	vld.msk [tilespmem:s15+$0x0 ss:$0x1], $0xffff;
	v1 =	vnsel vm1, $0x0, v0  }
0x2f: {  	v1 =	vmin.u32 v1, $0x27FF;
	_ =	sdelay $0x1  }
0x30: {  	s16 =	sshll.u32 s12, $0x6;
	s18 =	simm.s32 $0x20  }
0x31: {  	s16 =	sand.u32 $0x40, s16;
	s17 =	sadd.s32 $0x10, s15;
	s15 =	sor.u32 $0x80, s14  }
0x32: {  	s14 =	sor.u32 $0x80, s16;
	s16 =	sadd.s32 $0x10, s15;
	v0 =	vld.msk [tilespmem:s17+$0x0 ss:$0x1], $0xffff;
	vm1 =	vgt.s32 v2, $0x0;
	(ifvalue) =	ssetifvalue $0x7FFFFFFF  }
.LBB2_3:
0x33: {  	[tilespmem:s15], [sflag:$0x1] =	stream.indirect_vreg.gather [hbm4b:s3+s10], $0x1, v1, vm0, $0x4038;
	[tilespmem:$0x100] =	vst v63  }
0x34: {  	s18 =	sadd.s32 $0x10, s18  }
0x35: {  	v2 =	vnsel vm1, $0x0, v2;
	p1 =	slt.u32 s18, $0x30  }
.Ltmp3:
0x36: {  	s15 =	smov.u32 s16;
	v1 =	vmin.u32 v2, $0x27FF;
	(pc) =	sbr.rel @p1 .LBB2_3-.Ltmp3, $3  }
0x37: {  	_ =	sdelay $0x1  }
0x38: {  	s17 =	sadd.s32 $0x10, s17  }
0x39: {  	vm1 =	vgt.s32 v0, $0x0;
	s16 =	sadd.s32 $0x10, s16;
	v2 =	vmov v0;
	(ifvalue) =	ssetifvalue $0x7FFFFFFF;
	v0 =	vld.msk [tilespmem:s17+$0x0 ss:$0x1], $0xffff  }
.Ltmp4:
0x3a: {  	_ = 	snop;
	(pc) =	sbr.rel .LBB2_4-.Ltmp4, $1  }
0x3b: {  	_ =	sdelay $0x3  }
.LBB2_6:
0x3c: {  	_ =	sfence.sel $0x180000  }
0x3d: {  	s2 =	simm.s32 $0x2;
	[bflag:$0x0] =	sbarrier.arrive $0xFFFF  }
0x3e: {  	s30 =	simm.s32 $0x3;
	[sflag:s2] =	ssyncpa.u1 $0x1  }
0x3f: {  	s31 =	simm.s32 $0x1;
	[sflag:s30] =	ssyncpa.u1 $0x1  }
0x40: {  	[sflag:s31] =	ssyncpa.u1 $0x1  }
0x41: {  	p0 =	sne.s32 s1, $0x0;
	_ =	strace $0x90000053  }
0x42: {  	s0 =	sadd.s32 @!p0 $0x100000, s0;
	[bflag:$0x2] =	sbarrier.arrive $0xFFFF  }
0x43: {  	[sflag:s0] =	ssyncadd.tile.s32 @!p0 $0x1;
	_ =	shalt  }
.Lfunc_end2:
_tile_overlayer_lowered:
.L_overlay_start_2:
0x44: {  	(tag) =	ssettag $0x2  }
0x45: {  	s0 =	rddreg [dreg:$0x0];
	s2 =	stileid.u32  }
0x46: {  	s1 =	rddreg [dreg:$0x1];
	p0 =	sne.s32 s2, $0x0  }
0x47: {  	s3 =	rddreg [dreg:$0x2];
	[bflag:$0x3] =	sbarrier.arrive $0xFFFF;
	s2 =	simm.s32 @!p0 $0x1C01  }
0x48: {  	[timem:s3], [sflag:s2] =	dma.local @!p0 [hbm:s0], s1  }
0x49: {  	s0 =	simm.s32 @!p0 $0x1  }
0x4a: {  	_ =	swait.ge @!p0 [sflag:s0], s1  }
0x4b: {  	s1 =	ssub.s32 @!p0 $0x0, s1;
	[sflag:s0] =	ssyncset.done @!p0 $0x0  }
0x4c: {  	[sflag:s0] =	ssyncadd.s32 @!p0 s1  }
0x4d: {  	[bflag:$0x3] =	sbarrier.arrive $0xFFFF  }
0x4e: {  	_ =	shalt  }

// kernel: gather_offload_async_start.4
scs
__scs_entry_jumppad:
0x0: {  	(pc) =	sbr.rel $0x88, $3  }
0x1: {  	(tag) =	ssettag $0x0;
	lr =	simm.s32 $0x1  }
0x2: {  	[smem:$0x3F8C] =	sst lr;
	_ =	strace $0xD0000000  }
0x3: {  	_ = 	snop  }
0x4: {  	_ = 	snop  }
0x5: {  	_ = 	snop  }
0x6: {  	_ = 	snop  }
0x7: {  	_ = 	snop  }
__scs_overlays_trampoline_lowered:
0x8: {  	[smem:$0x3F9B] =	sst s0  }
0x9: {  	[smem:$0x3F9C] =	sst s1  }
0xa: {  	[smem:$0x3F9D] =	sst s2  }
0xb: {  	[smem:$0x3F9E] =	sst s3  }
0xc: {  	[smem:$0x3F9F] =	sst s4  }
0xd: {  	[smem:$0x3FA0] =	sst s5  }
0xe: {  	[smem:$0x3FA1] =	sst s6  }
0xf: {  	[smem:$0x3FA2] =	sst s7  }
0x10: {  	[smem:$0x3FA3] =	sst s8  }
0x11: {  	[smem:$0x3FA4] =	sst s9;
	s0 =	simm.s32 @!p0 $0x0  }
0x12: {  	s1 =	sld [smem:$0x3F8A];
	s0 =	simm.s32 @p0 $0x1  }
0x13: {  	[smem:$0x3FA5] =	sst s0;
	s0 =	simm.s32 @!p1 $0x0  }
0x14: {  	s2 =	sld [smem:$0x3F89];
	s0 =	simm.s32 @p1 $0x1  }
0x15: {  	[smem:$0x3FA6] =	sst s0;
	s0 =	simm.s32 @!p2 $0x0  }
0x16: {  	s3 =	sld [smem:$0x3FDB];
	s0 =	simm.s32 @p2 $0x1  }
0x17: {  	s4 =	simm.s32 $0x1BF5;
	[smem:$0x3FA8] =	sst s0  }
0x18: {  	s0 =	sld [smem:$0x3F8B];
	_ =	swait.ge [sflag:s4], $0x0  }
0x19: {  	s7 =	sld [smem:$0x3F8C]  }
0x1a: {  	s8 =	sadd.s32 $0xFFFFE003, lr  }
0x1b: {  	s9 =	sadd.s32 $0xFFFFFEF7, lr;
	s5 =	simm.s32 $0xFFFFFFFF;
	p2 =	slt.u32 s8, $0xFFFFF086  }
0x1c: {  	p1 =	slt.u32 s9, $0xF7A;
	s5 =	simm.s32 @!p2 $0x0  }
0x1d: {  	s5 =	simm.s32 @p1 $0x1;
	p0 =	seq.s32 s7, s2  }
0x1e: {  	s7 =	smul.u32 @!p0 $0xF7A, s2;
	p2 =	seq.s32 @!p0 s5, $0x0  }
0x1f: {  	s9 =	smul.u32 $0xF7A, s1;
	s8 =	simm.s32 @!p0 $0x1BF5;
	p2 =	por !p2, p0  }
0x20: {  	[sflag:s8] =	ssyncset.s32 @!p0 $0xFFFFF086;
	s6 =	sadd.s32 @!p0 s3, s7;
	s7 =	simm.s32 @!p0 $0x108  }
0x21: {  	s3 =	sadd.s32 s3, s9;
	s6 =	sadd.s32 @!p0 $0x88, s6;
	s7 =	simm.s32 @p2 $0x1082  }
0x22: {  	[simem:s7], [sflag:s8] =	dma.local @!p0 [hbm:s6], $0xF7A  }
0x23: {  	s9 =	sor.u32 $0xD0000000, s2;
	s6 =	simm.s32 $0x108;
	_ =	swait.ge @!p0 [sflag:s8], $0x0  }
0x24: {  	s3 =	sadd.s32 $0x88, s3;
	s6 =	simm.s32 @!p1 $0x1082;
	[sflag:s4] =	ssyncset.s32 $0xFFFFF086  }
0x25: {  	[simem:s6], [sflag:s4] =	dma.local [hbm:s3], $0xF7A  }
0x26: {  	[smem:$0x3F8C] =	sst s1;
	(tag) =	ssettag s2;
	_ =	strace s9  }
0x27: {  	s1 =	sld [smem:$0x3F9C]  }
0x28: {  	s2 =	sld [smem:$0x3F9D]  }
0x29: {  	s4 =	sld [smem:$0x3F9F]  }
0x2a: {  	p0 =	seq.s32 s5, $0x0;
	s5 =	sld [smem:$0x3FA0]  }
0x2b: {  	s6 =	sld [smem:$0x3FA1]  }
0x2c: {  	s7 =	sld [smem:$0x3FA2]  }
0x2d: {  	s3 =	simm.s32 $0x108;
	s8 =	sld [smem:$0x3FA3]  }
0x2e: {  	s3 =	simm.s32 @!p0 $0x1082;
	s9 =	sld [smem:$0x3FA4]  }
0x2f: {  	lr =	sadd.s32 s0, s3;
	s0 =	sld [smem:$0x3F9B]  }
0x30: {  	s3 =	sld [smem:$0x3F9E]  }
0x31: {  	[smem:$0x3FA7] =	sst s10  }
0x32: {  	s10 =	sld [smem:$0x3FA5];
	_ =	sdelay $0x3  }
0x33: {  	p0 =	seq.s32 s10, $0x1;
	s10 =	sld [smem:$0x3FA7];
	_ =	sdelay $0x3  }
0x34: {  	[smem:$0x3FA7] =	sst s10  }
0x35: {  	s10 =	sld [smem:$0x3FA6];
	_ =	sdelay $0x3  }
0x36: {  	p1 =	seq.s32 s10, $0x1;
	s10 =	sld [smem:$0x3FA7];
	_ =	sdelay $0x3  }
0x37: {  	[smem:$0x3FA7] =	sst s10  }
0x38: {  	s10 =	sld [smem:$0x3FA8]  }
0x39: {  	_ = 	snop;
	(pc) =	sbr.ind lr, $3  }
0x3a: {  	_ = 	snop  }
0x3b: {  	_ = 	snop  }
0x3c: {  	p2 =	seq.s32 s10, $0x1;
	s10 =	sld [smem:$0x3FA7]  }
0x3d: {  	_ =	shalt  }
0x3e: {  	_ =	shalt  }
0x3f: {  	_ =	shalt  }
0x40: {  	_ =	shalt  }
0x41: {  	_ =	shalt  }
0x42: {  	_ =	shalt  }
0x43: {  	_ =	shalt  }
0x44: {  	_ =	shalt  }
0x45: {  	_ =	shalt  }
0x46: {  	_ =	shalt  }
0x47: {  	_ =	shalt  }
0x48: {  	_ =	shalt  }
0x49: {  	_ =	shalt  }
0x4a: {  	_ =	shalt  }
0x4b: {  	_ =	shalt  }
0x4c: {  	_ =	shalt  }
0x4d: {  	_ =	shalt  }
0x4e: {  	_ =	shalt  }
0x4f: {  	_ =	shalt  }
0x50: {  	_ =	shalt  }
0x51: {  	_ =	shalt  }
0x52: {  	_ =	shalt  }
0x53: {  	_ =	shalt  }
0x54: {  	_ =	shalt  }
0x55: {  	_ =	shalt  }
0x56: {  	_ =	shalt  }
0x57: {  	_ =	shalt  }
0x58: {  	_ =	shalt  }
0x59: {  	_ =	shalt  }
0x5a: {  	_ =	shalt  }
0x5b: {  	_ =	shalt  }
0x5c: {  	_ =	shalt  }
0x5d: {  	_ =	shalt  }
0x5e: {  	_ =	shalt  }
0x5f: {  	_ =	shalt  }
0x60: {  	_ =	shalt  }
0x61: {  	_ =	shalt  }
0x62: {  	_ =	shalt  }
0x63: {  	_ =	shalt  }
0x64: {  	_ =	shalt  }
0x65: {  	_ =	shalt  }
0x66: {  	_ =	shalt  }
0x67: {  	_ =	shalt  }
0x68: {  	_ =	shalt  }
0x69: {  	_ =	shalt  }
0x6a: {  	_ =	shalt  }
0x6b: {  	_ =	shalt  }
0x6c: {  	_ =	shalt  }
0x6d: {  	_ =	shalt  }
0x6e: {  	_ =	shalt  }
0x6f: {  	_ =	shalt  }
0x70: {  	_ =	shalt  }
0x71: {  	_ =	shalt  }
0x72: {  	_ =	shalt  }
0x73: {  	_ =	shalt  }
0x74: {  	_ =	shalt  }
0x75: {  	_ =	shalt  }
0x76: {  	_ =	shalt  }
0x77: {  	_ =	shalt  }
0x78: {  	_ =	shalt  }
0x79: {  	_ =	shalt  }
0x7a: {  	_ =	shalt  }
0x7b: {  	_ =	shalt  }
0x7c: {  	_ =	shalt  }
0x7d: {  	_ =	shalt  }
0x7e: {  	_ =	shalt  }
0x7f: {  	_ =	shalt  }
0x80: {  	_ =	shalt  }
0x81: {  	_ =	shalt  }
0x82: {  	_ =	shalt  }
0x83: {  	_ =	shalt  }
0x84: {  	_ =	shalt  }
0x85: {  	_ =	shalt  }
0x86: {  	_ =	shalt  }
0x87: {  	_ =	shalt  }
.Lfunc_end0:
.L_simem_size_0:
called_computation.6_lowered:
.L_overlay_start_0:
0x88: {  	s2 =	sld [smem:$0x3FD9]  }
0x89: {  	s3 =	sld [smem:$0x3FFE];
	_ =	sdelay $0x1  }
0x8a: {  	s1 =	srdreg.scid  }
0x8b: {  	s0 =	sand.u32 $0x1, s1  }
0x8c: {  	s17 =	sshll.u32 s0, $0xA;
	s2 =	sadd.s32 s3, s2  }
0x8d: {  	s2 =	sadd.s32 s2, s17  }
0x8e: {  	[smem:$0x3FB3] =	sst s2  }
0x8f: {  	_ = 	snop  }
0x90: {  	s18 =	sld [smem:$0x3FC9];
	(tm) =	ssettm $0x1  }
0x91: {  	s19 =	sld [smem:$0x3FFB];
	_ =	sdelay $0x3  }
0x92: {  	_ =	strace s19  }
0x93: {  	s2 =	sld [smem:$0x3FFC];
	_ =	sdelay $0x3  }
0x94: {  	_ =	strace s2  }
0x95: {  	s2 =	sld [smem:$0x3FFD];
	_ =	sdelay $0x3  }
0x96: {  	_ =	strace s2  }
0x97: {  	_ =	strace $0x8FFFFFFF  }
0x98: {  	s20 =	sld [smem:$0x3FDB];
	_ =	sdelay $0x1  }
0x99: {  	s4 =	simm.s32 $_scs_section_size  }
0x9a: {  	s5 =	simm.s32 $_size__tile_overlayer_lowered;
	s6 =	simm.s32 $_tile_overlayer_lowered  }
0x9b: {  	s7 =	simm.s32 $0x1BFF;
	s21 =	sshll.u32 s6, $0x1;
	s4 =	sadd.s32 s4, s20  }
0x9c: {  	s22 =	simm.s32 $0x0;
	s5 =	sshll.u32 s5, $0x1;
	s6 =	sadd.s32 s21, s4  }
0x9d: {  	[timem:s22], [sflag:s7] =	dma.local [hbm:s6], s5  }
0x9e: {  	_ =	swait.ge [sflag:s7], s5  }
0x9f: {  	s5 =	ssub.s32 $0x0, s5;
	[sflag:s7] =	ssyncset.done $0x0  }
0xa0: {  	[sflag:s7] =	ssyncadd.s32 s5;
	_ =	sdelay $0x1  }
0xa1: {  	s23 =	simm.s32 $0x1B8B  }
0xa2: {  	_ =	swait.ge [sflag:s23], $0x1  }
0xa3: {  	[sflag:s23] =	ssyncset.done $0x0  }
0xa4: {  	[sflag:s23] =	ssyncadd.s32 $0xFFFFFFFF  }
0xa5: {  	s5 =	sld [smem:$0x0]  }
0xa6: {  	s6 =	sand.u32 $0xFFFFFFFE, s1  }
0xa7: {  	p0 =	sne.s32 s1, s6  }
0xa8: {  	s6 =	sshll.u32 @p0 s6, $0xE  }
0xa9: {  	s6 =	sadd.s32 @p0 $0x11B8D, s6;
	s7 =	sshll.u32 @p0 s5, $0x11  }
0xaa: {  	s6 =	sor.u32 @p0 s7, s6  }
0xab: {  	[sflag:s6] =	ssyncadd.remote.s32 @p0 $0x1;
	_ =	sdelay $0x1  }
0xac: {  	s6 =	simm.s32 @p0 $0x1B8D  }
0xad: {  	_ =	swait.eq @p0 [sflag:s6], $0x1  }
0xae: {  	[sflag:s6] =	ssyncadd.s32 @p0 $0xFFFFFFFF  }
0xaf: {  	s7 =	sshll.u32 @!p0 s1, $0xE  }
0xb0: {  	s7 =	sor.u32 @!p0 $0x4000, s7;
	s6 =	simm.s32 @!p0 $0x1B8D  }
0xb1: {  	s5 =	sshll.u32 @!p0 s5, $0x11;
	s7 =	sadd.s32 @!p0 $0x11B8D, s7;
	_ =	swait.eq @!p0 [sflag:s6], $0x1  }
0xb2: {  	s5 =	sor.u32 @!p0 s5, s7;
	[sflag:s6] =	ssyncadd.s32 @!p0 $0xFFFFFFFF  }
0xb3: {  	s25 =	simm.s32 $0x1B8E;
	s24 =	sld [smem:$0x3FFE];
	[sflag:s5] =	ssyncadd.remote.s32 @!p0 $0x1  }
0xb4: {  	s26 =	simm.s32 $execute0_lowered;
	[smem:$0x3FD2] =	sst s25  }
0xb5: {  	s6 =	sshll.u32 s26, $0x1;
	_ =	strace $0x8000005E;
	[dreg:$0x1] =	wrdreg $0xFFFFFFFF  }
0xb6: {  	s28 =	simm.s32 $_size_execute0_lowered;
	s4 =	sadd.s32 s4, s6;
	[dreg:$0x0] =	wrdreg $0x0  }
0xb7: {  	s6 =	sshll.u32 s28, $0x1;
	[dreg:$0x2] =	wrdreg s4  }
0xb8: {  	[dreg:$0x3] =	wrdreg s6  }
0xb9: {  	[dreg:$0x4] =	wrdreg $0xC0  }
0xba: {  	_ =	task [dreg:s22], $0x5FFFF  }
0xbb: {  	[dreg:$0x1] =	wrdreg $0xFFFFFFFF  }
0xbc: {  	[dreg:$0x0] =	wrdreg $0x60  }
0xbd: {  	[dreg:$0x2] =	wrdreg s18  }
0xbe: {  	[dreg:$0x3] =	wrdreg s24  }
0xbf: {  	[dreg:$0x4] =	wrdreg $0xA  }
0xc0: {  	_ =	task.clear_ibuf [dreg:s22], $0x5FFFF;
	_ =	strace $0x9000005E  }
0xc1: {  	s29 =	simm.s32 $0xA;
	_ =	strace $0x80000060  }
0xc2: {  	_ =	swait.ge [sflag:s29], $0x1  }
0xc3: {  	[sflag:s29] =	ssyncadd.s32 $0xFFFFFFFF  }
0xc4: {  	_ =	strace $0x90000060  }
0xc5: {  	_ =	sfence  }
0xc6: {  	s30 =	sld [smem:$0x0];
	_ =	sdelay $0x2  }
0xc7: {  	s31 =	sshll.u32 s1, $0xD;
	s1 =	sshrl.u32 s1, $0x2  }
0xc8: {  	s4 =	sand.u32 $0x4000, s31;
	s1 =	sadd.s32 s1, s30  }
0xc9: {  	s0 =	sor.u32 s4, s0;
	s1 =	sshll.u32 s1, $0x11  }
0xca: {  	s0 =	sor.u32 s1, s0  }
0xcb: {  	s0 =	sadd.s32 $0x8F2B, s0  }
0xcc: {  	[sflag:s0] =	ssyncadd.remote.s32 $0x1  }
0xcd: {  	_ =	sfence.sel $0xFFFF  }
0xce: {  	[dreg:$0x0] =	wrdreg $0xFFFFFFFF;
	(pc) =	sbr.abs _section_cstart, $3  }
0xcf: {  	[dreg:$0x1] =	wrdreg $0xFFFFFFFF  }
0xd0: {  	_ =	task.clear_ibuf [dreg:s22], $0x2FFFF;
	_ =	strace $0x9FFFFFFF  }
0xd1: {  	(tm) =	ssettm $0x7FFFFFFF  }
tec
execute0_lowered:
.L_overlay_start_1:
0x0: {  	(tag) =	ssettag $0x1  }
0x1: {  	s2 =	rddreg [dreg:$0x0]  }
0x2: {  	s7 =	rddreg [dreg:$0x1]  }
0x3: {  	s0 =	rddreg [dreg:$0x2]  }
0x4: {  	s1 =	srdreg.scid;
	_ =	strace $0x8000005F;
	s4 =	simm.s32 $0x1  }
0x5: {  	s9 =	simm.s32 $0x3;
	s12 =	simm.s32 $0x0;
	s5 =	sshll.u32 s1, $0x4  }
.Ltmp0:
0x6: {  	s1 =	stileid.u32;
	s5 =	sand.u32 $0x10, s5;
	(pc) =	sbr.rel .LBB2_1-.Ltmp0, $4  }
0x7: {  	s10 =	simm.s32 $0x0;
	s3 =	sadd.s32 $0x10400, s7;
	s6 =	sor.u32 s1, s5  }
0x8: {  	[sflag:s4] =	ssyncpa.u1 $0x0;
	s5 =	simm.s32 $0x2;
	s6 =	sshll.u32 s6, $0x7  }
0x9: {  	s7 =	sadd.s32 $0x32000, s7;
	[sflag:s5] =	ssyncpa.u1 $0x0;
	s8 =	sadd.s32 $0x80, s6  }
0xa: {  	vm0 =	vmmov $0xff;
	vm1 =	vcmask $0x3F20;
	[sflag:s9] =	ssyncpa.u1 $0x0;
	s9 =	simm.s32 $0x80;
	s11 =	smov.u32 s6  }
.LBB2_9:
0xb: {  	p0 =	seq.s32 s10, $0x2  }
.Ltmp1:
0xc: {  	_ = 	snop;
	(pc) =	sbr.rel @p0 .LBB2_11-.Ltmp1, $1  }
0xd: {  	_ =	sdelay $0x3  }
.LBB2_10:
0xe: {  	s12 =	sadd.s32 $0x80, s11  }
0xf: {  	s13 =	smov.u32 s6;
	p0 =	slt.s32 s12, s8  }
0x10: {  	s13 =	smov.u32 @p0 s12  }
0x11: {  	s10 =	sadd.s32 $0x1, s10;
	s12 =	smov.u32 s11;
	s11 =	smov.u32 s13  }
.LBB2_1:
0x12: {  	p0 =	sne.s32 s10, $0x0  }
.Ltmp2:
0x13: {  	_ = 	snop;
	(pc) =	sbr.rel @!p0 .LBB2_2-.Ltmp2, $1  }
0x14: {  	_ =	sdelay $0x3  }
0x15: {  	s13 =	sand.u32 $0x1, s10  }
0x16: {  	p0 =	seq.s32 s13, $0x0  }
.Ltmp3:
0x17: {  	_ = 	snop;
	(pc) =	sbr.rel @p0 .LBB2_9-.Ltmp3, $1  }
0x18: {  	_ =	sdelay $0x3  }
0x19: {  	_ =	swait.ge [sflag:s5], $0x80  }
0x1a: {  	[sflag:s5] =	ssyncset.done $0x0  }
0x1b: {  	s13 =	simm.s32 $0x0;
	[sflag:s5] =	ssyncadd.s32 $0xFFFFFF80  }
0x1c: {  	v0 =	vld.msk [tilespmem:s13+$0x80 ss:$0x1], $0xffff;
	_ =	sdelay $0x4  }
0x1d: {  	vm2 =	vgt.s32 v0, $0x0  }
0x1e: {  	v0 =	vnsel vm2, $0x0, v0  }
0x1f: {  	v0 =	vmin.u32 v0, $0x270F  }
0x20: {  	v0 =	vshll.u32 v0, $0x4;
	_ =	sdelay $0x3  }
0x21: {  	s13 =	simm.s32 $0x4100  }
0x22: {  	[tilespmem:s13], [sflag:$0x1] =	stream.indirect_vreg.gather [hbm:s2], $0x80, v0, vm0, $0x38;
	[tilespmem:$0x8100] =	vst v63  }
0x23: {  	s14 =	simm.s32 $0x4500;
	s31 =	simm.s32 $0x10  }
0x24: {  	[tilespmem:s14], [sflag:$0x1] =	stream.indirect_vreg.gather [hbm:s2], $0x80, v0, vm1, $0x38;
	[tilespmem:$0x8100] =	vst v63  }
0x25: {  	s14 =	simm.s32 $0x80;
	v0 =	vld.msk [tilespmem:s31+$0x80 ss:$0x1], $0xffff  }
.LBB2_5:
0x26: {  	p0 =	sne.s32 s14, $0x1C0;
	_ =	sdelay $0x4  }
0x27: {  	vm2 =	vgt.s32 v0, $0x0  }
0x28: {  	v0 =	vnsel vm2, $0x0, v0  }
0x29: {  	v0 =	vmin.u32 v0, $0x270F  }
0x2a: {  	v0 =	vshll.u32 v0, $0x4;
	_ =	sdelay $0x3  }
.Ltmp4:
0x2b: {  	s13 =	sadd.s32 $0x800, s13;
	(pc) =	sbr.rel @p0 .LBB2_5-.Ltmp4, $4  }
0x2c: {  	[tilespmem:s13], [sflag:$0x1] =	stream.indirect_vreg.gather [hbm:s2], $0x80, v0, vm0, $0x38;
	[tilespmem:$0x8100] =	vst v63  }
0x2d: {  	s15 =	sshra.s32 s14, $0x2;
	s16 =	sadd.s32 $0x400, s13  }
0x2e: {  	[tilespmem:s16], [sflag:$0x1] =	stream.indirect_vreg.gather [hbm:s2], $0x80, v0, vm1, $0x38;
	[tilespmem:$0x8100] =	vst v63  }
0x2f: {  	s14 =	sadd.s32 $0x40, s14;
	v0 =	vld.msk [tilespmem:s15+$0x80 ss:$0x1], $0xffff  }
0x30: {  	_ =	sdelay $0x3  }
0x31: {  	vm2 =	vgt.s32 v0, $0x0  }
0x32: {  	v0 =	vnsel vm2, $0x0, v0  }
0x33: {  	v0 =	vmin.u32 v0, $0x270F  }
0x34: {  	v0 =	vshll.u32 v0, $0x4;
	_ =	sdelay $0x3  }
0x35: {  	s13 =	sadd.s32 $0x800, s13  }
0x36: {  	[tilespmem:s13], [sflag:$0x1] =	stream.indirect_vreg.gather [hbm:s2], $0x80, v0, vm0, $0x38;
	[tilespmem:$0x8100] =	vst v63  }
0x37: {  	s13 =	sadd.s32 $0x400, s13  }
0x38: {  	[tilespmem:s13], [sflag:$0x1] =	stream.indirect_vreg.gather [hbm:s2], $0x80, v0, vm1, $0x38;
	[tilespmem:$0x8100] =	vst v63  }
0x39: {  	s12 =	sshll.u32 s12, $0x4;
	s14 =	simm.s32 $0x80;
	_ =	swait.ge [sflag:s4], $0x4000  }
0x3a: {  	s15 =	simm.s32 $0x4500;
	s12 =	sadd.s32 s12, s7;
	[sflag:s4] =	ssyncset.done $0x0  }
0x3b: {  	s16 =	sadd.s32 $0x0, s12;
	s13 =	simm.s32 $0x4100;
	[sflag:s4] =	ssyncadd.s32 $0xFFFFC000  }
.LBB2_7:
0x3c: {  	[hbm:s16] =	stream.linear.scatter [tilespmem:s13], [sflag:$0x3], $0x400, $0x38;
	[tilespmem:$0x8100] =	vst v63  }
0x3d: {  	s16 =	smov.u32 s14;
	s13 =	smov.u32 s15;
	p0 =	sne.s32 s14, $0x780  }
.Ltmp5:
0x3e: {  	s14 =	sadd.s32 $0x80, s14;
	(pc) =	sbr.rel @p0 .LBB2_7-.Ltmp5, $2  }
0x3f: {  	_ =	sdelay $0x2  }
0x40: {  	s15 =	sadd.s32 $0x400, s15;
	s16 =	sadd.s32 s16, s12  }
.Ltmp6:
0x41: {  	(pc) =	sbr.rel .LBB2_9-.Ltmp6, $2  }
0x42: {  	_ =	sdelay $0x2  }
0x43: {  	[hbm:s16] =	stream.linear.scatter [tilespmem:s13], [sflag:$0x3], $0x400, $0x38;
	[tilespmem:$0x8100] =	vst v63  }
.LBB2_2:
.Ltmp7:
0x44: {  	(pc) =	sbr.rel .LBB2_10-.Ltmp7, $4  }
0x45: {  	_ = 	snop  }
0x46: {  	s12 =	sshrl.u32 s11, $0x3  }
0x47: {  	s13 =	sand.u32 $0x7, s11;
	s12 =	sadd.s32 s3, s12  }
0x48: {  	[tilespmem:s9], [sflag:$0x2] =	stream.linear.gather [hbm4b:s12+s13], $0x80, $0x38;
	[tilespmem:$0x8100] =	vst v63  }
.LBB2_11:
0x49: {  	s2 =	simm.s32 $0x3  }
0x4a: {  	_ =	swait.ge [sflag:s2], $0x4000  }
0x4b: {  	[sflag:s2] =	ssyncset.done $0x0  }
0x4c: {  	[sflag:s2] =	ssyncadd.s32 $0xFFFFC000  }
0x4d: {  	_ =	sfence.sel $0x180000  }
0x4e: {  	s3 =	simm.s32 $0x2;
	[bflag:$0x0] =	sbarrier.arrive $0xFFFF  }
0x4f: {  	[sflag:s3] =	ssyncpa.u1 $0x1  }
0x50: {  	s31 =	simm.s32 $0x1;
	[sflag:s2] =	ssyncpa.u1 $0x1  }
0x51: {  	[sflag:s31] =	ssyncpa.u1 $0x1  }
0x52: {  	p0 =	sne.s32 s1, $0x0;
	_ =	strace $0x9000005F  }
0x53: {  	s0 =	sadd.s32 @!p0 $0x100000, s0;
	[bflag:$0x2] =	sbarrier.arrive $0xFFFF  }
0x54: {  	[sflag:s0] =	ssyncadd.tile.s32 @!p0 $0x1;
	_ =	shalt  }
.Lfunc_end2:
_tile_overlayer_lowered:
.L_overlay_start_2:
0x55: {  	(tag) =	ssettag $0x2  }
0x56: {  	s0 =	rddreg [dreg:$0x0];
	s2 =	stileid.u32  }
0x57: {  	s1 =	rddreg [dreg:$0x1];
	p0 =	sne.s32 s2, $0x0  }
0x58: {  	s3 =	rddreg [dreg:$0x2];
	[bflag:$0x3] =	sbarrier.arrive $0xFFFF;
	s2 =	simm.s32 @!p0 $0x1C01  }
0x59: {  	[timem:s3], [sflag:s2] =	dma.local @!p0 [hbm:s0], s1  }
0x5a: {  	s0 =	simm.s32 @!p0 $0x1  }
0x5b: {  	_ =	swait.ge @!p0 [sflag:s0], s1  }
0x5c: {  	s1 =	ssub.s32 @!p0 $0x0, s1;
	[sflag:s0] =	ssyncset.done @!p0 $0x0  }
0x5d: {  	[sflag:s0] =	ssyncadd.s32 @!p0 s1  }
0x5e: {  	[bflag:$0x3] =	sbarrier.arrive $0xFFFF  }
0x5f: {  	_ =	shalt  }

// kernel: gather_offload_async_start.5
scs
__scs_entry_jumppad:
0x0: {  	(pc) =	sbr.rel $0x88, $3  }
0x1: {  	(tag) =	ssettag $0x0;
	lr =	simm.s32 $0x1  }
0x2: {  	[smem:$0x3F8C] =	sst lr;
	_ =	strace $0xD0000000  }
0x3: {  	_ = 	snop  }
0x4: {  	_ = 	snop  }
0x5: {  	_ = 	snop  }
0x6: {  	_ = 	snop  }
0x7: {  	_ = 	snop  }
__scs_overlays_trampoline_lowered:
0x8: {  	[smem:$0x3F9B] =	sst s0  }
0x9: {  	[smem:$0x3F9C] =	sst s1  }
0xa: {  	[smem:$0x3F9D] =	sst s2  }
0xb: {  	[smem:$0x3F9E] =	sst s3  }
0xc: {  	[smem:$0x3F9F] =	sst s4  }
0xd: {  	[smem:$0x3FA0] =	sst s5  }
0xe: {  	[smem:$0x3FA1] =	sst s6  }
0xf: {  	[smem:$0x3FA2] =	sst s7  }
0x10: {  	[smem:$0x3FA3] =	sst s8  }
0x11: {  	[smem:$0x3FA4] =	sst s9;
	s0 =	simm.s32 @!p0 $0x0  }
0x12: {  	s1 =	sld [smem:$0x3F8A];
	s0 =	simm.s32 @p0 $0x1  }
0x13: {  	[smem:$0x3FA5] =	sst s0;
	s0 =	simm.s32 @!p1 $0x0  }
0x14: {  	s2 =	sld [smem:$0x3F89];
	s0 =	simm.s32 @p1 $0x1  }
0x15: {  	[smem:$0x3FA6] =	sst s0;
	s0 =	simm.s32 @!p2 $0x0  }
0x16: {  	s3 =	sld [smem:$0x3FDB];
	s0 =	simm.s32 @p2 $0x1  }
0x17: {  	s4 =	simm.s32 $0x1BF5;
	[smem:$0x3FA8] =	sst s0  }
0x18: {  	s0 =	sld [smem:$0x3F8B];
	_ =	swait.ge [sflag:s4], $0x0  }
0x19: {  	s7 =	sld [smem:$0x3F8C]  }
0x1a: {  	s8 =	sadd.s32 $0xFFFFE003, lr  }
0x1b: {  	s9 =	sadd.s32 $0xFFFFFEF7, lr;
	s5 =	simm.s32 $0xFFFFFFFF;
	p2 =	slt.u32 s8, $0xFFFFF086  }
0x1c: {  	p1 =	slt.u32 s9, $0xF7A;
	s5 =	simm.s32 @!p2 $0x0  }
0x1d: {  	s5 =	simm.s32 @p1 $0x1;
	p0 =	seq.s32 s7, s2  }
0x1e: {  	s7 =	smul.u32 @!p0 $0xF7A, s2;
	p2 =	seq.s32 @!p0 s5, $0x0  }
0x1f: {  	s9 =	smul.u32 $0xF7A, s1;
	s8 =	simm.s32 @!p0 $0x1BF5;
	p2 =	por !p2, p0  }
0x20: {  	[sflag:s8] =	ssyncset.s32 @!p0 $0xFFFFF086;
	s6 =	sadd.s32 @!p0 s3, s7;
	s7 =	simm.s32 @!p0 $0x108  }
0x21: {  	s3 =	sadd.s32 s3, s9;
	s6 =	sadd.s32 @!p0 $0x88, s6;
	s7 =	simm.s32 @p2 $0x1082  }
0x22: {  	[simem:s7], [sflag:s8] =	dma.local @!p0 [hbm:s6], $0xF7A  }
0x23: {  	s9 =	sor.u32 $0xD0000000, s2;
	s6 =	simm.s32 $0x108;
	_ =	swait.ge @!p0 [sflag:s8], $0x0  }
0x24: {  	s3 =	sadd.s32 $0x88, s3;
	s6 =	simm.s32 @!p1 $0x1082;
	[sflag:s4] =	ssyncset.s32 $0xFFFFF086  }
0x25: {  	[simem:s6], [sflag:s4] =	dma.local [hbm:s3], $0xF7A  }
0x26: {  	[smem:$0x3F8C] =	sst s1;
	(tag) =	ssettag s2;
	_ =	strace s9  }
0x27: {  	s1 =	sld [smem:$0x3F9C]  }
0x28: {  	s2 =	sld [smem:$0x3F9D]  }
0x29: {  	s4 =	sld [smem:$0x3F9F]  }
0x2a: {  	p0 =	seq.s32 s5, $0x0;
	s5 =	sld [smem:$0x3FA0]  }
0x2b: {  	s6 =	sld [smem:$0x3FA1]  }
0x2c: {  	s7 =	sld [smem:$0x3FA2]  }
0x2d: {  	s3 =	simm.s32 $0x108;
	s8 =	sld [smem:$0x3FA3]  }
0x2e: {  	s3 =	simm.s32 @!p0 $0x1082;
	s9 =	sld [smem:$0x3FA4]  }
0x2f: {  	lr =	sadd.s32 s0, s3;
	s0 =	sld [smem:$0x3F9B]  }
0x30: {  	s3 =	sld [smem:$0x3F9E]  }
0x31: {  	[smem:$0x3FA7] =	sst s10  }
0x32: {  	s10 =	sld [smem:$0x3FA5];
	_ =	sdelay $0x3  }
0x33: {  	p0 =	seq.s32 s10, $0x1;
	s10 =	sld [smem:$0x3FA7];
	_ =	sdelay $0x3  }
0x34: {  	[smem:$0x3FA7] =	sst s10  }
0x35: {  	s10 =	sld [smem:$0x3FA6];
	_ =	sdelay $0x3  }
0x36: {  	p1 =	seq.s32 s10, $0x1;
	s10 =	sld [smem:$0x3FA7];
	_ =	sdelay $0x3  }
0x37: {  	[smem:$0x3FA7] =	sst s10  }
0x38: {  	s10 =	sld [smem:$0x3FA8]  }
0x39: {  	_ = 	snop;
	(pc) =	sbr.ind lr, $3  }
0x3a: {  	_ = 	snop  }
0x3b: {  	_ = 	snop  }
0x3c: {  	p2 =	seq.s32 s10, $0x1;
	s10 =	sld [smem:$0x3FA7]  }
0x3d: {  	_ =	shalt  }
0x3e: {  	_ =	shalt  }
0x3f: {  	_ =	shalt  }
0x40: {  	_ =	shalt  }
0x41: {  	_ =	shalt  }
0x42: {  	_ =	shalt  }
0x43: {  	_ =	shalt  }
0x44: {  	_ =	shalt  }
0x45: {  	_ =	shalt  }
0x46: {  	_ =	shalt  }
0x47: {  	_ =	shalt  }
0x48: {  	_ =	shalt  }
0x49: {  	_ =	shalt  }
0x4a: {  	_ =	shalt  }
0x4b: {  	_ =	shalt  }
0x4c: {  	_ =	shalt  }
0x4d: {  	_ =	shalt  }
0x4e: {  	_ =	shalt  }
0x4f: {  	_ =	shalt  }
0x50: {  	_ =	shalt  }
0x51: {  	_ =	shalt  }
0x52: {  	_ =	shalt  }
0x53: {  	_ =	shalt  }
0x54: {  	_ =	shalt  }
0x55: {  	_ =	shalt  }
0x56: {  	_ =	shalt  }
0x57: {  	_ =	shalt  }
0x58: {  	_ =	shalt  }
0x59: {  	_ =	shalt  }
0x5a: {  	_ =	shalt  }
0x5b: {  	_ =	shalt  }
0x5c: {  	_ =	shalt  }
0x5d: {  	_ =	shalt  }
0x5e: {  	_ =	shalt  }
0x5f: {  	_ =	shalt  }
0x60: {  	_ =	shalt  }
0x61: {  	_ =	shalt  }
0x62: {  	_ =	shalt  }
0x63: {  	_ =	shalt  }
0x64: {  	_ =	shalt  }
0x65: {  	_ =	shalt  }
0x66: {  	_ =	shalt  }
0x67: {  	_ =	shalt  }
0x68: {  	_ =	shalt  }
0x69: {  	_ =	shalt  }
0x6a: {  	_ =	shalt  }
0x6b: {  	_ =	shalt  }
0x6c: {  	_ =	shalt  }
0x6d: {  	_ =	shalt  }
0x6e: {  	_ =	shalt  }
0x6f: {  	_ =	shalt  }
0x70: {  	_ =	shalt  }
0x71: {  	_ =	shalt  }
0x72: {  	_ =	shalt  }
0x73: {  	_ =	shalt  }
0x74: {  	_ =	shalt  }
0x75: {  	_ =	shalt  }
0x76: {  	_ =	shalt  }
0x77: {  	_ =	shalt  }
0x78: {  	_ =	shalt  }
0x79: {  	_ =	shalt  }
0x7a: {  	_ =	shalt  }
0x7b: {  	_ =	shalt  }
0x7c: {  	_ =	shalt  }
0x7d: {  	_ =	shalt  }
0x7e: {  	_ =	shalt  }
0x7f: {  	_ =	shalt  }
0x80: {  	_ =	shalt  }
0x81: {  	_ =	shalt  }
0x82: {  	_ =	shalt  }
0x83: {  	_ =	shalt  }
0x84: {  	_ =	shalt  }
0x85: {  	_ =	shalt  }
0x86: {  	_ =	shalt  }
0x87: {  	_ =	shalt  }
.Lfunc_end0:
.L_simem_size_0:
called_computation.7_lowered:
.L_overlay_start_0:
0x88: {  	s2 =	sld [smem:$0x3FD9]  }
0x89: {  	s3 =	sld [smem:$0x3FFE];
	_ =	sdelay $0x1  }
0x8a: {  	s1 =	srdreg.scid  }
0x8b: {  	s0 =	sand.u32 $0x1, s1  }
0x8c: {  	s17 =	sshll.u32 s0, $0xA;
	s2 =	sadd.s32 s3, s2  }
0x8d: {  	s2 =	sadd.s32 s2, s17  }
0x8e: {  	[smem:$0x3FB3] =	sst s2  }
0x8f: {  	_ = 	snop  }
0x90: {  	s18 =	sld [smem:$0x3FC9];
	(tm) =	ssettm $0x1  }
0x91: {  	s19 =	sld [smem:$0x3FFB];
	_ =	sdelay $0x3  }
0x92: {  	_ =	strace s19  }
0x93: {  	s2 =	sld [smem:$0x3FFC];
	_ =	sdelay $0x3  }
0x94: {  	_ =	strace s2  }
0x95: {  	s2 =	sld [smem:$0x3FFD];
	_ =	sdelay $0x3  }
0x96: {  	_ =	strace s2  }
0x97: {  	_ =	strace $0x8FFFFFFF  }
0x98: {  	s20 =	sld [smem:$0x3FDB];
	_ =	sdelay $0x1  }
0x99: {  	s4 =	simm.s32 $_scs_section_size  }
0x9a: {  	s5 =	simm.s32 $_size__tile_overlayer_lowered;
	s6 =	simm.s32 $_tile_overlayer_lowered  }
0x9b: {  	s7 =	simm.s32 $0x1BFF;
	s21 =	sshll.u32 s6, $0x1;
	s4 =	sadd.s32 s4, s20  }
0x9c: {  	s22 =	simm.s32 $0x0;
	s5 =	sshll.u32 s5, $0x1;
	s6 =	sadd.s32 s21, s4  }
0x9d: {  	[timem:s22], [sflag:s7] =	dma.local [hbm:s6], s5  }
0x9e: {  	_ =	swait.ge [sflag:s7], s5  }
0x9f: {  	s5 =	ssub.s32 $0x0, s5;
	[sflag:s7] =	ssyncset.done $0x0  }
0xa0: {  	[sflag:s7] =	ssyncadd.s32 s5;
	_ =	sdelay $0x1  }
0xa1: {  	s23 =	simm.s32 $0x1B8B  }
0xa2: {  	_ =	swait.ge [sflag:s23], $0x1  }
0xa3: {  	[sflag:s23] =	ssyncset.done $0x0  }
0xa4: {  	[sflag:s23] =	ssyncadd.s32 $0xFFFFFFFF  }
0xa5: {  	s5 =	sld [smem:$0x0]  }
0xa6: {  	s6 =	sand.u32 $0xFFFFFFFE, s1  }
0xa7: {  	p0 =	sne.s32 s1, s6  }
0xa8: {  	s6 =	sshll.u32 @p0 s6, $0xE  }
0xa9: {  	s6 =	sadd.s32 @p0 $0x11B8D, s6;
	s7 =	sshll.u32 @p0 s5, $0x11  }
0xaa: {  	s6 =	sor.u32 @p0 s7, s6  }
0xab: {  	[sflag:s6] =	ssyncadd.remote.s32 @p0 $0x1;
	_ =	sdelay $0x1  }
0xac: {  	s6 =	simm.s32 @p0 $0x1B8D  }
0xad: {  	_ =	swait.eq @p0 [sflag:s6], $0x1  }
0xae: {  	[sflag:s6] =	ssyncadd.s32 @p0 $0xFFFFFFFF  }
0xaf: {  	s7 =	sshll.u32 @!p0 s1, $0xE  }
0xb0: {  	s7 =	sor.u32 @!p0 $0x4000, s7;
	s6 =	simm.s32 @!p0 $0x1B8D  }
0xb1: {  	s5 =	sshll.u32 @!p0 s5, $0x11;
	s7 =	sadd.s32 @!p0 $0x11B8D, s7;
	_ =	swait.eq @!p0 [sflag:s6], $0x1  }
0xb2: {  	s5 =	sor.u32 @!p0 s5, s7;
	[sflag:s6] =	ssyncadd.s32 @!p0 $0xFFFFFFFF  }
0xb3: {  	s25 =	simm.s32 $0x1B8E;
	s24 =	sld [smem:$0x3FFE];
	[sflag:s5] =	ssyncadd.remote.s32 @!p0 $0x1  }
0xb4: {  	s26 =	simm.s32 $execute0_lowered;
	[smem:$0x3FD2] =	sst s25  }
0xb5: {  	s6 =	sshll.u32 s26, $0x1;
	_ =	strace $0x8000005B;
	[dreg:$0x1] =	wrdreg $0xFFFFFFFF  }
0xb6: {  	s28 =	simm.s32 $_size_execute0_lowered;
	s4 =	sadd.s32 s4, s6;
	[dreg:$0x0] =	wrdreg $0x0  }
0xb7: {  	s6 =	sshll.u32 s28, $0x1;
	[dreg:$0x2] =	wrdreg s4  }
0xb8: {  	[dreg:$0x3] =	wrdreg s6  }
0xb9: {  	[dreg:$0x4] =	wrdreg $0xC0  }
0xba: {  	_ =	task [dreg:s22], $0x5FFFF  }
0xbb: {  	[dreg:$0x1] =	wrdreg $0xFFFFFFFF  }
0xbc: {  	[dreg:$0x0] =	wrdreg $0x60  }
0xbd: {  	[dreg:$0x2] =	wrdreg s18  }
0xbe: {  	[dreg:$0x3] =	wrdreg s24  }
0xbf: {  	[dreg:$0x4] =	wrdreg $0xB  }
0xc0: {  	_ =	task.clear_ibuf [dreg:s22], $0x5FFFF;
	_ =	strace $0x9000005B  }
0xc1: {  	s29 =	simm.s32 $0xB;
	_ =	strace $0x8000005D  }
0xc2: {  	_ =	swait.ge [sflag:s29], $0x1  }
0xc3: {  	[sflag:s29] =	ssyncadd.s32 $0xFFFFFFFF  }
0xc4: {  	_ =	strace $0x9000005D  }
0xc5: {  	_ =	sfence  }
0xc6: {  	s30 =	sld [smem:$0x0];
	_ =	sdelay $0x2  }
0xc7: {  	s31 =	sshll.u32 s1, $0xD;
	s1 =	sshrl.u32 s1, $0x2  }
0xc8: {  	s4 =	sand.u32 $0x4000, s31;
	s1 =	sadd.s32 s1, s30  }
0xc9: {  	s0 =	sor.u32 s4, s0;
	s1 =	sshll.u32 s1, $0x11  }
0xca: {  	s0 =	sor.u32 s1, s0  }
0xcb: {  	s0 =	sadd.s32 $0x8F2B, s0  }
0xcc: {  	[sflag:s0] =	ssyncadd.remote.s32 $0x1  }
0xcd: {  	_ =	sfence.sel $0xFFFF  }
0xce: {  	[dreg:$0x0] =	wrdreg $0xFFFFFFFF;
	(pc) =	sbr.abs _section_cstart, $3  }
0xcf: {  	[dreg:$0x1] =	wrdreg $0xFFFFFFFF  }
0xd0: {  	_ =	task.clear_ibuf [dreg:s22], $0x2FFFF;
	_ =	strace $0x9FFFFFFF  }
0xd1: {  	(tm) =	ssettm $0x7FFFFFFF  }
tec
execute0_lowered:
.L_overlay_start_1:
0x0: {  	(tag) =	ssettag $0x1  }
0x1: {  	s2 =	rddreg [dreg:$0x0]  }
0x2: {  	s3 =	rddreg [dreg:$0x1]  }
0x3: {  	s0 =	rddreg [dreg:$0x2];
	s1 =	srdreg.scid;
	_ =	strace $0x8000005C  }
0x4: {  	s4 =	simm.s32 $0x1;
	s9 =	simm.s32 $0x3;
	s5 =	sshll.u32 s1, $0x4  }
.Ltmp0:
0x5: {  	s1 =	stileid.u32;
	s5 =	sand.u32 $0x10, s5;
	(pc) =	sbr.rel .LBB2_1-.Ltmp0, $4  }
0x6: {  	s12 =	simm.s32 $0x0;
	s10 =	simm.s32 $0x0;
	s6 =	sor.u32 s1, s5  }
0x7: {  	[sflag:s4] =	ssyncpa.u1 $0x0;
	s5 =	simm.s32 $0x2;
	s6 =	sshll.u32 s6, $0x7  }
0x8: {  	s7 =	sadd.s32 $0x22000, s3;
	[sflag:s5] =	ssyncpa.u1 $0x0;
	s8 =	sadd.s32 $0x80, s6  }
0x9: {  	vm0 =	vmmov $0xff;
	vm1 =	vcmask $0x3F20;
	[sflag:s9] =	ssyncpa.u1 $0x0;
	s9 =	simm.s32 $0x80;
	s11 =	smov.u32 s6  }
.LBB2_9:
0xa: {  	p0 =	seq.s32 s10, $0x2  }
.Ltmp1:
0xb: {  	_ = 	snop;
	(pc) =	sbr.rel @p0 .LBB2_11-.Ltmp1, $1  }
0xc: {  	_ =	sdelay $0x3  }
.LBB2_10:
0xd: {  	s12 =	sadd.s32 $0x80, s11  }
0xe: {  	s13 =	smov.u32 s6;
	p0 =	slt.s32 s12, s8  }
0xf: {  	s13 =	smov.u32 @p0 s12  }
0x10: {  	s10 =	sadd.s32 $0x1, s10;
	s12 =	smov.u32 s11;
	s11 =	smov.u32 s13  }
.LBB2_1:
0x11: {  	p0 =	sne.s32 s10, $0x0  }
.Ltmp2:
0x12: {  	_ = 	snop;
	(pc) =	sbr.rel @!p0 .LBB2_2-.Ltmp2, $1  }
0x13: {  	_ =	sdelay $0x3  }
0x14: {  	s13 =	sand.u32 $0x1, s10  }
0x15: {  	p0 =	seq.s32 s13, $0x0  }
.Ltmp3:
0x16: {  	_ = 	snop;
	(pc) =	sbr.rel @p0 .LBB2_9-.Ltmp3, $1  }
0x17: {  	_ =	sdelay $0x3  }
0x18: {  	_ =	swait.ge [sflag:s5], $0x80  }
0x19: {  	[sflag:s5] =	ssyncset.done $0x0  }
0x1a: {  	s13 =	simm.s32 $0x0;
	[sflag:s5] =	ssyncadd.s32 $0xFFFFFF80  }
0x1b: {  	v0 =	vld.msk [tilespmem:s13+$0x80 ss:$0x1], $0xffff;
	_ =	sdelay $0x4  }
0x1c: {  	vm2 =	vgt.s32 v0, $0x0  }
0x1d: {  	v0 =	vnsel vm2, $0x0, v0  }
0x1e: {  	v0 =	vmin.u32 v0, $0x270F  }
0x1f: {  	v0 =	vshll.u32 v0, $0x4;
	_ =	sdelay $0x3  }
0x20: {  	s13 =	simm.s32 $0x4100  }
0x21: {  	[tilespmem:s13], [sflag:$0x1] =	stream.indirect_vreg.gather [hbm:s2], $0x80, v0, vm0, $0x38;
	[tilespmem:$0x8100] =	vst v63  }
0x22: {  	s14 =	simm.s32 $0x4500;
	s31 =	simm.s32 $0x10  }
0x23: {  	[tilespmem:s14], [sflag:$0x1] =	stream.indirect_vreg.gather [hbm:s2], $0x80, v0, vm1, $0x38;
	[tilespmem:$0x8100] =	vst v63  }
0x24: {  	s14 =	simm.s32 $0x80;
	v0 =	vld.msk [tilespmem:s31+$0x80 ss:$0x1], $0xffff  }
.LBB2_5:
0x25: {  	p0 =	sne.s32 s14, $0x1C0;
	_ =	sdelay $0x4  }
0x26: {  	vm2 =	vgt.s32 v0, $0x0  }
0x27: {  	v0 =	vnsel vm2, $0x0, v0  }
0x28: {  	v0 =	vmin.u32 v0, $0x270F  }
0x29: {  	v0 =	vshll.u32 v0, $0x4;
	_ =	sdelay $0x3  }
.Ltmp4:
0x2a: {  	s13 =	sadd.s32 $0x800, s13;
	(pc) =	sbr.rel @p0 .LBB2_5-.Ltmp4, $4  }
0x2b: {  	[tilespmem:s13], [sflag:$0x1] =	stream.indirect_vreg.gather [hbm:s2], $0x80, v0, vm0, $0x38;
	[tilespmem:$0x8100] =	vst v63  }
0x2c: {  	s15 =	sshra.s32 s14, $0x2;
	s16 =	sadd.s32 $0x400, s13  }
0x2d: {  	[tilespmem:s16], [sflag:$0x1] =	stream.indirect_vreg.gather [hbm:s2], $0x80, v0, vm1, $0x38;
	[tilespmem:$0x8100] =	vst v63  }
0x2e: {  	s14 =	sadd.s32 $0x40, s14;
	v0 =	vld.msk [tilespmem:s15+$0x80 ss:$0x1], $0xffff  }
0x2f: {  	_ =	sdelay $0x3  }
0x30: {  	vm2 =	vgt.s32 v0, $0x0  }
0x31: {  	v0 =	vnsel vm2, $0x0, v0  }
0x32: {  	v0 =	vmin.u32 v0, $0x270F  }
0x33: {  	v0 =	vshll.u32 v0, $0x4;
	_ =	sdelay $0x3  }
0x34: {  	s13 =	sadd.s32 $0x800, s13  }
0x35: {  	[tilespmem:s13], [sflag:$0x1] =	stream.indirect_vreg.gather [hbm:s2], $0x80, v0, vm0, $0x38;
	[tilespmem:$0x8100] =	vst v63  }
0x36: {  	s13 =	sadd.s32 $0x400, s13  }
0x37: {  	[tilespmem:s13], [sflag:$0x1] =	stream.indirect_vreg.gather [hbm:s2], $0x80, v0, vm1, $0x38;
	[tilespmem:$0x8100] =	vst v63  }
0x38: {  	s12 =	sshll.u32 s12, $0x4;
	s14 =	simm.s32 $0x80;
	_ =	swait.ge [sflag:s4], $0x4000  }
0x39: {  	s15 =	simm.s32 $0x4500;
	s12 =	sadd.s32 s12, s7;
	[sflag:s4] =	ssyncset.done $0x0  }
0x3a: {  	s16 =	sadd.s32 $0x0, s12;
	s13 =	simm.s32 $0x4100;
	[sflag:s4] =	ssyncadd.s32 $0xFFFFC000  }
.LBB2_7:
0x3b: {  	[hbm:s16] =	stream.linear.scatter [tilespmem:s13], [sflag:$0x3], $0x400, $0x38;
	[tilespmem:$0x8100] =	vst v63  }
0x3c: {  	s16 =	smov.u32 s14;
	s13 =	smov.u32 s15;
	p0 =	sne.s32 s14, $0x780  }
.Ltmp5:
0x3d: {  	s14 =	sadd.s32 $0x80, s14;
	(pc) =	sbr.rel @p0 .LBB2_7-.Ltmp5, $2  }
0x3e: {  	_ =	sdelay $0x2  }
0x3f: {  	s15 =	sadd.s32 $0x400, s15;
	s16 =	sadd.s32 s16, s12  }
.Ltmp6:
0x40: {  	(pc) =	sbr.rel .LBB2_9-.Ltmp6, $2  }
0x41: {  	_ =	sdelay $0x2  }
0x42: {  	[hbm:s16] =	stream.linear.scatter [tilespmem:s13], [sflag:$0x3], $0x400, $0x38;
	[tilespmem:$0x8100] =	vst v63  }
.LBB2_2:
.Ltmp7:
0x43: {  	(pc) =	sbr.rel .LBB2_10-.Ltmp7, $4  }
0x44: {  	_ = 	snop  }
0x45: {  	s12 =	sshrl.u32 s11, $0x3  }
0x46: {  	s13 =	sand.u32 $0x7, s11;
	s12 =	sadd.s32 s3, s12  }
0x47: {  	[tilespmem:s9], [sflag:$0x2] =	stream.linear.gather [hbm4b:s12+s13], $0x80, $0x38;
	[tilespmem:$0x8100] =	vst v63  }
.LBB2_11:
0x48: {  	s2 =	simm.s32 $0x3  }
0x49: {  	_ =	swait.ge [sflag:s2], $0x4000  }
0x4a: {  	[sflag:s2] =	ssyncset.done $0x0  }
0x4b: {  	[sflag:s2] =	ssyncadd.s32 $0xFFFFC000  }
0x4c: {  	_ =	sfence.sel $0x180000  }
0x4d: {  	s3 =	simm.s32 $0x2;
	[bflag:$0x0] =	sbarrier.arrive $0xFFFF  }
0x4e: {  	[sflag:s3] =	ssyncpa.u1 $0x1  }
0x4f: {  	s31 =	simm.s32 $0x1;
	[sflag:s2] =	ssyncpa.u1 $0x1  }
0x50: {  	[sflag:s31] =	ssyncpa.u1 $0x1  }
0x51: {  	p0 =	sne.s32 s1, $0x0;
	_ =	strace $0x9000005C  }
0x52: {  	s0 =	sadd.s32 @!p0 $0x100000, s0;
	[bflag:$0x2] =	sbarrier.arrive $0xFFFF  }
0x53: {  	[sflag:s0] =	ssyncadd.tile.s32 @!p0 $0x1;
	_ =	shalt  }
.Lfunc_end2:
_tile_overlayer_lowered:
.L_overlay_start_2:
0x54: {  	(tag) =	ssettag $0x2  }
0x55: {  	s0 =	rddreg [dreg:$0x0];
	s2 =	stileid.u32  }
0x56: {  	s1 =	rddreg [dreg:$0x1];
	p0 =	sne.s32 s2, $0x0  }
0x57: {  	s3 =	rddreg [dreg:$0x2];
	[bflag:$0x3] =	sbarrier.arrive $0xFFFF;
	s2 =	simm.s32 @!p0 $0x1C01  }
0x58: {  	[timem:s3], [sflag:s2] =	dma.local @!p0 [hbm:s0], s1  }
0x59: {  	s0 =	simm.s32 @!p0 $0x1  }
0x5a: {  	_ =	swait.ge @!p0 [sflag:s0], s1  }
0x5b: {  	s1 =	ssub.s32 @!p0 $0x0, s1;
	[sflag:s0] =	ssyncset.done @!p0 $0x0  }
0x5c: {  	[sflag:s0] =	ssyncadd.s32 @!p0 s1  }
0x5d: {  	[bflag:$0x3] =	sbarrier.arrive $0xFFFF  }
0x5e: {  	_ =	shalt  }

// kernel: gather_offload_async_start.6
scs
__scs_entry_jumppad:
0x0: {  	(pc) =	sbr.rel $0x88, $3  }
0x1: {  	(tag) =	ssettag $0x0;
	lr =	simm.s32 $0x1  }
0x2: {  	[smem:$0x3F8C] =	sst lr;
	_ =	strace $0xD0000000  }
0x3: {  	_ = 	snop  }
0x4: {  	_ = 	snop  }
0x5: {  	_ = 	snop  }
0x6: {  	_ = 	snop  }
0x7: {  	_ = 	snop  }
__scs_overlays_trampoline_lowered:
0x8: {  	[smem:$0x3F9B] =	sst s0  }
0x9: {  	[smem:$0x3F9C] =	sst s1  }
0xa: {  	[smem:$0x3F9D] =	sst s2  }
0xb: {  	[smem:$0x3F9E] =	sst s3  }
0xc: {  	[smem:$0x3F9F] =	sst s4  }
0xd: {  	[smem:$0x3FA0] =	sst s5  }
0xe: {  	[smem:$0x3FA1] =	sst s6  }
0xf: {  	[smem:$0x3FA2] =	sst s7  }
0x10: {  	[smem:$0x3FA3] =	sst s8  }
0x11: {  	[smem:$0x3FA4] =	sst s9;
	s0 =	simm.s32 @!p0 $0x0  }
0x12: {  	s1 =	sld [smem:$0x3F8A];
	s0 =	simm.s32 @p0 $0x1  }
0x13: {  	[smem:$0x3FA5] =	sst s0;
	s0 =	simm.s32 @!p1 $0x0  }
0x14: {  	s2 =	sld [smem:$0x3F89];
	s0 =	simm.s32 @p1 $0x1  }
0x15: {  	[smem:$0x3FA6] =	sst s0;
	s0 =	simm.s32 @!p2 $0x0  }
0x16: {  	s3 =	sld [smem:$0x3FDB];
	s0 =	simm.s32 @p2 $0x1  }
0x17: {  	s4 =	simm.s32 $0x1BF5;
	[smem:$0x3FA8] =	sst s0  }
0x18: {  	s0 =	sld [smem:$0x3F8B];
	_ =	swait.ge [sflag:s4], $0x0  }
0x19: {  	s7 =	sld [smem:$0x3F8C]  }
0x1a: {  	s8 =	sadd.s32 $0xFFFFE003, lr  }
0x1b: {  	s9 =	sadd.s32 $0xFFFFFEF7, lr;
	s5 =	simm.s32 $0xFFFFFFFF;
	p2 =	slt.u32 s8, $0xFFFFF086  }
0x1c: {  	p1 =	slt.u32 s9, $0xF7A;
	s5 =	simm.s32 @!p2 $0x0  }
0x1d: {  	s5 =	simm.s32 @p1 $0x1;
	p0 =	seq.s32 s7, s2  }
0x1e: {  	s7 =	smul.u32 @!p0 $0xF7A, s2;
	p2 =	seq.s32 @!p0 s5, $0x0  }
0x1f: {  	s9 =	smul.u32 $0xF7A, s1;
	s8 =	simm.s32 @!p0 $0x1BF5;
	p2 =	por !p2, p0  }
0x20: {  	[sflag:s8] =	ssyncset.s32 @!p0 $0xFFFFF086;
	s6 =	sadd.s32 @!p0 s3, s7;
	s7 =	simm.s32 @!p0 $0x108  }
0x21: {  	s3 =	sadd.s32 s3, s9;
	s6 =	sadd.s32 @!p0 $0x88, s6;
	s7 =	simm.s32 @p2 $0x1082  }
0x22: {  	[simem:s7], [sflag:s8] =	dma.local @!p0 [hbm:s6], $0xF7A  }
0x23: {  	s9 =	sor.u32 $0xD0000000, s2;
	s6 =	simm.s32 $0x108;
	_ =	swait.ge @!p0 [sflag:s8], $0x0  }
0x24: {  	s3 =	sadd.s32 $0x88, s3;
	s6 =	simm.s32 @!p1 $0x1082;
	[sflag:s4] =	ssyncset.s32 $0xFFFFF086  }
0x25: {  	[simem:s6], [sflag:s4] =	dma.local [hbm:s3], $0xF7A  }
0x26: {  	[smem:$0x3F8C] =	sst s1;
	(tag) =	ssettag s2;
	_ =	strace s9  }
0x27: {  	s1 =	sld [smem:$0x3F9C]  }
0x28: {  	s2 =	sld [smem:$0x3F9D]  }
0x29: {  	s4 =	sld [smem:$0x3F9F]  }
0x2a: {  	p0 =	seq.s32 s5, $0x0;
	s5 =	sld [smem:$0x3FA0]  }
0x2b: {  	s6 =	sld [smem:$0x3FA1]  }
0x2c: {  	s7 =	sld [smem:$0x3FA2]  }
0x2d: {  	s3 =	simm.s32 $0x108;
	s8 =	sld [smem:$0x3FA3]  }
0x2e: {  	s3 =	simm.s32 @!p0 $0x1082;
	s9 =	sld [smem:$0x3FA4]  }
0x2f: {  	lr =	sadd.s32 s0, s3;
	s0 =	sld [smem:$0x3F9B]  }
0x30: {  	s3 =	sld [smem:$0x3F9E]  }
0x31: {  	[smem:$0x3FA7] =	sst s10  }
0x32: {  	s10 =	sld [smem:$0x3FA5];
	_ =	sdelay $0x3  }
0x33: {  	p0 =	seq.s32 s10, $0x1;
	s10 =	sld [smem:$0x3FA7];
	_ =	sdelay $0x3  }
0x34: {  	[smem:$0x3FA7] =	sst s10  }
0x35: {  	s10 =	sld [smem:$0x3FA6];
	_ =	sdelay $0x3  }
0x36: {  	p1 =	seq.s32 s10, $0x1;
	s10 =	sld [smem:$0x3FA7];
	_ =	sdelay $0x3  }
0x37: {  	[smem:$0x3FA7] =	sst s10  }
0x38: {  	s10 =	sld [smem:$0x3FA8]  }
0x39: {  	_ = 	snop;
	(pc) =	sbr.ind lr, $3  }
0x3a: {  	_ = 	snop  }
0x3b: {  	_ = 	snop  }
0x3c: {  	p2 =	seq.s32 s10, $0x1;
	s10 =	sld [smem:$0x3FA7]  }
0x3d: {  	_ =	shalt  }
0x3e: {  	_ =	shalt  }
0x3f: {  	_ =	shalt  }
0x40: {  	_ =	shalt  }
0x41: {  	_ =	shalt  }
0x42: {  	_ =	shalt  }
0x43: {  	_ =	shalt  }
0x44: {  	_ =	shalt  }
0x45: {  	_ =	shalt  }
0x46: {  	_ =	shalt  }
0x47: {  	_ =	shalt  }
0x48: {  	_ =	shalt  }
0x49: {  	_ =	shalt  }
0x4a: {  	_ =	shalt  }
0x4b: {  	_ =	shalt  }
0x4c: {  	_ =	shalt  }
0x4d: {  	_ =	shalt  }
0x4e: {  	_ =	shalt  }
0x4f: {  	_ =	shalt  }
0x50: {  	_ =	shalt  }
0x51: {  	_ =	shalt  }
0x52: {  	_ =	shalt  }
0x53: {  	_ =	shalt  }
0x54: {  	_ =	shalt  }
0x55: {  	_ =	shalt  }
0x56: {  	_ =	shalt  }
0x57: {  	_ =	shalt  }
0x58: {  	_ =	shalt  }
0x59: {  	_ =	shalt  }
0x5a: {  	_ =	shalt  }
0x5b: {  	_ =	shalt  }
0x5c: {  	_ =	shalt  }
0x5d: {  	_ =	shalt  }
0x5e: {  	_ =	shalt  }
0x5f: {  	_ =	shalt  }
0x60: {  	_ =	shalt  }
0x61: {  	_ =	shalt  }
0x62: {  	_ =	shalt  }
0x63: {  	_ =	shalt  }
0x64: {  	_ =	shalt  }
0x65: {  	_ =	shalt  }
0x66: {  	_ =	shalt  }
0x67: {  	_ =	shalt  }
0x68: {  	_ =	shalt  }
0x69: {  	_ =	shalt  }
0x6a: {  	_ =	shalt  }
0x6b: {  	_ =	shalt  }
0x6c: {  	_ =	shalt  }
0x6d: {  	_ =	shalt  }
0x6e: {  	_ =	shalt  }
0x6f: {  	_ =	shalt  }
0x70: {  	_ =	shalt  }
0x71: {  	_ =	shalt  }
0x72: {  	_ =	shalt  }
0x73: {  	_ =	shalt  }
0x74: {  	_ =	shalt  }
0x75: {  	_ =	shalt  }
0x76: {  	_ =	shalt  }
0x77: {  	_ =	shalt  }
0x78: {  	_ =	shalt  }
0x79: {  	_ =	shalt  }
0x7a: {  	_ =	shalt  }
0x7b: {  	_ =	shalt  }
0x7c: {  	_ =	shalt  }
0x7d: {  	_ =	shalt  }
0x7e: {  	_ =	shalt  }
0x7f: {  	_ =	shalt  }
0x80: {  	_ =	shalt  }
0x81: {  	_ =	shalt  }
0x82: {  	_ =	shalt  }
0x83: {  	_ =	shalt  }
0x84: {  	_ =	shalt  }
0x85: {  	_ =	shalt  }
0x86: {  	_ =	shalt  }
0x87: {  	_ =	shalt  }
.Lfunc_end0:
.L_simem_size_0:
called_computation.8_lowered:
.L_overlay_start_0:
0x88: {  	s2 =	sld [smem:$0x3FD9]  }
0x89: {  	s3 =	sld [smem:$0x3FFE];
	_ =	sdelay $0x1  }
0x8a: {  	s1 =	srdreg.scid  }
0x8b: {  	s0 =	sand.u32 $0x1, s1  }
0x8c: {  	s17 =	sshll.u32 s0, $0xA;
	s2 =	sadd.s32 s3, s2  }
0x8d: {  	s2 =	sadd.s32 s2, s17  }
0x8e: {  	[smem:$0x3FB3] =	sst s2  }
0x8f: {  	_ = 	snop  }
0x90: {  	s18 =	sld [smem:$0x3FC8];
	(tm) =	ssettm $0x1  }
0x91: {  	s19 =	sld [smem:$0x3FFB];
	_ =	sdelay $0x3  }
0x92: {  	_ =	strace s19  }
0x93: {  	s2 =	sld [smem:$0x3FFC];
	_ =	sdelay $0x3  }
0x94: {  	_ =	strace s2  }
0x95: {  	s2 =	sld [smem:$0x3FFD];
	_ =	sdelay $0x3  }
0x96: {  	_ =	strace s2  }
0x97: {  	_ =	strace $0x8FFFFFFF  }
0x98: {  	s20 =	sld [smem:$0x3FDB];
	_ =	sdelay $0x1  }
0x99: {  	s4 =	simm.s32 $_scs_section_size  }
0x9a: {  	s5 =	simm.s32 $_size__tile_overlayer_lowered;
	s6 =	simm.s32 $_tile_overlayer_lowered  }
0x9b: {  	s7 =	simm.s32 $0x1BFF;
	s21 =	sshll.u32 s6, $0x1;
	s4 =	sadd.s32 s4, s20  }
0x9c: {  	s22 =	simm.s32 $0x0;
	s5 =	sshll.u32 s5, $0x1;
	s6 =	sadd.s32 s21, s4  }
0x9d: {  	[timem:s22], [sflag:s7] =	dma.local [hbm:s6], s5  }
0x9e: {  	_ =	swait.ge [sflag:s7], s5  }
0x9f: {  	s5 =	ssub.s32 $0x0, s5;
	[sflag:s7] =	ssyncset.done $0x0  }
0xa0: {  	[sflag:s7] =	ssyncadd.s32 s5;
	_ =	sdelay $0x1  }
0xa1: {  	s23 =	simm.s32 $0x1B8B  }
0xa2: {  	_ =	swait.ge [sflag:s23], $0x1  }
0xa3: {  	[sflag:s23] =	ssyncset.done $0x0  }
0xa4: {  	[sflag:s23] =	ssyncadd.s32 $0xFFFFFFFF  }
0xa5: {  	s5 =	sld [smem:$0x0]  }
0xa6: {  	s6 =	sand.u32 $0xFFFFFFFE, s1  }
0xa7: {  	p0 =	sne.s32 s1, s6  }
0xa8: {  	s6 =	sshll.u32 @p0 s6, $0xE  }
0xa9: {  	s6 =	sadd.s32 @p0 $0x11B8D, s6;
	s7 =	sshll.u32 @p0 s5, $0x11  }
0xaa: {  	s6 =	sor.u32 @p0 s7, s6  }
0xab: {  	[sflag:s6] =	ssyncadd.remote.s32 @p0 $0x1;
	_ =	sdelay $0x1  }
0xac: {  	s6 =	simm.s32 @p0 $0x1B8D  }
0xad: {  	_ =	swait.eq @p0 [sflag:s6], $0x1  }
0xae: {  	[sflag:s6] =	ssyncadd.s32 @p0 $0xFFFFFFFF  }
0xaf: {  	s7 =	sshll.u32 @!p0 s1, $0xE  }
0xb0: {  	s7 =	sor.u32 @!p0 $0x4000, s7;
	s6 =	simm.s32 @!p0 $0x1B8D  }
0xb1: {  	s5 =	sshll.u32 @!p0 s5, $0x11;
	s7 =	sadd.s32 @!p0 $0x11B8D, s7;
	_ =	swait.eq @!p0 [sflag:s6], $0x1  }
0xb2: {  	s5 =	sor.u32 @!p0 s5, s7;
	[sflag:s6] =	ssyncadd.s32 @!p0 $0xFFFFFFFF  }
0xb3: {  	s25 =	simm.s32 $0x1B8E;
	s24 =	sld [smem:$0x3FFE];
	[sflag:s5] =	ssyncadd.remote.s32 @!p0 $0x1  }
0xb4: {  	s26 =	simm.s32 $execute0_lowered;
	[smem:$0x3FD2] =	sst s25  }
0xb5: {  	s6 =	sshll.u32 s26, $0x1;
	_ =	strace $0x80000058;
	[dreg:$0x1] =	wrdreg $0xFFFFFFFF  }
0xb6: {  	s28 =	simm.s32 $_size_execute0_lowered;
	s4 =	sadd.s32 s4, s6;
	[dreg:$0x0] =	wrdreg $0x0  }
0xb7: {  	s6 =	sshll.u32 s28, $0x1;
	[dreg:$0x2] =	wrdreg s4  }
0xb8: {  	[dreg:$0x3] =	wrdreg s6  }
0xb9: {  	[dreg:$0x4] =	wrdreg $0xC0  }
0xba: {  	_ =	task [dreg:s22], $0x5FFFF  }
0xbb: {  	[dreg:$0x1] =	wrdreg $0xFFFFFFFF  }
0xbc: {  	[dreg:$0x0] =	wrdreg $0x60  }
0xbd: {  	[dreg:$0x2] =	wrdreg s18  }
0xbe: {  	[dreg:$0x3] =	wrdreg s24  }
0xbf: {  	[dreg:$0x4] =	wrdreg $0x9  }
0xc0: {  	_ =	task.clear_ibuf [dreg:s22], $0x5FFFF;
	_ =	strace $0x90000058  }
0xc1: {  	s29 =	simm.s32 $0x9;
	_ =	strace $0x8000005A  }
0xc2: {  	_ =	swait.ge [sflag:s29], $0x1  }
0xc3: {  	[sflag:s29] =	ssyncadd.s32 $0xFFFFFFFF  }
0xc4: {  	_ =	strace $0x9000005A  }
0xc5: {  	_ =	sfence  }
0xc6: {  	s30 =	sld [smem:$0x0];
	_ =	sdelay $0x2  }
0xc7: {  	s31 =	sshll.u32 s1, $0xD;
	s1 =	sshrl.u32 s1, $0x2  }
0xc8: {  	s4 =	sand.u32 $0x4000, s31;
	s1 =	sadd.s32 s1, s30  }
0xc9: {  	s0 =	sor.u32 s4, s0;
	s1 =	sshll.u32 s1, $0x11  }
0xca: {  	s0 =	sor.u32 s1, s0  }
0xcb: {  	s0 =	sadd.s32 $0x8F2B, s0  }
0xcc: {  	[sflag:s0] =	ssyncadd.remote.s32 $0x1  }
0xcd: {  	_ =	sfence.sel $0xFFFF  }
0xce: {  	[dreg:$0x0] =	wrdreg $0xFFFFFFFF;
	(pc) =	sbr.abs _section_cstart, $3  }
0xcf: {  	[dreg:$0x1] =	wrdreg $0xFFFFFFFF  }
0xd0: {  	_ =	task.clear_ibuf [dreg:s22], $0x2FFFF;
	_ =	strace $0x9FFFFFFF  }
0xd1: {  	(tm) =	ssettm $0x7FFFFFFF  }
tec
execute0_lowered:
.L_overlay_start_1:
0x0: {  	(tag) =	ssettag $0x1  }
0x1: {  	s2 =	rddreg [dreg:$0x0]  }
0x2: {  	s7 =	rddreg [dreg:$0x1]  }
0x3: {  	s0 =	rddreg [dreg:$0x2]  }
0x4: {  	s1 =	srdreg.scid;
	_ =	strace $0x80000059;
	s4 =	simm.s32 $0x1  }
0x5: {  	s9 =	simm.s32 $0x3;
	s12 =	simm.s32 $0x0;
	s5 =	sshll.u32 s1, $0x4  }
.Ltmp0:
0x6: {  	s1 =	stileid.u32;
	s5 =	sand.u32 $0x10, s5;
	(pc) =	sbr.rel .LBB2_1-.Ltmp0, $4  }
0x7: {  	s10 =	simm.s32 $0x0;
	s3 =	sadd.s32 $0x15000, s7;
	s6 =	sor.u32 s1, s5  }
0x8: {  	[sflag:s4] =	ssyncpa.u1 $0x0;
	s5 =	simm.s32 $0x2;
	s6 =	sshll.u32 s6, $0x7  }
0x9: {  	s7 =	sadd.s32 $0x400, s7;
	[sflag:s5] =	ssyncpa.u1 $0x0;
	s8 =	sadd.s32 $0x80, s6  }
0xa: {  	vm0 =	vmmov $0xff;
	vm1 =	vcmask $0x3F20;
	[sflag:s9] =	ssyncpa.u1 $0x0;
	s9 =	simm.s32 $0x80;
	s11 =	smov.u32 s6  }
.LBB2_9:
0xb: {  	p0 =	seq.s32 s10, $0x2  }
.Ltmp1:
0xc: {  	_ = 	snop;
	(pc) =	sbr.rel @p0 .LBB2_11-.Ltmp1, $1  }
0xd: {  	_ =	sdelay $0x3  }
.LBB2_10:
0xe: {  	s12 =	sadd.s32 $0x80, s11  }
0xf: {  	s13 =	smov.u32 s6;
	p0 =	slt.s32 s12, s8  }
0x10: {  	s13 =	smov.u32 @p0 s12  }
0x11: {  	s10 =	sadd.s32 $0x1, s10;
	s12 =	smov.u32 s11;
	s11 =	smov.u32 s13  }
.LBB2_1:
0x12: {  	p0 =	sne.s32 s10, $0x0  }
.Ltmp2:
0x13: {  	_ = 	snop;
	(pc) =	sbr.rel @!p0 .LBB2_2-.Ltmp2, $1  }
0x14: {  	_ =	sdelay $0x3  }
0x15: {  	s13 =	sand.u32 $0x1, s10  }
0x16: {  	p0 =	seq.s32 s13, $0x0  }
.Ltmp3:
0x17: {  	_ = 	snop;
	(pc) =	sbr.rel @p0 .LBB2_9-.Ltmp3, $1  }
0x18: {  	_ =	sdelay $0x3  }
0x19: {  	_ =	swait.ge [sflag:s5], $0x80  }
0x1a: {  	[sflag:s5] =	ssyncset.done $0x0  }
0x1b: {  	s13 =	simm.s32 $0x0;
	[sflag:s5] =	ssyncadd.s32 $0xFFFFFF80  }
0x1c: {  	v0 =	vld.msk [tilespmem:s13+$0x80 ss:$0x1], $0xffff;
	_ =	sdelay $0x4  }
0x1d: {  	vm2 =	vgt.s32 v0, $0x0  }
0x1e: {  	v0 =	vnsel vm2, $0x0, v0  }
0x1f: {  	v0 =	vmin.u32 v0, $0x4E1FF  }
0x20: {  	v0 =	vshll.u32 v0, $0x4;
	_ =	sdelay $0x3  }
0x21: {  	s13 =	simm.s32 $0x4100  }
0x22: {  	[tilespmem:s13], [sflag:$0x1] =	stream.indirect_vreg.gather [hbm:s2], $0x80, v0, vm0, $0x38;
	[tilespmem:$0x8100] =	vst v63  }
0x23: {  	s14 =	simm.s32 $0x4500;
	s31 =	simm.s32 $0x10  }
0x24: {  	[tilespmem:s14], [sflag:$0x1] =	stream.indirect_vreg.gather [hbm:s2], $0x80, v0, vm1, $0x38;
	[tilespmem:$0x8100] =	vst v63  }
0x25: {  	s14 =	simm.s32 $0x80;
	v0 =	vld.msk [tilespmem:s31+$0x80 ss:$0x1], $0xffff  }
.LBB2_5:
0x26: {  	p0 =	sne.s32 s14, $0x1C0;
	_ =	sdelay $0x4  }
0x27: {  	vm2 =	vgt.s32 v0, $0x0  }
0x28: {  	v0 =	vnsel vm2, $0x0, v0  }
0x29: {  	v0 =	vmin.u32 v0, $0x4E1FF  }
0x2a: {  	v0 =	vshll.u32 v0, $0x4;
	_ =	sdelay $0x3  }
.Ltmp4:
0x2b: {  	s13 =	sadd.s32 $0x800, s13;
	(pc) =	sbr.rel @p0 .LBB2_5-.Ltmp4, $4  }
0x2c: {  	[tilespmem:s13], [sflag:$0x1] =	stream.indirect_vreg.gather [hbm:s2], $0x80, v0, vm0, $0x38;
	[tilespmem:$0x8100] =	vst v63  }
0x2d: {  	s15 =	sshra.s32 s14, $0x2;
	s16 =	sadd.s32 $0x400, s13  }
0x2e: {  	[tilespmem:s16], [sflag:$0x1] =	stream.indirect_vreg.gather [hbm:s2], $0x80, v0, vm1, $0x38;
	[tilespmem:$0x8100] =	vst v63  }
0x2f: {  	s14 =	sadd.s32 $0x40, s14;
	v0 =	vld.msk [tilespmem:s15+$0x80 ss:$0x1], $0xffff  }
0x30: {  	_ =	sdelay $0x3  }
0x31: {  	vm2 =	vgt.s32 v0, $0x0  }
0x32: {  	v0 =	vnsel vm2, $0x0, v0  }
0x33: {  	v0 =	vmin.u32 v0, $0x4E1FF  }
0x34: {  	v0 =	vshll.u32 v0, $0x4;
	_ =	sdelay $0x3  }
0x35: {  	s13 =	sadd.s32 $0x800, s13  }
0x36: {  	[tilespmem:s13], [sflag:$0x1] =	stream.indirect_vreg.gather [hbm:s2], $0x80, v0, vm0, $0x38;
	[tilespmem:$0x8100] =	vst v63  }
0x37: {  	s13 =	sadd.s32 $0x400, s13  }
0x38: {  	[tilespmem:s13], [sflag:$0x1] =	stream.indirect_vreg.gather [hbm:s2], $0x80, v0, vm1, $0x38;
	[tilespmem:$0x8100] =	vst v63  }
0x39: {  	s12 =	sshll.u32 s12, $0x4;
	s14 =	simm.s32 $0x80;
	_ =	swait.ge [sflag:s4], $0x4000  }
0x3a: {  	s15 =	simm.s32 $0x4500;
	s12 =	sadd.s32 s12, s7;
	[sflag:s4] =	ssyncset.done $0x0  }
0x3b: {  	s16 =	sadd.s32 $0x0, s12;
	s13 =	simm.s32 $0x4100;
	[sflag:s4] =	ssyncadd.s32 $0xFFFFC000  }
.LBB2_7:
0x3c: {  	[hbm:s16] =	stream.linear.scatter [tilespmem:s13], [sflag:$0x3], $0x400, $0x38;
	[tilespmem:$0x8100] =	vst v63  }
0x3d: {  	s16 =	smov.u32 s14;
	s13 =	smov.u32 s15;
	p0 =	sne.s32 s14, $0x780  }
.Ltmp5:
0x3e: {  	s14 =	sadd.s32 $0x80, s14;
	(pc) =	sbr.rel @p0 .LBB2_7-.Ltmp5, $2  }
0x3f: {  	_ =	sdelay $0x2  }
0x40: {  	s15 =	sadd.s32 $0x400, s15;
	s16 =	sadd.s32 s16, s12  }
.Ltmp6:
0x41: {  	(pc) =	sbr.rel .LBB2_9-.Ltmp6, $2  }
0x42: {  	_ =	sdelay $0x2  }
0x43: {  	[hbm:s16] =	stream.linear.scatter [tilespmem:s13], [sflag:$0x3], $0x400, $0x38;
	[tilespmem:$0x8100] =	vst v63  }
.LBB2_2:
.Ltmp7:
0x44: {  	(pc) =	sbr.rel .LBB2_10-.Ltmp7, $4  }
0x45: {  	_ = 	snop  }
0x46: {  	s12 =	sshrl.u32 s11, $0x3  }
0x47: {  	s13 =	sand.u32 $0x7, s11;
	s12 =	sadd.s32 s3, s12  }
0x48: {  	[tilespmem:s9], [sflag:$0x2] =	stream.linear.gather [hbm4b:s12+s13], $0x80, $0x38;
	[tilespmem:$0x8100] =	vst v63  }
.LBB2_11:
0x49: {  	s2 =	simm.s32 $0x3  }
0x4a: {  	_ =	swait.ge [sflag:s2], $0x4000  }
0x4b: {  	[sflag:s2] =	ssyncset.done $0x0  }
0x4c: {  	[sflag:s2] =	ssyncadd.s32 $0xFFFFC000  }
0x4d: {  	_ =	sfence.sel $0x180000  }
0x4e: {  	s3 =	simm.s32 $0x2;
	[bflag:$0x0] =	sbarrier.arrive $0xFFFF  }
0x4f: {  	[sflag:s3] =	ssyncpa.u1 $0x1  }
0x50: {  	s31 =	simm.s32 $0x1;
	[sflag:s2] =	ssyncpa.u1 $0x1  }
0x51: {  	[sflag:s31] =	ssyncpa.u1 $0x1  }
0x52: {  	p0 =	sne.s32 s1, $0x0;
	_ =	strace $0x90000059  }
0x53: {  	s0 =	sadd.s32 @!p0 $0x100000, s0;
	[bflag:$0x2] =	sbarrier.arrive $0xFFFF  }
0x54: {  	[sflag:s0] =	ssyncadd.tile.s32 @!p0 $0x1;
	_ =	shalt  }
.Lfunc_end2:
_tile_overlayer_lowered:
.L_overlay_start_2:
0x55: {  	(tag) =	ssettag $0x2  }
0x56: {  	s0 =	rddreg [dreg:$0x0];
	s2 =	stileid.u32  }
0x57: {  	s1 =	rddreg [dreg:$0x1];
	p0 =	sne.s32 s2, $0x0  }
0x58: {  	s3 =	rddreg [dreg:$0x2];
	[bflag:$0x3] =	sbarrier.arrive $0xFFFF;
	s2 =	simm.s32 @!p0 $0x1C01  }
0x59: {  	[timem:s3], [sflag:s2] =	dma.local @!p0 [hbm:s0], s1  }
0x5a: {  	s0 =	simm.s32 @!p0 $0x1  }
0x5b: {  	_ =	swait.ge @!p0 [sflag:s0], s1  }
0x5c: {  	s1 =	ssub.s32 @!p0 $0x0, s1;
	[sflag:s0] =	ssyncset.done @!p0 $0x0  }
0x5d: {  	[sflag:s0] =	ssyncadd.s32 @!p0 s1  }
0x5e: {  	[bflag:$0x3] =	sbarrier.arrive $0xFFFF  }
0x5f: {  	_ =	shalt  }

// kernel: gather_offload_async_start
scs
__scs_entry_jumppad:
0x0: {  	(pc) =	sbr.rel $0x88, $3  }
0x1: {  	(tag) =	ssettag $0x0;
	lr =	simm.s32 $0x1  }
0x2: {  	[smem:$0x3F8C] =	sst lr;
	_ =	strace $0xD0000000  }
0x3: {  	_ = 	snop  }
0x4: {  	_ = 	snop  }
0x5: {  	_ = 	snop  }
0x6: {  	_ = 	snop  }
0x7: {  	_ = 	snop  }
__scs_overlays_trampoline_lowered:
0x8: {  	[smem:$0x3F9B] =	sst s0  }
0x9: {  	[smem:$0x3F9C] =	sst s1  }
0xa: {  	[smem:$0x3F9D] =	sst s2  }
0xb: {  	[smem:$0x3F9E] =	sst s3  }
0xc: {  	[smem:$0x3F9F] =	sst s4  }
0xd: {  	[smem:$0x3FA0] =	sst s5  }
0xe: {  	[smem:$0x3FA1] =	sst s6  }
0xf: {  	[smem:$0x3FA2] =	sst s7  }
0x10: {  	[smem:$0x3FA3] =	sst s8  }
0x11: {  	[smem:$0x3FA4] =	sst s9;
	s0 =	simm.s32 @!p0 $0x0  }
0x12: {  	s1 =	sld [smem:$0x3F8A];
	s0 =	simm.s32 @p0 $0x1  }
0x13: {  	[smem:$0x3FA5] =	sst s0;
	s0 =	simm.s32 @!p1 $0x0  }
0x14: {  	s2 =	sld [smem:$0x3F89];
	s0 =	simm.s32 @p1 $0x1  }
0x15: {  	[smem:$0x3FA6] =	sst s0;
	s0 =	simm.s32 @!p2 $0x0  }
0x16: {  	s3 =	sld [smem:$0x3FDB];
	s0 =	simm.s32 @p2 $0x1  }
0x17: {  	s4 =	simm.s32 $0x1BF5;
	[smem:$0x3FA8] =	sst s0  }
0x18: {  	s0 =	sld [smem:$0x3F8B];
	_ =	swait.ge [sflag:s4], $0x0  }
0x19: {  	s7 =	sld [smem:$0x3F8C]  }
0x1a: {  	s8 =	sadd.s32 $0xFFFFE003, lr  }
0x1b: {  	s9 =	sadd.s32 $0xFFFFFEF7, lr;
	s5 =	simm.s32 $0xFFFFFFFF;
	p2 =	slt.u32 s8, $0xFFFFF086  }
0x1c: {  	p1 =	slt.u32 s9, $0xF7A;
	s5 =	simm.s32 @!p2 $0x0  }
0x1d: {  	s5 =	simm.s32 @p1 $0x1;
	p0 =	seq.s32 s7, s2  }
0x1e: {  	s7 =	smul.u32 @!p0 $0xF7A, s2;
	p2 =	seq.s32 @!p0 s5, $0x0  }
0x1f: {  	s9 =	smul.u32 $0xF7A, s1;
	s8 =	simm.s32 @!p0 $0x1BF5;
	p2 =	por !p2, p0  }
0x20: {  	[sflag:s8] =	ssyncset.s32 @!p0 $0xFFFFF086;
	s6 =	sadd.s32 @!p0 s3, s7;
	s7 =	simm.s32 @!p0 $0x108  }
0x21: {  	s3 =	sadd.s32 s3, s9;
	s6 =	sadd.s32 @!p0 $0x88, s6;
	s7 =	simm.s32 @p2 $0x1082  }
0x22: {  	[simem:s7], [sflag:s8] =	dma.local @!p0 [hbm:s6], $0xF7A  }
0x23: {  	s9 =	sor.u32 $0xD0000000, s2;
	s6 =	simm.s32 $0x108;
	_ =	swait.ge @!p0 [sflag:s8], $0x0  }
0x24: {  	s3 =	sadd.s32 $0x88, s3;
	s6 =	simm.s32 @!p1 $0x1082;
	[sflag:s4] =	ssyncset.s32 $0xFFFFF086  }
0x25: {  	[simem:s6], [sflag:s4] =	dma.local [hbm:s3], $0xF7A  }
0x26: {  	[smem:$0x3F8C] =	sst s1;
	(tag) =	ssettag s2;
	_ =	strace s9  }
0x27: {  	s1 =	sld [smem:$0x3F9C]  }
0x28: {  	s2 =	sld [smem:$0x3F9D]  }
0x29: {  	s4 =	sld [smem:$0x3F9F]  }
0x2a: {  	p0 =	seq.s32 s5, $0x0;
	s5 =	sld [smem:$0x3FA0]  }
0x2b: {  	s6 =	sld [smem:$0x3FA1]  }
0x2c: {  	s7 =	sld [smem:$0x3FA2]  }
0x2d: {  	s3 =	simm.s32 $0x108;
	s8 =	sld [smem:$0x3FA3]  }
0x2e: {  	s3 =	simm.s32 @!p0 $0x1082;
	s9 =	sld [smem:$0x3FA4]  }
0x2f: {  	lr =	sadd.s32 s0, s3;
	s0 =	sld [smem:$0x3F9B]  }
0x30: {  	s3 =	sld [smem:$0x3F9E]  }
0x31: {  	[smem:$0x3FA7] =	sst s10  }
0x32: {  	s10 =	sld [smem:$0x3FA5];
	_ =	sdelay $0x3  }
0x33: {  	p0 =	seq.s32 s10, $0x1;
	s10 =	sld [smem:$0x3FA7];
	_ =	sdelay $0x3  }
0x34: {  	[smem:$0x3FA7] =	sst s10  }
0x35: {  	s10 =	sld [smem:$0x3FA6];
	_ =	sdelay $0x3  }
0x36: {  	p1 =	seq.s32 s10, $0x1;
	s10 =	sld [smem:$0x3FA7];
	_ =	sdelay $0x3  }
0x37: {  	[smem:$0x3FA7] =	sst s10  }
0x38: {  	s10 =	sld [smem:$0x3FA8]  }
0x39: {  	_ = 	snop;
	(pc) =	sbr.ind lr, $3  }
0x3a: {  	_ = 	snop  }
0x3b: {  	_ = 	snop  }
0x3c: {  	p2 =	seq.s32 s10, $0x1;
	s10 =	sld [smem:$0x3FA7]  }
0x3d: {  	_ =	shalt  }
0x3e: {  	_ =	shalt  }
0x3f: {  	_ =	shalt  }
0x40: {  	_ =	shalt  }
0x41: {  	_ =	shalt  }
0x42: {  	_ =	shalt  }
0x43: {  	_ =	shalt  }
0x44: {  	_ =	shalt  }
0x45: {  	_ =	shalt  }
0x46: {  	_ =	shalt  }
0x47: {  	_ =	shalt  }
0x48: {  	_ =	shalt  }
0x49: {  	_ =	shalt  }
0x4a: {  	_ =	shalt  }
0x4b: {  	_ =	shalt  }
0x4c: {  	_ =	shalt  }
0x4d: {  	_ =	shalt  }
0x4e: {  	_ =	shalt  }
0x4f: {  	_ =	shalt  }
0x50: {  	_ =	shalt  }
0x51: {  	_ =	shalt  }
0x52: {  	_ =	shalt  }
0x53: {  	_ =	shalt  }
0x54: {  	_ =	shalt  }
0x55: {  	_ =	shalt  }
0x56: {  	_ =	shalt  }
0x57: {  	_ =	shalt  }
0x58: {  	_ =	shalt  }
0x59: {  	_ =	shalt  }
0x5a: {  	_ =	shalt  }
0x5b: {  	_ =	shalt  }
0x5c: {  	_ =	shalt  }
0x5d: {  	_ =	shalt  }
0x5e: {  	_ =	shalt  }
0x5f: {  	_ =	shalt  }
0x60: {  	_ =	shalt  }
0x61: {  	_ =	shalt  }
0x62: {  	_ =	shalt  }
0x63: {  	_ =	shalt  }
0x64: {  	_ =	shalt  }
0x65: {  	_ =	shalt  }
0x66: {  	_ =	shalt  }
0x67: {  	_ =	shalt  }
0x68: {  	_ =	shalt  }
0x69: {  	_ =	shalt  }
0x6a: {  	_ =	shalt  }
0x6b: {  	_ =	shalt  }
0x6c: {  	_ =	shalt  }
0x6d: {  	_ =	shalt  }
0x6e: {  	_ =	shalt  }
0x6f: {  	_ =	shalt  }
0x70: {  	_ =	shalt  }
0x71: {  	_ =	shalt  }
0x72: {  	_ =	shalt  }
0x73: {  	_ =	shalt  }
0x74: {  	_ =	shalt  }
0x75: {  	_ =	shalt  }
0x76: {  	_ =	shalt  }
0x77: {  	_ =	shalt  }
0x78: {  	_ =	shalt  }
0x79: {  	_ =	shalt  }
0x7a: {  	_ =	shalt  }
0x7b: {  	_ =	shalt  }
0x7c: {  	_ =	shalt  }
0x7d: {  	_ =	shalt  }
0x7e: {  	_ =	shalt  }
0x7f: {  	_ =	shalt  }
0x80: {  	_ =	shalt  }
0x81: {  	_ =	shalt  }
0x82: {  	_ =	shalt  }
0x83: {  	_ =	shalt  }
0x84: {  	_ =	shalt  }
0x85: {  	_ =	shalt  }
0x86: {  	_ =	shalt  }
0x87: {  	_ =	shalt  }
.Lfunc_end0:
.L_simem_size_0:
called_computation.2_lowered:
.L_overlay_start_0:
0x88: {  	s2 =	sld [smem:$0x3FD9]  }
0x89: {  	s3 =	sld [smem:$0x3FFE];
	_ =	sdelay $0x1  }
0x8a: {  	s1 =	srdreg.scid  }
0x8b: {  	s0 =	sand.u32 $0x1, s1  }
0x8c: {  	s16 =	sshll.u32 s0, $0xA;
	s2 =	sadd.s32 s3, s2  }
0x8d: {  	s2 =	sadd.s32 s2, s16  }
0x8e: {  	[smem:$0x3FB3] =	sst s2  }
0x8f: {  	_ = 	snop  }
0x90: {  	(tm) =	ssettm $0x1  }
0x91: {  	s17 =	sld [smem:$0x3FFB];
	_ =	sdelay $0x3  }
0x92: {  	_ =	strace s17  }
0x93: {  	s2 =	sld [smem:$0x3FFC];
	_ =	sdelay $0x3  }
0x94: {  	_ =	strace s2  }
0x95: {  	s2 =	sld [smem:$0x3FFD];
	_ =	sdelay $0x3  }
0x96: {  	_ =	strace s2  }
0x97: {  	_ =	strace $0x8FFFFFFF  }
0x98: {  	s18 =	sld [smem:$0x3FDB];
	_ =	sdelay $0x1  }
0x99: {  	s19 =	simm.s32 $_scs_section_size  }
0x9a: {  	s4 =	simm.s32 $_size__tile_overlayer_lowered;
	s5 =	simm.s32 $_tile_overlayer_lowered  }
0x9b: {  	s22 =	simm.s32 $0x1BFF;
	s21 =	sshll.u32 s5, $0x1;
	s2 =	sadd.s32 s19, s18  }
0x9c: {  	s6 =	simm.s32 $0x0;
	s20 =	sshll.u32 s4, $0x1;
	s4 =	sadd.s32 s21, s2  }
0x9d: {  	[timem:s6], [sflag:s22] =	dma.local [hbm:s4], s20  }
0x9e: {  	_ =	swait.ge [sflag:s22], s20  }
0x9f: {  	s3 =	ssub.s32 $0x0, s20;
	[sflag:s22] =	ssyncset.done $0x0  }
0xa0: {  	[sflag:s22] =	ssyncadd.s32 s3;
	_ =	sdelay $0x1  }
0xa1: {  	s23 =	simm.s32 $0x1B8B  }
0xa2: {  	_ =	swait.ge [sflag:s23], $0x1  }
0xa3: {  	[sflag:s23] =	ssyncset.done $0x0  }
0xa4: {  	s25 =	simm.s32 $0x1B8E;
	s24 =	sld [smem:$0x3FFE];
	[sflag:s23] =	ssyncadd.s32 $0xFFFFFFFF  }
0xa5: {  	s26 =	simm.s32 $execute0_lowered;
	[smem:$0x3FD2] =	sst s25  }
0xa6: {  	s4 =	sshll.u32 s26, $0x1;
	_ =	strace $0x8000004C;
	[dreg:$0x1] =	wrdreg $0xFFFFFFFF  }
0xa7: {  	s28 =	simm.s32 $_size_execute0_lowered;
	s2 =	sadd.s32 s2, s4;
	[dreg:$0x0] =	wrdreg $0x0  }
0xa8: {  	s4 =	sshll.u32 s28, $0x1;
	[dreg:$0x2] =	wrdreg s2  }
0xa9: {  	[dreg:$0x3] =	wrdreg s4  }
0xaa: {  	[dreg:$0x4] =	wrdreg $0xC0  }
0xab: {  	_ =	task [dreg:s6], $0x5FFFF  }
0xac: {  	[dreg:$0x1] =	wrdreg $0xFFFFFFFF  }
0xad: {  	[dreg:$0x0] =	wrdreg $0x60  }
0xae: {  	[dreg:$0x2] =	wrdreg s24  }
0xaf: {  	[dreg:$0x3] =	wrdreg $0x9  }
0xb0: {  	_ =	task.clear_ibuf [dreg:s6], $0x4FFFF;
	_ =	strace $0x9000004C  }
0xb1: {  	s29 =	simm.s32 $0x9;
	_ =	strace $0x8000004E  }
0xb2: {  	_ =	swait.ge [sflag:s29], $0x1  }
0xb3: {  	[sflag:s29] =	ssyncadd.s32 $0xFFFFFFFF  }
0xb4: {  	_ =	strace $0x9000004E  }
0xb5: {  	_ =	sfence  }
0xb6: {  	s30 =	sld [smem:$0x0];
	_ =	sdelay $0x2  }
0xb7: {  	s31 =	sshll.u32 s1, $0xD;
	s1 =	sshrl.u32 s1, $0x2  }
0xb8: {  	s3 =	sand.u32 $0x4000, s31;
	s1 =	sadd.s32 s1, s30  }
0xb9: {  	s0 =	sor.u32 s3, s0;
	s1 =	sshll.u32 s1, $0x11  }
0xba: {  	s0 =	sor.u32 s1, s0  }
0xbb: {  	s0 =	sadd.s32 $0x8F2B, s0  }
0xbc: {  	[sflag:s0] =	ssyncadd.remote.s32 $0x1  }
0xbd: {  	_ =	sfence.sel $0xFFFF  }
0xbe: {  	[dreg:$0x0] =	wrdreg $0xFFFFFFFF;
	(pc) =	sbr.abs _section_cstart, $3  }
0xbf: {  	[dreg:$0x1] =	wrdreg $0xFFFFFFFF  }
0xc0: {  	_ =	task.clear_ibuf [dreg:s6], $0x2FFFF;
	_ =	strace $0x9FFFFFFF  }
0xc1: {  	(tm) =	ssettm $0x7FFFFFFF  }
tec
execute0_lowered:
.L_overlay_start_1:
0x0: {  	(tag) =	ssettag $0x1  }
0x1: {  	s1 =	srdreg.scid  }
0x2: {  	s0 =	stileid.u32;
	s2 =	rddreg [dreg:$0x0];
	s6 =	simm.s32 $0x1  }
0x3: {  	s9 =	simm.s32 $0x1;
	s10 =	simm.s32 $0x3;
	s1 =	sshll.u32 s1, $0x6  }
0x4: {  	s13 =	simm.s32 $0x0;
	s3 =	sshll.u32 s0, $0x7;
	s4 =	sand.u32 $0x40, s1  }
0x5: {  	s12 =	simm.s32 $0x0;
	s5 =	sadd.s32 $0x15200, s2;
	s3 =	sor.u32 s3, s4  }
0x6: {  	s1 =	rddreg [dreg:$0x1];
	_ =	strace $0x8000004D;
	s8 =	ssub.s32 $0x1000, s3  }
.Ltmp0:
0x7: {  	s4 =	sadd.s32 $0x15000, s2;
	s7 =	sand.u32 $0x7C0, s8;
	(pc) =	sbr.rel .LBB2_1-.Ltmp0, $4  }
0x8: {  	[sflag:s6] =	ssyncpa.u1 $0x0;
	s11 =	smov.u32 s3;
	p0 =	sne.s32 s7, $0x0  }
0x9: {  	s8 =	sshrl.u32 s8, $0xB;
	s7 =	simm.s32 $0x2;
	s9 =	simm.s32 @!p0 $0x0  }
0xa: {  	[sflag:s7] =	ssyncpa.u1 $0x0;
	p0 =	por $0x0, $0x0;
	s8 =	sadd.s32 s9, s8  }
0xb: {  	vm0 =	vmmov $0xffff;
	[sflag:s10] =	ssyncpa.u1 $0x0;
	s10 =	simm.s32 $0x0;
	s9 =	sadd.s32 $0x1, s8  }
.LBB2_4:
0xc: {  	v2 =	vnsel vm1, $0x0, v2  }
0xd: {  	vm1 =	vgt.s32 v0, $0x0;
	v2 =	vmin.u32 v2, $0x4E1FF  }
0xe: {  	v0 =	vnsel vm1, $0x0, v0  }
0xf: {  	v0 =	vmin.u32 v0, $0x4E1FF  }
0x10: {  	[tilespmem:s15], [sflag:$0x1] =	stream.indirect_vreg.gather [hbm4b:s2+s10], $0x1, v1, vm0, $0x4038;
	[tilespmem:$0x100] =	vst v63  }
0x11: {  	(ifvalue) =	ssetifvalue $0x7FFFFFFF  }
0x12: {  	[tilespmem:s16], [sflag:$0x1] =	stream.indirect_vreg.gather [hbm4b:s2+s10], $0x1, v2, vm0, $0x4038;
	[tilespmem:$0x100] =	vst v63  }
0x13: {  	s29 =	sadd.s32 $0x10, s16;
	(ifvalue) =	ssetifvalue $0x7FFFFFFF  }
0x14: {  	[tilespmem:s29], [sflag:$0x1] =	stream.indirect_vreg.gather [hbm4b:s2+s10], $0x1, v0, vm0, $0x4038;
	[tilespmem:$0x100] =	vst v63  }
0x15: {  	_ =	swait.ge [sflag:s6], $0x40  }
0x16: {  	s30 =	sshrl.u32 s13, $0x3;
	[sflag:s6] =	ssyncset.done $0x0  }
0x17: {  	s31 =	sand.u32 $0x7, s13;
	s15 =	sadd.s32 s5, s30;
	[sflag:s6] =	ssyncadd.s32 $0xFFFFFFC0  }
0x18: {  	[hbm4b:s15+s31] =	stream.linear.scatter [tilespmem:s14], [sflag:$0x3], $0x40, $0x38;
	[tilespmem:$0x100] =	vst v63  }
.LBB2_5:
0x19: {  	s15 =	sadd.s32 $0x800, s11  }
0x1a: {  	p2 =	sgt.s32 s15, $0xFFF  }
0x1b: {  	s15 =	smov.u32 @p2 s3;
	p2 =	sne.s32 s12, s9  }
.Ltmp1:
0x1c: {  	p1 =	slt.u32 s12, $0x2;
	(pc) =	sbr.rel @!p2 .LBB2_6-.Ltmp1, $4  }
0x1d: {  	s14 =	simm.s32 @!p1 $0x3  }
0x1e: {  	s16 =	sadd.s32 $0x1, s12;
	_ =	swait.ge @!p1 [sflag:s14], $0x40  }
0x1f: {  	s13 =	smov.u32 s11;
	p0 =	por !p0, !p0;
	[sflag:s14] =	ssyncset.done @!p1 $0x0  }
0x20: {  	s12 =	smov.u32 s16;
	s11 =	smov.u32 s15;
	[sflag:s14] =	ssyncadd.s32 @!p1 $0xFFFFFFC0  }
.LBB2_1:
0x21: {  	p1 =	sge.u32 s12, s8  }
0x22: {  	s14 =	sxor.u32 @!p1 $0xFFFFFFFF, s12  }
0x23: {  	s31 =	sadd.s32 $0xFFFFFFFF, s12;
	s15 =	sshrl.u32 @!p1 s11, $0x3;
	s14 =	sshll.u32 @!p1 s14, $0x6  }
0x24: {  	s16 =	sand.u32 @!p1 $0x7, s11;
	s15 =	sadd.s32 @!p1 s4, s15;
	s14 =	sand.u32 @!p1 $0x40, s14  }
0x25: {  	[tilespmem:s14], [sflag:$0x2] =	stream.linear.gather @!p1 [hbm4b:s15+s16], $0x40, $0x38;
	[tilespmem:$0x100] =	vst v63  }
0x26: {  	p1 =	sge.u32 s31, s8  }
.Ltmp2:
0x27: {  	_ = 	snop;
	(pc) =	sbr.rel @p1 .LBB2_5-.Ltmp2, $1  }
0x28: {  	_ =	sdelay $0x3  }
0x29: {  	s14 =	simm.s32 $0x1  }
0x2a: {  	_ =	swait.ge [sflag:s7], $0x40;
	s14 =	simm.s32 @!p0 $0x0  }
0x2b: {  	[sflag:s7] =	ssyncset.done $0x0;
	s14 =	sshll.u32 s14, $0x6  }
0x2c: {  	[sflag:s7] =	ssyncadd.s32 $0xFFFFFFC0;
	(ifvalue) =	ssetifvalue $0x7FFFFFFF;
	v0 =	vld.msk [tilespmem:s14+$0x0 ss:$0x1], $0xffff;
	_ =	sdelay $0x4  }
0x2d: {  	s15 =	sadd.s32 $0x10, s14;
	vm1 =	vgt.s32 v0, $0x0  }
0x2e: {  	v2 =	vld.msk [tilespmem:s15+$0x0 ss:$0x1], $0xffff;
	v1 =	vnsel vm1, $0x0, v0  }
0x2f: {  	v1 =	vmin.u32 v1, $0x4E1FF;
	_ =	sdelay $0x1  }
0x30: {  	s16 =	sshll.u32 s12, $0x6;
	s18 =	simm.s32 $0x20  }
0x31: {  	s16 =	sand.u32 $0x40, s16;
	s17 =	sadd.s32 $0x10, s15;
	s15 =	sor.u32 $0x80, s14  }
0x32: {  	s14 =	sor.u32 $0x80, s16;
	s16 =	sadd.s32 $0x10, s15;
	v0 =	vld.msk [tilespmem:s17+$0x0 ss:$0x1], $0xffff;
	vm1 =	vgt.s32 v2, $0x0;
	(ifvalue) =	ssetifvalue $0x7FFFFFFF  }
.LBB2_3:
0x33: {  	[tilespmem:s15], [sflag:$0x1] =	stream.indirect_vreg.gather [hbm4b:s2+s10], $0x1, v1, vm0, $0x4038;
	[tilespmem:$0x100] =	vst v63  }
0x34: {  	s18 =	sadd.s32 $0x10, s18  }
0x35: {  	v2 =	vnsel vm1, $0x0, v2;
	p1 =	slt.u32 s18, $0x30  }
.Ltmp3:
0x36: {  	s15 =	smov.u32 s16;
	v1 =	vmin.u32 v2, $0x4E1FF;
	(pc) =	sbr.rel @p1 .LBB2_3-.Ltmp3, $3  }
0x37: {  	_ =	sdelay $0x1  }
0x38: {  	s17 =	sadd.s32 $0x10, s17  }
0x39: {  	vm1 =	vgt.s32 v0, $0x0;
	s16 =	sadd.s32 $0x10, s16;
	v2 =	vmov v0;
	(ifvalue) =	ssetifvalue $0x7FFFFFFF;
	v0 =	vld.msk [tilespmem:s17+$0x0 ss:$0x1], $0xffff  }
.Ltmp4:
0x3a: {  	_ = 	snop;
	(pc) =	sbr.rel .LBB2_4-.Ltmp4, $1  }
0x3b: {  	_ =	sdelay $0x3  }
.LBB2_6:
0x3c: {  	_ =	sfence.sel $0x180000  }
0x3d: {  	s2 =	simm.s32 $0x2;
	[bflag:$0x0] =	sbarrier.arrive $0xFFFF  }
0x3e: {  	s30 =	simm.s32 $0x3;
	[sflag:s2] =	ssyncpa.u1 $0x1  }
0x3f: {  	s31 =	simm.s32 $0x1;
	[sflag:s30] =	ssyncpa.u1 $0x1  }
0x40: {  	[sflag:s31] =	ssyncpa.u1 $0x1  }
0x41: {  	p0 =	sne.s32 s0, $0x0;
	_ =	strace $0x9000004D  }
0x42: {  	s0 =	sadd.s32 @!p0 $0x100000, s1;
	[bflag:$0x2] =	sbarrier.arrive $0xFFFF  }
0x43: {  	[sflag:s0] =	ssyncadd.tile.s32 @!p0 $0x1;
	_ =	shalt  }
.Lfunc_end2:
_tile_overlayer_lowered:
.L_overlay_start_2:
0x44: {  	(tag) =	ssettag $0x2  }
0x45: {  	s0 =	rddreg [dreg:$0x0];
	s2 =	stileid.u32  }
0x46: {  	s1 =	rddreg [dreg:$0x1];
	p0 =	sne.s32 s2, $0x0  }
0x47: {  	s3 =	rddreg [dreg:$0x2];
	[bflag:$0x3] =	sbarrier.arrive $0xFFFF;
	s2 =	simm.s32 @!p0 $0x1C01  }
0x48: {  	[timem:s3], [sflag:s2] =	dma.local @!p0 [hbm:s0], s1  }
0x49: {  	s0 =	simm.s32 @!p0 $0x1  }
0x4a: {  	_ =	swait.ge @!p0 [sflag:s0], s1  }
0x4b: {  	s1 =	ssub.s32 @!p0 $0x0, s1;
	[sflag:s0] =	ssyncset.done @!p0 $0x0  }
0x4c: {  	[sflag:s0] =	ssyncadd.s32 @!p0 s1  }
0x4d: {  	[bflag:$0x3] =	sbarrier.arrive $0xFFFF  }
0x4e: {  	_ =	shalt  }

// kernel: scatter_offload_async_start.1
scs
__scs_entry_jumppad:
0x0: {  	(pc) =	sbr.rel $0x88, $3  }
0x1: {  	(tag) =	ssettag $0x0;
	lr =	simm.s32 $0x1  }
0x2: {  	[smem:$0x3F8C] =	sst lr;
	_ =	strace $0xD0000000  }
0x3: {  	_ = 	snop  }
0x4: {  	_ = 	snop  }
0x5: {  	_ = 	snop  }
0x6: {  	_ = 	snop  }
0x7: {  	_ = 	snop  }
__scs_overlays_trampoline_lowered:
0x8: {  	[smem:$0x3F9B] =	sst s0  }
0x9: {  	[smem:$0x3F9C] =	sst s1  }
0xa: {  	[smem:$0x3F9D] =	sst s2  }
0xb: {  	[smem:$0x3F9E] =	sst s3  }
0xc: {  	[smem:$0x3F9F] =	sst s4  }
0xd: {  	[smem:$0x3FA0] =	sst s5  }
0xe: {  	[smem:$0x3FA1] =	sst s6  }
0xf: {  	[smem:$0x3FA2] =	sst s7  }
0x10: {  	[smem:$0x3FA3] =	sst s8  }
0x11: {  	[smem:$0x3FA4] =	sst s9;
	s0 =	simm.s32 @!p0 $0x0  }
0x12: {  	s1 =	sld [smem:$0x3F8A];
	s0 =	simm.s32 @p0 $0x1  }
0x13: {  	[smem:$0x3FA5] =	sst s0;
	s0 =	simm.s32 @!p1 $0x0  }
0x14: {  	s2 =	sld [smem:$0x3F89];
	s0 =	simm.s32 @p1 $0x1  }
0x15: {  	[smem:$0x3FA6] =	sst s0;
	s0 =	simm.s32 @!p2 $0x0  }
0x16: {  	s3 =	sld [smem:$0x3FDB];
	s0 =	simm.s32 @p2 $0x1  }
0x17: {  	s4 =	simm.s32 $0x1BF5;
	[smem:$0x3FA8] =	sst s0  }
0x18: {  	s0 =	sld [smem:$0x3F8B];
	_ =	swait.ge [sflag:s4], $0x0  }
0x19: {  	s7 =	sld [smem:$0x3F8C]  }
0x1a: {  	s8 =	sadd.s32 $0xFFFFE003, lr  }
0x1b: {  	s9 =	sadd.s32 $0xFFFFFEF7, lr;
	s5 =	simm.s32 $0xFFFFFFFF;
	p2 =	slt.u32 s8, $0xFFFFF086  }
0x1c: {  	p1 =	slt.u32 s9, $0xF7A;
	s5 =	simm.s32 @!p2 $0x0  }
0x1d: {  	s5 =	simm.s32 @p1 $0x1;
	p0 =	seq.s32 s7, s2  }
0x1e: {  	s7 =	smul.u32 @!p0 $0xF7A, s2;
	p2 =	seq.s32 @!p0 s5, $0x0  }
0x1f: {  	s9 =	smul.u32 $0xF7A, s1;
	s8 =	simm.s32 @!p0 $0x1BF5;
	p2 =	por !p2, p0  }
0x20: {  	[sflag:s8] =	ssyncset.s32 @!p0 $0xFFFFF086;
	s6 =	sadd.s32 @!p0 s3, s7;
	s7 =	simm.s32 @!p0 $0x108  }
0x21: {  	s3 =	sadd.s32 s3, s9;
	s6 =	sadd.s32 @!p0 $0x88, s6;
	s7 =	simm.s32 @p2 $0x1082  }
0x22: {  	[simem:s7], [sflag:s8] =	dma.local @!p0 [hbm:s6], $0xF7A  }
0x23: {  	s9 =	sor.u32 $0xD0000000, s2;
	s6 =	simm.s32 $0x108;
	_ =	swait.ge @!p0 [sflag:s8], $0x0  }
0x24: {  	s3 =	sadd.s32 $0x88, s3;
	s6 =	simm.s32 @!p1 $0x1082;
	[sflag:s4] =	ssyncset.s32 $0xFFFFF086  }
0x25: {  	[simem:s6], [sflag:s4] =	dma.local [hbm:s3], $0xF7A  }
0x26: {  	[smem:$0x3F8C] =	sst s1;
	(tag) =	ssettag s2;
	_ =	strace s9  }
0x27: {  	s1 =	sld [smem:$0x3F9C]  }
0x28: {  	s2 =	sld [smem:$0x3F9D]  }
0x29: {  	s4 =	sld [smem:$0x3F9F]  }
0x2a: {  	p0 =	seq.s32 s5, $0x0;
	s5 =	sld [smem:$0x3FA0]  }
0x2b: {  	s6 =	sld [smem:$0x3FA1]  }
0x2c: {  	s7 =	sld [smem:$0x3FA2]  }
0x2d: {  	s3 =	simm.s32 $0x108;
	s8 =	sld [smem:$0x3FA3]  }
0x2e: {  	s3 =	simm.s32 @!p0 $0x1082;
	s9 =	sld [smem:$0x3FA4]  }
0x2f: {  	lr =	sadd.s32 s0, s3;
	s0 =	sld [smem:$0x3F9B]  }
0x30: {  	s3 =	sld [smem:$0x3F9E]  }
0x31: {  	[smem:$0x3FA7] =	sst s10  }
0x32: {  	s10 =	sld [smem:$0x3FA5];
	_ =	sdelay $0x3  }
0x33: {  	p0 =	seq.s32 s10, $0x1;
	s10 =	sld [smem:$0x3FA7];
	_ =	sdelay $0x3  }
0x34: {  	[smem:$0x3FA7] =	sst s10  }
0x35: {  	s10 =	sld [smem:$0x3FA6];
	_ =	sdelay $0x3  }
0x36: {  	p1 =	seq.s32 s10, $0x1;
	s10 =	sld [smem:$0x3FA7];
	_ =	sdelay $0x3  }
0x37: {  	[smem:$0x3FA7] =	sst s10  }
0x38: {  	s10 =	sld [smem:$0x3FA8]  }
0x39: {  	_ = 	snop;
	(pc) =	sbr.ind lr, $3  }
0x3a: {  	_ = 	snop  }
0x3b: {  	_ = 	snop  }
0x3c: {  	p2 =	seq.s32 s10, $0x1;
	s10 =	sld [smem:$0x3FA7]  }
0x3d: {  	_ =	shalt  }
0x3e: {  	_ =	shalt  }
0x3f: {  	_ =	shalt  }
0x40: {  	_ =	shalt  }
0x41: {  	_ =	shalt  }
0x42: {  	_ =	shalt  }
0x43: {  	_ =	shalt  }
0x44: {  	_ =	shalt  }
0x45: {  	_ =	shalt  }
0x46: {  	_ =	shalt  }
0x47: {  	_ =	shalt  }
0x48: {  	_ =	shalt  }
0x49: {  	_ =	shalt  }
0x4a: {  	_ =	shalt  }
0x4b: {  	_ =	shalt  }
0x4c: {  	_ =	shalt  }
0x4d: {  	_ =	shalt  }
0x4e: {  	_ =	shalt  }
0x4f: {  	_ =	shalt  }
0x50: {  	_ =	shalt  }
0x51: {  	_ =	shalt  }
0x52: {  	_ =	shalt  }
0x53: {  	_ =	shalt  }
0x54: {  	_ =	shalt  }
0x55: {  	_ =	shalt  }
0x56: {  	_ =	shalt  }
0x57: {  	_ =	shalt  }
0x58: {  	_ =	shalt  }
0x59: {  	_ =	shalt  }
0x5a: {  	_ =	shalt  }
0x5b: {  	_ =	shalt  }
0x5c: {  	_ =	shalt  }
0x5d: {  	_ =	shalt  }
0x5e: {  	_ =	shalt  }
0x5f: {  	_ =	shalt  }
0x60: {  	_ =	shalt  }
0x61: {  	_ =	shalt  }
0x62: {  	_ =	shalt  }
0x63: {  	_ =	shalt  }
0x64: {  	_ =	shalt  }
0x65: {  	_ =	shalt  }
0x66: {  	_ =	shalt  }
0x67: {  	_ =	shalt  }
0x68: {  	_ =	shalt  }
0x69: {  	_ =	shalt  }
0x6a: {  	_ =	shalt  }
0x6b: {  	_ =	shalt  }
0x6c: {  	_ =	shalt  }
0x6d: {  	_ =	shalt  }
0x6e: {  	_ =	shalt  }
0x6f: {  	_ =	shalt  }
0x70: {  	_ =	shalt  }
0x71: {  	_ =	shalt  }
0x72: {  	_ =	shalt  }
0x73: {  	_ =	shalt  }
0x74: {  	_ =	shalt  }
0x75: {  	_ =	shalt  }
0x76: {  	_ =	shalt  }
0x77: {  	_ =	shalt  }
0x78: {  	_ =	shalt  }
0x79: {  	_ =	shalt  }
0x7a: {  	_ =	shalt  }
0x7b: {  	_ =	shalt  }
0x7c: {  	_ =	shalt  }
0x7d: {  	_ =	shalt  }
0x7e: {  	_ =	shalt  }
0x7f: {  	_ =	shalt  }
0x80: {  	_ =	shalt  }
0x81: {  	_ =	shalt  }
0x82: {  	_ =	shalt  }
0x83: {  	_ =	shalt  }
0x84: {  	_ =	shalt  }
0x85: {  	_ =	shalt  }
0x86: {  	_ =	shalt  }
0x87: {  	_ =	shalt  }
.Lfunc_end0:
.L_simem_size_0:
called_computation.1_lowered:
.L_overlay_start_0:
0x88: {  	s0 =	sld [smem:$0x3FD9]  }
0x89: {  	s1 =	sld [smem:$0x3FFE];
	_ =	sdelay $0x3  }
0x8a: {  	s0 =	sadd.s32 s1, s0  }
0x8b: {  	[smem:$0x3FB3] =	sst s0  }
0x8c: {  	_ = 	snop  }
0x8d: {  	(tm) =	ssettm $0x1  }
0x8e: {  	s15 =	sld [smem:$0x3FFB];
	_ =	sdelay $0x3  }
0x8f: {  	_ =	strace s15  }
0x90: {  	s0 =	sld [smem:$0x3FFC];
	_ =	sdelay $0x3  }
0x91: {  	_ =	strace s0  }
0x92: {  	s0 =	sld [smem:$0x3FFD];
	_ =	sdelay $0x3  }
0x93: {  	_ =	strace s0  }
0x94: {  	_ =	strace $0x8FFFFFFF  }
0x95: {  	s16 =	sld [smem:$0x3FDB];
	_ =	sdelay $0x1  }
0x96: {  	s17 =	simm.s32 $_scs_section_size  }
0x97: {  	s2 =	simm.s32 $_size__tile_overlayer_lowered;
	s3 =	simm.s32 $_tile_overlayer_lowered  }
0x98: {  	s20 =	simm.s32 $0x1BFF;
	s19 =	sshll.u32 s3, $0x1;
	s0 =	sadd.s32 s17, s16  }
0x99: {  	s4 =	simm.s32 $0x0;
	s18 =	sshll.u32 s2, $0x1;
	s2 =	sadd.s32 s19, s0  }
0x9a: {  	[timem:s4], [sflag:s20] =	dma.local [hbm:s2], s18  }
0x9b: {  	_ =	swait.ge [sflag:s20], s18  }
0x9c: {  	s1 =	ssub.s32 $0x0, s18;
	[sflag:s20] =	ssyncset.done $0x0  }
0x9d: {  	[sflag:s20] =	ssyncadd.s32 s1;
	_ =	sdelay $0x1  }
0x9e: {  	s21 =	simm.s32 $0x1B8B  }
0x9f: {  	_ =	swait.ge [sflag:s21], $0x1  }
0xa0: {  	[sflag:s21] =	ssyncset.done $0x0  }
0xa1: {  	s23 =	simm.s32 $0x1B8E;
	s22 =	sld [smem:$0x3FFE];
	[sflag:s21] =	ssyncadd.s32 $0xFFFFFFFF  }
0xa2: {  	s24 =	simm.s32 $execute0_lowered;
	[smem:$0x3FD2] =	sst s23  }
0xa3: {  	s2 =	sshll.u32 s24, $0x1;
	_ =	strace $0x80000049;
	[dreg:$0x1] =	wrdreg $0xFFFFFFFF  }
0xa4: {  	s25 =	simm.s32 $_size_execute0_lowered;
	s0 =	sadd.s32 s0, s2;
	[dreg:$0x0] =	wrdreg $0x0  }
0xa5: {  	s2 =	sshll.u32 s25, $0x1;
	[dreg:$0x2] =	wrdreg s0  }
0xa6: {  	[dreg:$0x3] =	wrdreg s2  }
0xa7: {  	[dreg:$0x4] =	wrdreg $0xC0  }
0xa8: {  	_ =	task [dreg:s4], $0x5FFFF  }
0xa9: {  	[dreg:$0x1] =	wrdreg $0xFFFFFFFF  }
0xaa: {  	[dreg:$0x0] =	wrdreg $0x60  }
0xab: {  	[dreg:$0x2] =	wrdreg s22  }
0xac: {  	[dreg:$0x3] =	wrdreg $0x9  }
0xad: {  	_ =	task.clear_ibuf [dreg:s4], $0x4FFFF;
	_ =	strace $0x90000049  }
0xae: {  	s26 =	simm.s32 $0x9;
	_ =	strace $0x8000004B  }
0xaf: {  	_ =	swait.ge [sflag:s26], $0x1  }
0xb0: {  	[sflag:s26] =	ssyncadd.s32 $0xFFFFFFFF  }
0xb1: {  	_ =	strace $0x9000004B  }
0xb2: {  	_ =	sfence  }
0xb3: {  	s28 =	sld [smem:$0x0];
	_ =	sdelay $0x1  }
0xb4: {  	s29 =	srdreg.scid  }
0xb5: {  	s30 =	sshll.u32 s29, $0xD;
	s31 =	sshrl.u32 s29, $0x2  }
0xb6: {  	s1 =	sand.u32 $0x1, s29;
	s2 =	sand.u32 $0x4000, s30;
	s0 =	sadd.s32 s31, s28  }
0xb7: {  	s1 =	sor.u32 s2, s1;
	s0 =	sshll.u32 s0, $0x11  }
0xb8: {  	s0 =	sor.u32 s0, s1  }
0xb9: {  	s0 =	sadd.s32 $0x8F2B, s0  }
0xba: {  	[sflag:s0] =	ssyncadd.remote.s32 $0x1  }
0xbb: {  	_ =	sfence.sel $0xFFFF  }
0xbc: {  	[dreg:$0x0] =	wrdreg $0xFFFFFFFF;
	(pc) =	sbr.abs _section_cstart, $3  }
0xbd: {  	[dreg:$0x1] =	wrdreg $0xFFFFFFFF  }
0xbe: {  	_ =	task.clear_ibuf [dreg:s4], $0x2FFFF;
	_ =	strace $0x9FFFFFFF  }
0xbf: {  	(tm) =	ssettm $0x7FFFFFFF  }
tec
execute0_lowered:
.L_overlay_start_1:
0x0: {  	(tag) =	ssettag $0x1  }
0x1: {  	s7 =	rddreg [dreg:$0x0]  }
0x2: {  	s0 =	rddreg [dreg:$0x1];
	_ =	strace $0x8000004A  }
0x3: {  	s3 =	stileid.u32;
	s4 =	simm.s32 $0x3E;
	s1 =	sadd.s32 $0x22000, s7  }
0x4: {  	p0 =	sne.s32 s3, $0x0;
	[sflag:s4] =	ssyncpa.u1 $0x0;
	s29 =	smin.u32 s3, $0x8  }
0x5: {  	s30 =	sshll.u32 s3, $0x1;
	s2 =	simm.s32 @!p0 $0x1C3E;
	s5 =	simm.s32 @!p0 $0x0  }
0x6: {  	[spmem:s5], [sflag:s2] =	dma.local @!p0 [hbm:s1], $0x200  }
0x7: {  	s2 =	sadd.s32 s29, s30  }
0x8: {  	p1 =	slt.u32 s3, $0x8;
	s3 =	simm.s32 $0x5DC0;
	s2 =	smul.u32 $0x1F40, s2  }
0x9: {  	s3 =	simm.s32 @!p1 $0x3E80  }
0xa: {  	s3 =	sadd.s32 s3, s2  }
0xb: {  	s3 =	smin.u32 s3, $0x4E200  }
0xc: {  	s8 =	ssub.s32 s3, s2  }
0xd: {  	p1 =	sgt.s32 s8, $0x0  }
0xe: {  	s8 =	simm.s32 @!p1 $0x0  }
0xf: {  	s5 =	simm.s32 @!p0 $0x3E;
	s31 =	smulhi.u32 $0x10624DD3, s8  }
0x10: {  	_ =	swait.ge @!p0 [sflag:s5], $0x200  }
0x11: {  	s6 =	simm.s32 $0x2;
	[sflag:s5] =	ssyncset.done @!p0 $0x0;
	s9 =	sshrl.u32 s31, $0x9  }
0x12: {  	s11 =	simm.s32 $0x0;
	[sflag:s5] =	ssyncadd.s32 @!p0 $0xFFFFFE00;
	s10 =	smul.u32 $0x1F40, s9  }
.Ltmp0:
0x13: {  	s5 =	sadd.s32 $0x15000, s7;
	[bflag:$0x0] =	sbarrier.arrive $0xFFFF;
	(pc) =	sbr.rel .LBB2_1-.Ltmp0, $4  }
0x14: {  	s7 =	sadd.s32 $0x28E00, s7;
	[sflag:s4] =	ssyncpa.u1 $0x1;
	s4 =	simm.s32 $0x1  }
0x15: {  	[sflag:s4] =	ssyncpa.u1 $0x0;
	p1 =	sne.s32 s8, s10;
	s8 =	simm.s32 $0x1  }
0x16: {  	(ifvalue) =	ssetifvalue $0x1000;
	[sflag:s6] =	ssyncpa.u1 $0x0;
	s8 =	simm.s32 @!p1 $0x0  }
0x17: {  	vm0 =	vmmov $0xffff;
	s10 =	smov.u32 s2;
	s8 =	sadd.s32 s8, s9;
	s9 =	simm.s32 $0x0  }
.LBB2_5:
0x18: {  	p2 =	sne.s32 s11, s8  }
.Ltmp1:
0x19: {  	_ = 	snop;
	(pc) =	sbr.rel @!p2 .LBB2_6-.Ltmp1, $4  }
0x1a: {  	_ = 	snop  }
0x1b: {  	s12 =	sadd.s32 $0x1F40, s10  }
0x1c: {  	s10 =	smov.u32 s2;
	s13 =	sadd.s32 $0x1, s11;
	p1 =	slt.s32 s12, s3  }
0x1d: {  	s11 =	smov.u32 s13;
	s10 =	smov.u32 @p1 s12  }
.LBB2_1:
0x1e: {  	p1 =	sge.u32 s11, s8  }
0x1f: {  	s12 =	sxor.u32 @!p1 $0xFFFFFFFF, s11  }
0x20: {  	s12 =	sand.u32 @!p1 $0x1, s12  }
0x21: {  	s12 =	smul.u32 @!p1 $0x1F40, s12  }
0x22: {  	s13 =	sshrl.u32 @!p1 s10, $0x3  }
0x23: {  	s16 =	sand.u32 @!p1 $0x7, s10;
	s14 =	sadd.s32 @!p1 s5, s13;
	s15 =	sadd.s32 @!p1 $0x100, s12  }
0x24: {  	[tilespmem:s15], [sflag:$0x2] =	stream.linear.gather @!p1 [hbm4b:s14+s16], $0x1F40, $0x38;
	[tilespmem:$0x7E00] =	vst v63  }
0x25: {  	s13 =	sadd.s32 @!p1 s7, s13;
	s12 =	sadd.s32 @!p1 $0x3F80, s12  }
0x26: {  	[tilespmem:s12], [sflag:$0x2] =	stream.linear.gather @!p1 [hbm4b:s13+s16], $0x1F40, $0x38;
	[tilespmem:$0x7E00] =	vst v63  }
0x27: {  	p1 =	seq.s32 s11, $0x0  }
.Ltmp2:
0x28: {  	_ = 	snop;
	(pc) =	sbr.rel @p1 .LBB2_5-.Ltmp2, $1  }
0x29: {  	_ =	sdelay $0x3  }
0x2a: {  	s12 =	sand.u32 $0x1, s11  }
0x2b: {  	_ =	swait.ge [sflag:s6], $0x3E80;
	p1 =	seq.s32 s12, $0x1;
	s12 =	simm.s32 $0x1F40  }
0x2c: {  	[sflag:s6] =	ssyncset.done $0x0;
	s12 =	simm.s32 @!p1 $0x0  }
0x2d: {  	[sflag:s6] =	ssyncadd.s32 $0xFFFFC180;
	s14 =	sadd.s32 $0x100, s12  }
0x2e: {  	v0 =	vld.msk [tilespmem:s14+$0x0 ss:$0x1], $0xffff;
	_ =	sdelay $0x4  }
0x2f: {  	v0 =	vmin.u32 v0, $0x1000;
	_ =	sdelay $0x3  }
0x30: {  	s13 =	simm.s32 $0x0;
	s12 =	sadd.s32 $0x3F80, s12;
	s14 =	sadd.s32 $0x10, s14  }
0x31: {  	[spmem:s9] =	stream.indirect_vreg.scatter.add.s32 [tilespmem:s12], [sflag:$0x1], $0x1, v0, vm0, $0x4038;
	[tilespmem:$0x7E00] =	vst v63  }
.LBB2_3:
0x32: {  	v0 =	vld.msk [tilespmem:s14+$0x0 ss:$0x1], $0xffff;
	s13 =	sadd.s32 $0x10, s13  }
0x33: {  	p1 =	slt.u32 s13, $0x1F30;
	_ =	sdelay $0x4  }
0x34: {  	v0 =	vmin.u32 v0, $0x1000  }
.Ltmp3:
0x35: {  	(pc) =	sbr.rel @p1 .LBB2_3-.Ltmp3, $3  }
0x36: {  	_ =	sdelay $0x1  }
0x37: {  	s14 =	sadd.s32 $0x10, s14;
	s12 =	sadd.s32 $0x10, s12  }
0x38: {  	[spmem:s9] =	stream.indirect_vreg.scatter.add.s32 [tilespmem:s12], [sflag:$0x1], $0x1, v0, vm0, $0x4038;
	[tilespmem:$0x7E00] =	vst v63  }
.Ltmp4:
0x39: {  	(pc) =	sbr.rel .LBB2_5-.Ltmp4, $4  }
0x3a: {  	_ = 	snop  }
0x3b: {  	_ =	swait.ge [sflag:s4], $0x1F40  }
0x3c: {  	[sflag:s4] =	ssyncset.done $0x0  }
0x3d: {  	[sflag:s4] =	ssyncadd.s32 $0xFFFFE0C0  }
.LBB2_6:
0x3e: {  	_ =	sfence.sel $0x180000  }
0x3f: {  	s2 =	simm.s32 $0x2;
	[bflag:$0x0] =	sbarrier.arrive $0xFFFF  }
0x40: {  	s30 =	simm.s32 $0x1;
	[sflag:s2] =	ssyncpa.u1 $0x1  }
0x41: {  	[sflag:s30] =	ssyncpa.u1 $0x1  }
0x42: {  	_ =	sfence.stream.spmem  }
0x43: {  	s31 =	simm.s32 $0x3D;
	[bflag:$0x0] =	sbarrier.arrive $0xFFFF  }
0x44: {  	s2 =	simm.s32 @p0 $0x3D;
	[sflag:s31] =	ssyncpa.u1 $0x0  }
0x45: {  	[sflag:s2] =	ssyncpa.u1 @p0 $0x1  }
0x46: {  	[bflag:$0x0] =	sbarrier.arrive @p0 $0xFFFF  }
0x47: {  	_ =	strace @p0 $0x9000004A  }
0x48: {  	s3 =	simm.s32 @!p0 $0x1C3D;
	s2 =	simm.s32 @!p0 $0x0;
	[bflag:$0x2] =	sbarrier.arrive @p0 $0xFFFF  }
0x49: {  	[hbm:s1], [sflag:s3] =	dma.local @!p0 [spmem:s2], $0x200  }
0x4a: {  	s1 =	simm.s32 @!p0 $0x3D  }
0x4b: {  	_ =	swait.ge @!p0 [sflag:s1], $0x200  }
0x4c: {  	[sflag:s1] =	ssyncset.done @!p0 $0x0  }
0x4d: {  	[sflag:s1] =	ssyncadd.s32 @!p0 $0xFFFFFE00  }
0x4e: {  	[sflag:s1] =	ssyncpa.u1 @!p0 $0x1  }
0x4f: {  	[bflag:$0x0] =	sbarrier.arrive @!p0 $0xFFFF  }
0x50: {  	_ =	strace @!p0 $0x9000004A  }
0x51: {  	s0 =	sadd.s32 @!p0 $0x100000, s0;
	[bflag:$0x2] =	sbarrier.arrive @!p0 $0xFFFF  }
0x52: {  	[sflag:s0] =	ssyncadd.tile.s32 @!p0 $0x1;
	_ =	shalt  }
.Lfunc_end2:
_tile_overlayer_lowered:
.L_overlay_start_2:
0x53: {  	(tag) =	ssettag $0x2  }
0x54: {  	s0 =	rddreg [dreg:$0x0];
	s2 =	stileid.u32  }
0x55: {  	s1 =	rddreg [dreg:$0x1];
	p0 =	sne.s32 s2, $0x0  }
0x56: {  	s3 =	rddreg [dreg:$0x2];
	[bflag:$0x3] =	sbarrier.arrive $0xFFFF;
	s2 =	simm.s32 @!p0 $0x1C01  }
0x57: {  	[timem:s3], [sflag:s2] =	dma.local @!p0 [hbm:s0], s1  }
0x58: {  	s0 =	simm.s32 @!p0 $0x1  }
0x59: {  	_ =	swait.ge @!p0 [sflag:s0], s1  }
0x5a: {  	s1 =	ssub.s32 @!p0 $0x0, s1;
	[sflag:s0] =	ssyncset.done @!p0 $0x0  }
0x5b: {  	[sflag:s0] =	ssyncadd.s32 @!p0 s1  }
0x5c: {  	[bflag:$0x3] =	sbarrier.arrive $0xFFFF  }
0x5d: {  	_ =	shalt  }

// kernel: scatter_offload_async_start
scs
__scs_entry_jumppad:
0x0: {  	(pc) =	sbr.rel $0x88, $3  }
0x1: {  	(tag) =	ssettag $0x0;
	lr =	simm.s32 $0x1  }
0x2: {  	[smem:$0x3F8C] =	sst lr;
	_ =	strace $0xD0000000  }
0x3: {  	_ = 	snop  }
0x4: {  	_ = 	snop  }
0x5: {  	_ = 	snop  }
0x6: {  	_ = 	snop  }
0x7: {  	_ = 	snop  }
__scs_overlays_trampoline_lowered:
0x8: {  	[smem:$0x3F9B] =	sst s0  }
0x9: {  	[smem:$0x3F9C] =	sst s1  }
0xa: {  	[smem:$0x3F9D] =	sst s2  }
0xb: {  	[smem:$0x3F9E] =	sst s3  }
0xc: {  	[smem:$0x3F9F] =	sst s4  }
0xd: {  	[smem:$0x3FA0] =	sst s5  }
0xe: {  	[smem:$0x3FA1] =	sst s6  }
0xf: {  	[smem:$0x3FA2] =	sst s7  }
0x10: {  	[smem:$0x3FA3] =	sst s8  }
0x11: {  	[smem:$0x3FA4] =	sst s9;
	s0 =	simm.s32 @!p0 $0x0  }
0x12: {  	s1 =	sld [smem:$0x3F8A];
	s0 =	simm.s32 @p0 $0x1  }
0x13: {  	[smem:$0x3FA5] =	sst s0;
	s0 =	simm.s32 @!p1 $0x0  }
0x14: {  	s2 =	sld [smem:$0x3F89];
	s0 =	simm.s32 @p1 $0x1  }
0x15: {  	[smem:$0x3FA6] =	sst s0;
	s0 =	simm.s32 @!p2 $0x0  }
0x16: {  	s3 =	sld [smem:$0x3FDB];
	s0 =	simm.s32 @p2 $0x1  }
0x17: {  	s4 =	simm.s32 $0x1BF5;
	[smem:$0x3FA8] =	sst s0  }
0x18: {  	s0 =	sld [smem:$0x3F8B];
	_ =	swait.ge [sflag:s4], $0x0  }
0x19: {  	s7 =	sld [smem:$0x3F8C]  }
0x1a: {  	s8 =	sadd.s32 $0xFFFFE003, lr  }
0x1b: {  	s9 =	sadd.s32 $0xFFFFFEF7, lr;
	s5 =	simm.s32 $0xFFFFFFFF;
	p2 =	slt.u32 s8, $0xFFFFF086  }
0x1c: {  	p1 =	slt.u32 s9, $0xF7A;
	s5 =	simm.s32 @!p2 $0x0  }
0x1d: {  	s5 =	simm.s32 @p1 $0x1;
	p0 =	seq.s32 s7, s2  }
0x1e: {  	s7 =	smul.u32 @!p0 $0xF7A, s2;
	p2 =	seq.s32 @!p0 s5, $0x0  }
0x1f: {  	s9 =	smul.u32 $0xF7A, s1;
	s8 =	simm.s32 @!p0 $0x1BF5;
	p2 =	por !p2, p0  }
0x20: {  	[sflag:s8] =	ssyncset.s32 @!p0 $0xFFFFF086;
	s6 =	sadd.s32 @!p0 s3, s7;
	s7 =	simm.s32 @!p0 $0x108  }
0x21: {  	s3 =	sadd.s32 s3, s9;
	s6 =	sadd.s32 @!p0 $0x88, s6;
	s7 =	simm.s32 @p2 $0x1082  }
0x22: {  	[simem:s7], [sflag:s8] =	dma.local @!p0 [hbm:s6], $0xF7A  }
0x23: {  	s9 =	sor.u32 $0xD0000000, s2;
	s6 =	simm.s32 $0x108;
	_ =	swait.ge @!p0 [sflag:s8], $0x0  }
0x24: {  	s3 =	sadd.s32 $0x88, s3;
	s6 =	simm.s32 @!p1 $0x1082;
	[sflag:s4] =	ssyncset.s32 $0xFFFFF086  }
0x25: {  	[simem:s6], [sflag:s4] =	dma.local [hbm:s3], $0xF7A  }
0x26: {  	[smem:$0x3F8C] =	sst s1;
	(tag) =	ssettag s2;
	_ =	strace s9  }
0x27: {  	s1 =	sld [smem:$0x3F9C]  }
0x28: {  	s2 =	sld [smem:$0x3F9D]  }
0x29: {  	s4 =	sld [smem:$0x3F9F]  }
0x2a: {  	p0 =	seq.s32 s5, $0x0;
	s5 =	sld [smem:$0x3FA0]  }
0x2b: {  	s6 =	sld [smem:$0x3FA1]  }
0x2c: {  	s7 =	sld [smem:$0x3FA2]  }
0x2d: {  	s3 =	simm.s32 $0x108;
	s8 =	sld [smem:$0x3FA3]  }
0x2e: {  	s3 =	simm.s32 @!p0 $0x1082;
	s9 =	sld [smem:$0x3FA4]  }
0x2f: {  	lr =	sadd.s32 s0, s3;
	s0 =	sld [smem:$0x3F9B]  }
0x30: {  	s3 =	sld [smem:$0x3F9E]  }
0x31: {  	[smem:$0x3FA7] =	sst s10  }
0x32: {  	s10 =	sld [smem:$0x3FA5];
	_ =	sdelay $0x3  }
0x33: {  	p0 =	seq.s32 s10, $0x1;
	s10 =	sld [smem:$0x3FA7];
	_ =	sdelay $0x3  }
0x34: {  	[smem:$0x3FA7] =	sst s10  }
0x35: {  	s10 =	sld [smem:$0x3FA6];
	_ =	sdelay $0x3  }
0x36: {  	p1 =	seq.s32 s10, $0x1;
	s10 =	sld [smem:$0x3FA7];
	_ =	sdelay $0x3  }
0x37: {  	[smem:$0x3FA7] =	sst s10  }
0x38: {  	s10 =	sld [smem:$0x3FA8]  }
0x39: {  	_ = 	snop;
	(pc) =	sbr.ind lr, $3  }
0x3a: {  	_ = 	snop  }
0x3b: {  	_ = 	snop  }
0x3c: {  	p2 =	seq.s32 s10, $0x1;
	s10 =	sld [smem:$0x3FA7]  }
0x3d: {  	_ =	shalt  }
0x3e: {  	_ =	shalt  }
0x3f: {  	_ =	shalt  }
0x40: {  	_ =	shalt  }
0x41: {  	_ =	shalt  }
0x42: {  	_ =	shalt  }
0x43: {  	_ =	shalt  }
0x44: {  	_ =	shalt  }
0x45: {  	_ =	shalt  }
0x46: {  	_ =	shalt  }
0x47: {  	_ =	shalt  }
0x48: {  	_ =	shalt  }
0x49: {  	_ =	shalt  }
0x4a: {  	_ =	shalt  }
0x4b: {  	_ =	shalt  }
0x4c: {  	_ =	shalt  }
0x4d: {  	_ =	shalt  }
0x4e: {  	_ =	shalt  }
0x4f: {  	_ =	shalt  }
0x50: {  	_ =	shalt  }
0x51: {  	_ =	shalt  }
0x52: {  	_ =	shalt  }
0x53: {  	_ =	shalt  }
0x54: {  	_ =	shalt  }
0x55: {  	_ =	shalt  }
0x56: {  	_ =	shalt  }
0x57: {  	_ =	shalt  }
0x58: {  	_ =	shalt  }
0x59: {  	_ =	shalt  }
0x5a: {  	_ =	shalt  }
0x5b: {  	_ =	shalt  }
0x5c: {  	_ =	shalt  }
0x5d: {  	_ =	shalt  }
0x5e: {  	_ =	shalt  }
0x5f: {  	_ =	shalt  }
0x60: {  	_ =	shalt  }
0x61: {  	_ =	shalt  }
0x62: {  	_ =	shalt  }
0x63: {  	_ =	shalt  }
0x64: {  	_ =	shalt  }
0x65: {  	_ =	shalt  }
0x66: {  	_ =	shalt  }
0x67: {  	_ =	shalt  }
0x68: {  	_ =	shalt  }
0x69: {  	_ =	shalt  }
0x6a: {  	_ =	shalt  }
0x6b: {  	_ =	shalt  }
0x6c: {  	_ =	shalt  }
0x6d: {  	_ =	shalt  }
0x6e: {  	_ =	shalt  }
0x6f: {  	_ =	shalt  }
0x70: {  	_ =	shalt  }
0x71: {  	_ =	shalt  }
0x72: {  	_ =	shalt  }
0x73: {  	_ =	shalt  }
0x74: {  	_ =	shalt  }
0x75: {  	_ =	shalt  }
0x76: {  	_ =	shalt  }
0x77: {  	_ =	shalt  }
0x78: {  	_ =	shalt  }
0x79: {  	_ =	shalt  }
0x7a: {  	_ =	shalt  }
0x7b: {  	_ =	shalt  }
0x7c: {  	_ =	shalt  }
0x7d: {  	_ =	shalt  }
0x7e: {  	_ =	shalt  }
0x7f: {  	_ =	shalt  }
0x80: {  	_ =	shalt  }
0x81: {  	_ =	shalt  }
0x82: {  	_ =	shalt  }
0x83: {  	_ =	shalt  }
0x84: {  	_ =	shalt  }
0x85: {  	_ =	shalt  }
0x86: {  	_ =	shalt  }
0x87: {  	_ =	shalt  }
.Lfunc_end0:
.L_simem_size_0:
called_computation_lowered:
.L_overlay_start_0:
0x88: {  	s0 =	sld [smem:$0x3FD9]  }
0x89: {  	s1 =	sld [smem:$0x3FFE];
	_ =	sdelay $0x3  }
0x8a: {  	s0 =	sadd.s32 s1, s0  }
0x8b: {  	[smem:$0x3FB3] =	sst s0  }
0x8c: {  	_ = 	snop  }
0x8d: {  	(tm) =	ssettm $0x1  }
0x8e: {  	s15 =	sld [smem:$0x3FFB];
	_ =	sdelay $0x3  }
0x8f: {  	_ =	strace s15  }
0x90: {  	s0 =	sld [smem:$0x3FFC];
	_ =	sdelay $0x3  }
0x91: {  	_ =	strace s0  }
0x92: {  	s0 =	sld [smem:$0x3FFD];
	_ =	sdelay $0x3  }
0x93: {  	_ =	strace s0  }
0x94: {  	_ =	strace $0x8FFFFFFF  }
0x95: {  	s16 =	sld [smem:$0x3FDB];
	_ =	sdelay $0x1  }
0x96: {  	s17 =	simm.s32 $_scs_section_size  }
0x97: {  	s2 =	simm.s32 $_size__tile_overlayer_lowered;
	s3 =	simm.s32 $_tile_overlayer_lowered  }
0x98: {  	s20 =	simm.s32 $0x1BFF;
	s19 =	sshll.u32 s3, $0x1;
	s0 =	sadd.s32 s17, s16  }
0x99: {  	s4 =	simm.s32 $0x0;
	s18 =	sshll.u32 s2, $0x1;
	s2 =	sadd.s32 s19, s0  }
0x9a: {  	[timem:s4], [sflag:s20] =	dma.local [hbm:s2], s18  }
0x9b: {  	_ =	swait.ge [sflag:s20], s18  }
0x9c: {  	s1 =	ssub.s32 $0x0, s18;
	[sflag:s20] =	ssyncset.done $0x0  }
0x9d: {  	[sflag:s20] =	ssyncadd.s32 s1;
	_ =	sdelay $0x1  }
0x9e: {  	s21 =	simm.s32 $0x1B8B  }
0x9f: {  	_ =	swait.ge [sflag:s21], $0x1  }
0xa0: {  	[sflag:s21] =	ssyncset.done $0x0  }
0xa1: {  	s23 =	simm.s32 $0x1B8E;
	s22 =	sld [smem:$0x3FFE];
	[sflag:s21] =	ssyncadd.s32 $0xFFFFFFFF  }
0xa2: {  	s24 =	simm.s32 $execute0_lowered;
	[smem:$0x3FD2] =	sst s23  }
0xa3: {  	s2 =	sshll.u32 s24, $0x1;
	_ =	strace $0x80000046;
	[dreg:$0x1] =	wrdreg $0xFFFFFFFF  }
0xa4: {  	s25 =	simm.s32 $_size_execute0_lowered;
	s0 =	sadd.s32 s0, s2;
	[dreg:$0x0] =	wrdreg $0x0  }
0xa5: {  	s2 =	sshll.u32 s25, $0x1;
	[dreg:$0x2] =	wrdreg s0  }
0xa6: {  	[dreg:$0x3] =	wrdreg s2  }
0xa7: {  	[dreg:$0x4] =	wrdreg $0xC0  }
0xa8: {  	_ =	task [dreg:s4], $0x5FFFF  }
0xa9: {  	[dreg:$0x1] =	wrdreg $0xFFFFFFFF  }
0xaa: {  	[dreg:$0x0] =	wrdreg $0x60  }
0xab: {  	[dreg:$0x2] =	wrdreg s22  }
0xac: {  	[dreg:$0x3] =	wrdreg $0x9  }
0xad: {  	_ =	task.clear_ibuf [dreg:s4], $0x4FFFF;
	_ =	strace $0x90000046  }
0xae: {  	s26 =	simm.s32 $0x9;
	_ =	strace $0x80000048  }
0xaf: {  	_ =	swait.ge [sflag:s26], $0x1  }
0xb0: {  	[sflag:s26] =	ssyncadd.s32 $0xFFFFFFFF  }
0xb1: {  	_ =	strace $0x90000048  }
0xb2: {  	_ =	sfence  }
0xb3: {  	s28 =	sld [smem:$0x0];
	_ =	sdelay $0x1  }
0xb4: {  	s29 =	srdreg.scid  }
0xb5: {  	s30 =	sshll.u32 s29, $0xD;
	s31 =	sshrl.u32 s29, $0x2  }
0xb6: {  	s1 =	sand.u32 $0x1, s29;
	s2 =	sand.u32 $0x4000, s30;
	s0 =	sadd.s32 s31, s28  }
0xb7: {  	s1 =	sor.u32 s2, s1;
	s0 =	sshll.u32 s0, $0x11  }
0xb8: {  	s0 =	sor.u32 s0, s1  }
0xb9: {  	s0 =	sadd.s32 $0x8F2B, s0  }
0xba: {  	[sflag:s0] =	ssyncadd.remote.s32 $0x1  }
0xbb: {  	_ =	sfence.sel $0xFFFF  }
0xbc: {  	[dreg:$0x0] =	wrdreg $0xFFFFFFFF;
	(pc) =	sbr.abs _section_cstart, $3  }
0xbd: {  	[dreg:$0x1] =	wrdreg $0xFFFFFFFF  }
0xbe: {  	_ =	task.clear_ibuf [dreg:s4], $0x2FFFF;
	_ =	strace $0x9FFFFFFF  }
0xbf: {  	(tm) =	ssettm $0x7FFFFFFF  }
tec
execute0_lowered:
.L_overlay_start_1:
0x0: {  	(tag) =	ssettag $0x1  }
0x1: {  	s7 =	rddreg [dreg:$0x0]  }
0x2: {  	s0 =	rddreg [dreg:$0x1];
	_ =	strace $0x80000047  }
0x3: {  	s3 =	stileid.u32;
	s4 =	simm.s32 $0x3E;
	s1 =	sadd.s32 $0x28C00, s7  }
0x4: {  	p0 =	sne.s32 s3, $0x0;
	[sflag:s4] =	ssyncpa.u1 $0x0;
	s29 =	smin.u32 s3, $0x8  }
0x5: {  	s30 =	sshll.u32 s3, $0x1;
	s2 =	simm.s32 @!p0 $0x1C3E;
	s5 =	simm.s32 @!p0 $0x0  }
0x6: {  	[spmem:s5], [sflag:s2] =	dma.local @!p0 [hbm:s1], $0x40  }
0x7: {  	s2 =	sadd.s32 s29, s30  }
0x8: {  	p1 =	slt.u32 s3, $0x8;
	s3 =	simm.s32 $0x5DC0;
	s2 =	smul.u32 $0x1F40, s2  }
0x9: {  	s3 =	simm.s32 @!p1 $0x3E80  }
0xa: {  	s3 =	sadd.s32 s3, s2  }
0xb: {  	s3 =	smin.u32 s3, $0x4E200  }
0xc: {  	s8 =	ssub.s32 s3, s2  }
0xd: {  	p1 =	sgt.s32 s8, $0x0  }
0xe: {  	s8 =	simm.s32 @!p1 $0x0  }
0xf: {  	s5 =	simm.s32 @!p0 $0x3E;
	s31 =	smulhi.u32 $0x10624DD3, s8  }
0x10: {  	_ =	swait.ge @!p0 [sflag:s5], $0x40  }
0x11: {  	s6 =	simm.s32 $0x2;
	[sflag:s5] =	ssyncset.done @!p0 $0x0;
	s9 =	sshrl.u32 s31, $0x9  }
0x12: {  	s11 =	simm.s32 $0x0;
	[sflag:s5] =	ssyncadd.s32 @!p0 $0xFFFFFFC0;
	s10 =	smul.u32 $0x1F40, s9  }
.Ltmp0:
0x13: {  	s5 =	sadd.s32 $0x1EE00, s7;
	[bflag:$0x0] =	sbarrier.arrive $0xFFFF;
	(pc) =	sbr.rel .LBB2_1-.Ltmp0, $4  }
0x14: {  	s7 =	sadd.s32 $0x28E00, s7;
	[sflag:s4] =	ssyncpa.u1 $0x1;
	s4 =	simm.s32 $0x1  }
0x15: {  	[sflag:s4] =	ssyncpa.u1 $0x0;
	p1 =	sne.s32 s8, s10;
	s8 =	simm.s32 $0x1  }
0x16: {  	(ifvalue) =	ssetifvalue $0x200;
	[sflag:s6] =	ssyncpa.u1 $0x0;
	s8 =	simm.s32 @!p1 $0x0  }
0x17: {  	vm0 =	vmmov $0xffff;
	s10 =	smov.u32 s2;
	s8 =	sadd.s32 s8, s9;
	s9 =	simm.s32 $0x0  }
.LBB2_5:
0x18: {  	p2 =	sne.s32 s11, s8  }
.Ltmp1:
0x19: {  	_ = 	snop;
	(pc) =	sbr.rel @!p2 .LBB2_6-.Ltmp1, $4  }
0x1a: {  	_ = 	snop  }
0x1b: {  	s12 =	sadd.s32 $0x1F40, s10  }
0x1c: {  	s10 =	smov.u32 s2;
	s13 =	sadd.s32 $0x1, s11;
	p1 =	slt.s32 s12, s3  }
0x1d: {  	s11 =	smov.u32 s13;
	s10 =	smov.u32 @p1 s12  }
.LBB2_1:
0x1e: {  	p1 =	sge.u32 s11, s8  }
0x1f: {  	s12 =	sxor.u32 @!p1 $0xFFFFFFFF, s11  }
0x20: {  	s12 =	sand.u32 @!p1 $0x1, s12  }
0x21: {  	s12 =	smul.u32 @!p1 $0x1F40, s12  }
0x22: {  	s13 =	sshrl.u32 @!p1 s10, $0x3  }
0x23: {  	s16 =	sand.u32 @!p1 $0x7, s10;
	s14 =	sadd.s32 @!p1 s5, s13;
	s15 =	sor.u32 @!p1 $0x20, s12  }
0x24: {  	[tilespmem:s15], [sflag:$0x2] =	stream.linear.gather @!p1 [hbm4b:s14+s16], $0x1F40, $0x38;
	[tilespmem:$0x7D20] =	vst v63  }
0x25: {  	s13 =	sadd.s32 @!p1 s7, s13;
	s12 =	sadd.s32 @!p1 $0x3EA0, s12  }
0x26: {  	[tilespmem:s12], [sflag:$0x2] =	stream.linear.gather @!p1 [hbm4b:s13+s16], $0x1F40, $0x38;
	[tilespmem:$0x7D20] =	vst v63  }
0x27: {  	p1 =	seq.s32 s11, $0x0  }
.Ltmp2:
0x28: {  	_ = 	snop;
	(pc) =	sbr.rel @p1 .LBB2_5-.Ltmp2, $1  }
0x29: {  	_ =	sdelay $0x3  }
0x2a: {  	s12 =	sand.u32 $0x1, s11  }
0x2b: {  	_ =	swait.ge [sflag:s6], $0x3E80;
	p1 =	seq.s32 s12, $0x1;
	s12 =	simm.s32 $0x1F40  }
0x2c: {  	[sflag:s6] =	ssyncset.done $0x0;
	s12 =	simm.s32 @!p1 $0x0  }
0x2d: {  	[sflag:s6] =	ssyncadd.s32 $0xFFFFC180;
	s14 =	sor.u32 $0x20, s12  }
0x2e: {  	v0 =	vld.msk [tilespmem:s14+$0x0 ss:$0x1], $0xffff;
	_ =	sdelay $0x4  }
0x2f: {  	v0 =	vmin.u32 v0, $0x200;
	_ =	sdelay $0x3  }
0x30: {  	s13 =	simm.s32 $0x0;
	s12 =	sadd.s32 $0x3EA0, s12;
	s14 =	sadd.s32 $0x10, s14  }
0x31: {  	[spmem:s9] =	stream.indirect_vreg.scatter.add.s32 [tilespmem:s12], [sflag:$0x1], $0x1, v0, vm0, $0x4038;
	[tilespmem:$0x7D20] =	vst v63  }
.LBB2_3:
0x32: {  	v0 =	vld.msk [tilespmem:s14+$0x0 ss:$0x1], $0xffff;
	s13 =	sadd.s32 $0x10, s13  }
0x33: {  	p1 =	slt.u32 s13, $0x1F30;
	_ =	sdelay $0x4  }
0x34: {  	v0 =	vmin.u32 v0, $0x200  }
.Ltmp3:
0x35: {  	(pc) =	sbr.rel @p1 .LBB2_3-.Ltmp3, $3  }
0x36: {  	_ =	sdelay $0x1  }
0x37: {  	s14 =	sadd.s32 $0x10, s14;
	s12 =	sadd.s32 $0x10, s12  }
0x38: {  	[spmem:s9] =	stream.indirect_vreg.scatter.add.s32 [tilespmem:s12], [sflag:$0x1], $0x1, v0, vm0, $0x4038;
	[tilespmem:$0x7D20] =	vst v63  }
.Ltmp4:
0x39: {  	(pc) =	sbr.rel .LBB2_5-.Ltmp4, $4  }
0x3a: {  	_ = 	snop  }
0x3b: {  	_ =	swait.ge [sflag:s4], $0x1F40  }
0x3c: {  	[sflag:s4] =	ssyncset.done $0x0  }
0x3d: {  	[sflag:s4] =	ssyncadd.s32 $0xFFFFE0C0  }
.LBB2_6:
0x3e: {  	_ =	sfence.sel $0x180000  }
0x3f: {  	s2 =	simm.s32 $0x2;
	[bflag:$0x0] =	sbarrier.arrive $0xFFFF  }
0x40: {  	s30 =	simm.s32 $0x1;
	[sflag:s2] =	ssyncpa.u1 $0x1  }
0x41: {  	[sflag:s30] =	ssyncpa.u1 $0x1  }
0x42: {  	_ =	sfence.stream.spmem  }
0x43: {  	s31 =	simm.s32 $0x3D;
	[bflag:$0x0] =	sbarrier.arrive $0xFFFF  }
0x44: {  	s2 =	simm.s32 @p0 $0x3D;
	[sflag:s31] =	ssyncpa.u1 $0x0  }
0x45: {  	[sflag:s2] =	ssyncpa.u1 @p0 $0x1  }
0x46: {  	[bflag:$0x0] =	sbarrier.arrive @p0 $0xFFFF  }
0x47: {  	_ =	strace @p0 $0x90000047  }
0x48: {  	s3 =	simm.s32 @!p0 $0x1C3D;
	s2 =	simm.s32 @!p0 $0x0;
	[bflag:$0x2] =	sbarrier.arrive @p0 $0xFFFF  }
0x49: {  	[hbm:s1], [sflag:s3] =	dma.local @!p0 [spmem:s2], $0x40  }
0x4a: {  	s1 =	simm.s32 @!p0 $0x3D  }
0x4b: {  	_ =	swait.ge @!p0 [sflag:s1], $0x40  }
0x4c: {  	[sflag:s1] =	ssyncset.done @!p0 $0x0  }
0x4d: {  	[sflag:s1] =	ssyncadd.s32 @!p0 $0xFFFFFFC0  }
0x4e: {  	[sflag:s1] =	ssyncpa.u1 @!p0 $0x1  }
0x4f: {  	[bflag:$0x0] =	sbarrier.arrive @!p0 $0xFFFF  }
0x50: {  	_ =	strace @!p0 $0x90000047  }
0x51: {  	s0 =	sadd.s32 @!p0 $0x100000, s0;
	[bflag:$0x2] =	sbarrier.arrive @!p0 $0xFFFF  }
0x52: {  	[sflag:s0] =	ssyncadd.tile.s32 @!p0 $0x1;
	_ =	shalt  }
.Lfunc_end2:
_tile_overlayer_lowered:
.L_overlay_start_2:
0x53: {  	(tag) =	ssettag $0x2  }
0x54: {  	s0 =	rddreg [dreg:$0x0];
	s2 =	stileid.u32  }
0x55: {  	s1 =	rddreg [dreg:$0x1];
	p0 =	sne.s32 s2, $0x0  }
0x56: {  	s3 =	rddreg [dreg:$0x2];
	[bflag:$0x3] =	sbarrier.arrive $0xFFFF;
	s2 =	simm.s32 @!p0 $0x1C01  }
0x57: {  	[timem:s3], [sflag:s2] =	dma.local @!p0 [hbm:s0], s1  }
0x58: {  	s0 =	simm.s32 @!p0 $0x1  }
0x59: {  	_ =	swait.ge @!p0 [sflag:s0], s1  }
0x5a: {  	s1 =	ssub.s32 @!p0 $0x0, s1;
	[sflag:s0] =	ssyncset.done @!p0 $0x0  }
0x5b: {  	[sflag:s0] =	ssyncadd.s32 @!p0 s1  }
0x5c: {  	[bflag:$0x3] =	sbarrier.arrive $0xFFFF  }
0x5d: {  	_ =	shalt  }

</sc_bundles>
